<compile_context>
chip_gen: v7x
topology: tpu7x:2x2x1
jax: 0.10.2.dev20260603
libtpu: 0.0.44.dev20260713+nightly
codegen_flags: <defaults>
</compile_context>

<pallas_src>
import functools

import jax
import jax.numpy as jnp
from jax import lax
from jax.experimental import pallas as pl
from jax.experimental.pallas import tpu as pltpu
from jax.experimental.pallas import tpu_sc as plsc

NUM_CLASSES = 80
IOU_THRESHOLD = 0.5
N_PROPOSALS = 5000
N_GT = 128
N_TOT = N_PROPOSALS + N_GT
NUM_FG = 128
NUM_BG = 384
NUM_SAMPLES = NUM_FG + NUM_BG

NCH = 16
CHUNK = 384
PAD = NCH * CHUNK
SROWS = 3
ROWW = CHUNK // SROWS
BLK = PAD
GRID = PAD // BLK
CPB = BLK // CHUNK
SH_PAD = NUM_SAMPLES + CHUNK


def _tc_body(pt_ref, gt_ref, gkey_ref, vals_ref, gtc_ref, cnt_ref):
    i = pl.program_id(0)
    px0 = pt_ref[0:1, :]
    py0 = pt_ref[1:2, :]
    px1 = pt_ref[2:3, :]
    py1 = pt_ref[3:4, :]
    gx0 = gt_ref[:, 0:1]
    gy0 = gt_ref[:, 1:2]
    gx1 = gt_ref[:, 2:3]
    gy1 = gt_ref[:, 3:4]
    area1 = (gx1 - gx0) * (gy1 - gy0)
    area2 = (px1 - px0) * (py1 - py0)
    wx = jnp.maximum(jnp.minimum(gx1, px1) - jnp.maximum(gx0, px0), 0.0)
    wy = jnp.maximum(jnp.minimum(gy1, py1) - jnp.maximum(gy0, py0), 0.0)
    inter = wx * wy
    iou = inter / (area1 + area2 - inter)
    vals = jnp.max(iou, axis=0, keepdims=True)
    kmin = jnp.min(jnp.where(iou == vals, gkey_ref[:, 0:1], 1 << 20),
                   axis=0, keepdims=True)
    cls = kmin & 127
    cls = jnp.where(vals >= IOU_THRESHOLD, cls, NUM_CLASSES)
    col = i * BLK + lax.broadcasted_iota(jnp.int32, (1, BLK), 1)
    cls = jnp.where(col < N_TOT, cls, -1)
    vals_ref[...] = vals
    gtc_ref[...] = cls
    posm = ((cls >= 0) & (cls < NUM_CLASSES)).astype(jnp.float32)
    negm = (cls == NUM_CLASSES).astype(jnp.float32)
    pm = jnp.concatenate([posm, negm], axis=0)
    oh = (lax.broadcasted_iota(jnp.int32, (BLK, CPB), 0) // CHUNK
          == lax.broadcasted_iota(jnp.int32, (BLK, CPB), 1)).astype(jnp.float32)
    cnt = lax.dot_general(pm, oh, (((1,), (0,)), ((), ())),
                          preferred_element_type=jnp.float32)
    cnt_ref[...] = cnt.astype(jnp.int32)[None]


def _tc_call(pt, gt, gcls, interpret=False):
    return pl.pallas_call(
        _tc_body,
        grid=(GRID,),
        in_specs=[
            pl.BlockSpec((4, BLK), lambda i: (0, i)),
            pl.BlockSpec((N_GT, 4), lambda i: (0, 0)),
            pl.BlockSpec((N_GT, 1), lambda i: (0, 0)),
        ],
        out_specs=[
            pl.BlockSpec((1, BLK), lambda i: (0, i)),
            pl.BlockSpec((1, BLK), lambda i: (0, i)),
            pl.BlockSpec((1, 2, CPB), lambda i: (i, 0, 0)),
        ],
        out_shape=[
            jax.ShapeDtypeStruct((1, PAD), jnp.float32),
            jax.ShapeDtypeStruct((1, PAD), jnp.int32),
            jax.ShapeDtypeStruct((GRID, 2, CPB), jnp.int32),
        ],
        interpret=interpret,
    )(pt, gt, gcls)


def _sc_body(gtc_hbm, vals_hbm, cnt_hbm, oidx, ocls, oiou,
             gtc_v, vals_v, gidx_v, slots_v, cnt_v, sh_idx, sh_cls, sh_iou,
             sem, sem2):
    sid = lax.axis_index("s")
    cid = lax.axis_index("c")
    base = sid * CHUNK
    csl = pl.ds(base, CHUNK)
    d1 = pltpu.async_copy(gtc_hbm.at[0, csl], gtc_v, sem)
    d2 = pltpu.async_copy(vals_hbm.at[0, csl], vals_v, sem)
    d3 = pltpu.async_copy(cnt_hbm, cnt_v, sem)
    d1.wait()
    d2.wait()
    d3.wait()

    lane = lax.iota(jnp.int32, 16)
    pc = cnt_v[0, 0, pl.ds(0, 16)]
    nc = cnt_v[0, 1, pl.ds(0, 16)]
    m = lane < sid
    zero = jnp.zeros((16,), jnp.int32)
    pbase = jnp.sum(jnp.where(m, pc, zero))
    nbase = jnp.sum(jnp.where(m, nc, zero))
    ptot = jnp.sum(pc)
    ntot = jnp.sum(nc)
    on_fg_core = cid == 0

    scat = []
    for r in range(SROWS):
        for k in range(ROWW // 16):
            off = r * ROWW + k * 16
            sl = pl.ds(off, 16)
            g = gtc_v[sl]
            trash = NUM_SAMPLES + off + lane
            pos = (g >= 0) & (g < NUM_CLASSES)
            neg = g == NUM_CLASSES
            pi = pos.astype(jnp.int32)
            ni = neg.astype(jnp.int32)
            pcs = plsc.cumsum(pi)
            ncs = plsc.cumsum(ni)
            prank = pbase + pcs - pi
            nrank = nbase + ncs - ni
            fg = jnp.where(pos, prank, ptot + nrank)
            bg = jnp.where(neg, nrank, ntot + prank)
            anym = pos | neg
            fg_slot = jnp.where(anym & (fg < NUM_FG), fg, trash)
            bg_slot = jnp.where(anym & (bg < NUM_BG), bg + NUM_FG, trash)
            slots_v[r, pl.ds(k * 16, 16)] = jnp.where(on_fg_core, fg_slot,
                                                      bg_slot)
            gidx_v[sl] = base + off + lane
            pbase = pbase + pcs[15]
            nbase = nbase + ncs[15]
        row = pl.ds(r * ROWW, ROWW)
        scat.append(pltpu.async_copy(gidx_v.at[row],
                                     sh_idx.at[slots_v.at[r]], sem2))
        scat.append(pltpu.async_copy(gtc_v.at[row],
                                     sh_cls.at[slots_v.at[r]], sem2))
        scat.append(pltpu.async_copy(vals_v.at[row],
                                     sh_iou.at[slots_v.at[r]], sem2))
    for d in scat:
        d.wait()

    plsc.subcore_barrier()

    @pl.when((sid == 0) & (cid == 0))
    def _():
        fgr = pl.ds(0, NUM_FG)
        o1 = pltpu.async_copy(sh_idx.at[fgr], oidx.at[fgr], sem)
        o2 = pltpu.async_copy(sh_cls.at[fgr], ocls.at[fgr], sem)
        o3 = pltpu.async_copy(sh_iou.at[fgr], oiou.at[fgr], sem)
        o1.wait()
        o2.wait()
        o3.wait()

    @pl.when((sid == 0) & (cid == 1))
    def _():
        bgr = pl.ds(NUM_FG, NUM_BG)
        o1 = pltpu.async_copy(sh_idx.at[bgr], oidx.at[bgr], sem)
        o2 = pltpu.async_copy(sh_cls.at[bgr], ocls.at[bgr], sem)
        o3 = pltpu.async_copy(sh_iou.at[bgr], oiou.at[bgr], sem)
        o1.wait()
        o2.wait()
        o3.wait()


@functools.lru_cache(maxsize=1)
def _sc_call():
    return functools.partial(
        pl.kernel,
        out_type=[
            jax.ShapeDtypeStruct((NUM_SAMPLES,), jnp.int32),
            jax.ShapeDtypeStruct((NUM_SAMPLES,), jnp.int32),
            jax.ShapeDtypeStruct((NUM_SAMPLES,), jnp.float32),
        ],
        mesh=plsc.VectorSubcoreMesh(core_axis_name="c", subcore_axis_name="s",
                                    num_cores=2, num_subcores=16),
        compiler_params=pltpu.CompilerParams(needs_layout_passes=False),
        scratch_types=[
            pltpu.VMEM((CHUNK,), jnp.int32),
            pltpu.VMEM((CHUNK,), jnp.float32),
            pltpu.VMEM((CHUNK,), jnp.int32),
            pltpu.VMEM((SROWS, ROWW), jnp.int32),
            pltpu.VMEM((GRID, 2, CPB), jnp.int32),
            pltpu.VMEM_SHARED((SH_PAD,), jnp.int32),
            pltpu.VMEM_SHARED((SH_PAD,), jnp.int32),
            pltpu.VMEM_SHARED((SH_PAD,), jnp.float32),
            pltpu.SemaphoreType.DMA,
            pltpu.SemaphoreType.DMA,
        ],
    )(_sc_body)


def kernel(proposal_boxes, gt_boxes, gt_classes):
    props = jnp.concatenate(
        [proposal_boxes, gt_boxes,
         jnp.zeros((PAD - N_TOT, 4), jnp.float32)], axis=0)
    pt = props.T
    gkey = (jnp.arange(N_GT, dtype=jnp.int32) * 128
            + gt_classes.astype(jnp.int32)).reshape(N_GT, 1)
    vals, gtc, cnt = _tc_call(pt, gt_boxes, gkey)
    return tuple(_sc_call()(gtc, vals, cnt))

# --- scband reference (transcript-rebuilt; emitter-appended) ---
"""Pipeline reference for scband-roi-head-20298015441649 (READ-ONLY COPY).

The authoritative reference and input builder live on the scoring server;
editing this copy changes nothing except your own understanding.
"""

import jax, jax.numpy as jnp
import numpy as np

NUM_CLASSES = 80
BATCH_SIZE_PER_IMAGE = 512
POSITIVE_FRACTION = 0.25
IOU_THRESHOLD = 0.5
N_PROPOSALS = 5000
N_GT = 128


def pairwise_iou(boxes1, boxes2):
    area1 = (boxes1[:, 2] - boxes1[:, 0]) * (boxes1[:, 3] - boxes1[:, 1])
    area2 = (boxes2[:, 2] - boxes2[:, 0]) * (boxes2[:, 3] - boxes2[:, 1])
    lt = jnp.maximum(boxes1[:, None, :2], boxes2[None, :, :2])
    rb = jnp.minimum(boxes1[:, None, 2:], boxes2[None, :, 2:])
    wh = jnp.clip(rb - lt, 0.0)
    inter = wh[..., 0] * wh[..., 1]
    union = area1[:, None] + area2[None, :] - inter
    return jnp.where(inter > 0, inter / union, 0.0)


def _make_boxes(key, n, img=1024.0, max_wh=256.0):
    k1, k2 = jax.random.split(key)
    xy = jax.random.uniform(k1, (n, 2)) * (img - max_wh)
    wh = jax.random.uniform(k2, (n, 2)) * max_wh + 1.0
    return jnp.concatenate([xy, xy + wh], axis=1).astype(jnp.float32)


def setup_inputs(seed: int = 0):
    key = jax.random.key(seed)
    k1, k2, k3 = jax.random.split(key, 3)
    return {
        "proposal_boxes": _make_boxes(k1, N_PROPOSALS),
        "gt_boxes": _make_boxes(k2, N_GT),
        "gt_classes": jax.random.randint(k3, (N_GT,), 0, NUM_CLASSES),
    }


def reference(proposal_boxes, gt_boxes, gt_classes):
    # proposal_append_gt: append gt boxes to proposals
    proposals = jnp.concatenate([proposal_boxes, gt_boxes], axis=0)
    # match_quality_matrix = pairwise_iou(gt_boxes, proposal_boxes)  [M, N+M]
    iou = pairwise_iou(gt_boxes, proposals)
    # Matcher(thresholds=[0.5], labels=[0,1], allow_low_quality_matches=False)
    matched_vals = jnp.max(iou, axis=0)
    matched_idxs = jnp.argmax(iou, axis=0)
    matched_labels = (matched_vals >= IOU_THRESHOLD).astype(jnp.int32)
    # _sample_proposals
    gt_c = jnp.take(gt_classes.astype(jnp.int32), matched_idxs)
    gt_c = jnp.where(matched_labels == 0, NUM_CLASSES, gt_c)
    n_tot = proposals.shape[0]
    num_fg = int(BATCH_SIZE_PER_IMAGE * POSITIVE_FRACTION)
    num_bg = BATCH_SIZE_PER_IMAGE - num_fg
    # deterministic subsample_labels: take first num_fg positives / num_bg negatives
    tie = -jnp.arange(n_tot, dtype=jnp.float32) * 1e-9
    pos = ((gt_c != -1) & (gt_c != NUM_CLASSES)).astype(jnp.float32)
    neg = (gt_c == NUM_CLASSES).astype(jnp.float32)
    _, fg_idx = jax.lax.top_k(pos + tie, num_fg)
    _, bg_idx = jax.lax.top_k(neg + tie, num_bg)
    sampled_idxs = jnp.concatenate([fg_idx, bg_idx], axis=0)
    sampled_classes = jnp.take(gt_c, sampled_idxs)
    sampled_iou = jnp.take(matched_vals, sampled_idxs)
    return sampled_idxs, sampled_classes, sampled_iou

if __name__ == "__main__":
    import jax
    _d = setup_inputs()
    print(jax.jit(kernel)(*tuple(_d.values())))

</pallas_src>

<mosaic_0001>
#map = affine_map<(d0, d1) -> (0, 0)>
#map1 = affine_map<(d0, d1) -> (0, 0, 0)>
#map2 = affine_map<(d0, d1) -> (0)>
module attributes {stable_mosaic.version = 14 : i64} {
  func.func @_sc_body(%arg0: i32, %arg1: i32, %arg2: memref<1x6144xi32, #tpu.memory_space<hbm>>, %arg3: memref<1x6144xf32, #tpu.memory_space<hbm>>, %arg4: memref<1x2x16xi32, #tpu.memory_space<hbm>>, %arg5: memref<512xi32, #tpu.memory_space<hbm>>, %arg6: memref<512xi32, #tpu.memory_space<hbm>>, %arg7: memref<512xf32, #tpu.memory_space<hbm>>, %arg8: memref<384xi32, #tpu.memory_space<vmem>>, %arg9: memref<384xf32, #tpu.memory_space<vmem>>, %arg10: memref<384xi32, #tpu.memory_space<vmem>>, %arg11: memref<3x128xi32, #tpu.memory_space<vmem>>, %arg12: memref<1x2x16xi32, #tpu.memory_space<vmem>>, %arg13: memref<896xi32, #tpu.memory_space<vmem_shared>>, %arg14: memref<896xi32, #tpu.memory_space<vmem_shared>>, %arg15: memref<896xf32, #tpu.memory_space<vmem_shared>>, %arg16: memref<!tpu.dma_semaphore, #tpu.memory_space<semaphore_mem>>, %arg17: memref<!tpu.dma_semaphore, #tpu.memory_space<semaphore_mem>>) attributes {dimension_semantics = [#tpu.dimension_semantics<core_parallel>, #tpu.dimension_semantics<subcore_parallel>], iteration_bounds = array<i64: 2, 16>, scalar_prefetch = 0 : i64, scratch_operands = 10 : i64, tpu.core_type = #tpu.core_type<sc_vector_subcore>, window_params = [{transform_indices = #map}, {transform_indices = #map}, {transform_indices = #map1}, {transform_indices = #map2}, {transform_indices = #map2}, {transform_indices = #map2}]} {
    %mul3A = arith.constant 384 : i32
    %mul3A_0 = arith.muli %arg1, %mul3A : i32
    %dma_start3A = arith.constant 0 : i32
    %dma_start3A_1 = tpu.memref_slice %arg2[%dma_start3A, %mul3A_0] : memref<1x6144xi32, #tpu.memory_space<hbm>> -> memref<1x384xi32, #tpu.memory_space<hbm>>
    %dma_start3A_2 = tpu.memref_squeeze %dma_start3A_1 : memref<1x384xi32, #tpu.memory_space<hbm>> -> memref<384xi32, #tpu.memory_space<hbm>>
    %dma_start3A_3 = tpu.memref_slice %arg2[%dma_start3A, %mul3A_0] : memref<1x6144xi32, #tpu.memory_space<hbm>> -> memref<1x384xi32, #tpu.memory_space<hbm>>
    %dma_start3A_4 = tpu.memref_squeeze %dma_start3A_3 : memref<1x384xi32, #tpu.memory_space<hbm>> -> memref<384xi32, #tpu.memory_space<hbm>>
    tpu.enqueue_dma source(%dma_start3A_4 : memref<384xi32, #tpu.memory_space<hbm>>) target(%arg8 : memref<384xi32, #tpu.memory_space<vmem>>) target_semaphore(%arg16 : memref<!tpu.dma_semaphore, #tpu.memory_space<semaphore_mem>>)
    %dma_start3A_5 = arith.constant 0 : i32
    %dma_start3A_6 = tpu.memref_slice %arg3[%dma_start3A_5, %mul3A_0] : memref<1x6144xf32, #tpu.memory_space<hbm>> -> memref<1x384xf32, #tpu.memory_space<hbm>>
    %dma_start3A_7 = tpu.memref_squeeze %dma_start3A_6 : memref<1x384xf32, #tpu.memory_space<hbm>> -> memref<384xf32, #tpu.memory_space<hbm>>
    %dma_start3A_8 = tpu.memref_slice %arg3[%dma_start3A_5, %mul3A_0] : memref<1x6144xf32, #tpu.memory_space<hbm>> -> memref<1x384xf32, #tpu.memory_space<hbm>>
    %dma_start3A_9 = tpu.memref_squeeze %dma_start3A_8 : memref<1x384xf32, #tpu.memory_space<hbm>> -> memref<384xf32, #tpu.memory_space<hbm>>
    tpu.enqueue_dma source(%dma_start3A_9 : memref<384xf32, #tpu.memory_space<hbm>>) target(%arg9 : memref<384xf32, #tpu.memory_space<vmem>>) target_semaphore(%arg16 : memref<!tpu.dma_semaphore, #tpu.memory_space<semaphore_mem>>)
    tpu.enqueue_dma source(%arg4 : memref<1x2x16xi32, #tpu.memory_space<hbm>>) target(%arg12 : memref<1x2x16xi32, #tpu.memory_space<vmem>>) target_semaphore(%arg16 : memref<!tpu.dma_semaphore, #tpu.memory_space<semaphore_mem>>)
    %dma_wait3A = arith.constant 0 : i32
    %dma_wait3A_10 = tpu.memref_slice %arg2[%dma_wait3A, %mul3A_0] : memref<1x6144xi32, #tpu.memory_space<hbm>> -> memref<1x384xi32, #tpu.memory_space<hbm>>
    %dma_wait3A_11 = tpu.memref_squeeze %dma_wait3A_10 : memref<1x384xi32, #tpu.memory_space<hbm>> -> memref<384xi32, #tpu.memory_space<hbm>>
    %dma_wait3A_12 = tpu.memref_slice %arg2[%dma_wait3A, %mul3A_0] : memref<1x6144xi32, #tpu.memory_space<hbm>> -> memref<1x384xi32, #tpu.memory_space<hbm>>
    %dma_wait3A_13 = tpu.memref_squeeze %dma_wait3A_12 : memref<1x384xi32, #tpu.memory_space<hbm>> -> memref<384xi32, #tpu.memory_space<hbm>>
    tpu.wait_dma2 semaphore(%arg16 : memref<!tpu.dma_semaphore, #tpu.memory_space<semaphore_mem>>) src(%dma_wait3A_13 : memref<384xi32, #tpu.memory_space<hbm>>) dst(%arg8 : memref<384xi32, #tpu.memory_space<vmem>>)
    %dma_wait3A_14 = arith.constant 0 : i32
    %dma_wait3A_15 = tpu.memref_slice %arg3[%dma_wait3A_14, %mul3A_0] : memref<1x6144xf32, #tpu.memory_space<hbm>> -> memref<1x384xf32, #tpu.memory_space<hbm>>
    %dma_wait3A_16 = tpu.memref_squeeze %dma_wait3A_15 : memref<1x384xf32, #tpu.memory_space<hbm>> -> memref<384xf32, #tpu.memory_space<hbm>>
    %dma_wait3A_17 = tpu.memref_slice %arg3[%dma_wait3A_14, %mul3A_0] : memref<1x6144xf32, #tpu.memory_space<hbm>> -> memref<1x384xf32, #tpu.memory_space<hbm>>
    %dma_wait3A_18 = tpu.memref_squeeze %dma_wait3A_17 : memref<1x384xf32, #tpu.memory_space<hbm>> -> memref<384xf32, #tpu.memory_space<hbm>>
    tpu.wait_dma2 semaphore(%arg16 : memref<!tpu.dma_semaphore, #tpu.memory_space<semaphore_mem>>) src(%dma_wait3A_18 : memref<384xf32, #tpu.memory_space<hbm>>) dst(%arg9 : memref<384xf32, #tpu.memory_space<vmem>>)
    tpu.wait_dma2 semaphore(%arg16 : memref<!tpu.dma_semaphore, #tpu.memory_space<semaphore_mem>>) src(%arg4 : memref<1x2x16xi32, #tpu.memory_space<hbm>>) dst(%arg12 : memref<1x2x16xi32, #tpu.memory_space<vmem>>)
    %iota3A = tpu.iota {dimensions = array<i32: 0>} : vector<16xi32>
    %get3A = arith.constant 0 : i32
    %get3A_19 = arith.constant 0 : i32
    %get3A_20 = arith.index_cast %get3A : i32 to index
    %get3A_21 = arith.index_cast %get3A_19 : i32 to index
    %get3A_22 = arith.constant 0 : index
    %get3A_23 = tpu.vector_load %arg12[%get3A_20, %get3A_21, %get3A_22] {strides = array<i32>} : memref<1x2x16xi32, #tpu.memory_space<vmem>>, vector<16xi32>,
    %get3A_24 = arith.constant 0 : i32
    %get3A_25 = arith.constant 1 : i32
    %get3A_26 = arith.index_cast %get3A_24 : i32 to index
    %get3A_27 = arith.index_cast %get3A_25 : i32 to index
    %get3A_28 = arith.constant 0 : index
    %get3A_29 = tpu.vector_load %arg12[%get3A_26, %get3A_27, %get3A_28] {strides = array<i32>} : memref<1x2x16xi32, #tpu.memory_space<vmem>>, vector<16xi32>,
    %lt3A = vector.broadcast %arg1 : i32 to vector<16xi32>
    %lt3A_30 = arith.cmpi slt, %iota3A, %lt3A : vector<16xi32>
    %broadcast_in_dim3A = arith.constant 0 : i32
    %broadcast_in_dim3A_31 = vector.broadcast %broadcast_in_dim3A : i32 to vector<16xi32>
    %select_n3A = arith.select %lt3A_30, %get3A_23, %broadcast_in_dim3A_31 : vector<16xi1>, vector<16xi32>
    %reduce_sum3A = arith.constant true
    %reduce_sum3A_32 = vector.broadcast %reduce_sum3A : i1 to vector<16xi1>
    %reduce_sum3A_33 = tpu.scan <sum>, %select_n3A masked %reduce_sum3A_32 : vector<16xi32>, vector<16xi1> -> vector<16xi32>
    %reduce_sum3A_34 = vector.extract %reduce_sum3A_33[15] : i32 from vector<16xi32>
    %select_n3A_35 = arith.select %lt3A_30, %get3A_29, %broadcast_in_dim3A_31 : vector<16xi1>, vector<16xi32>
    %reduce_sum3A_36 = arith.constant true
    %reduce_sum3A_37 = vector.broadcast %reduce_sum3A_36 : i1 to vector<16xi1>
    %reduce_sum3A_38 = tpu.scan <sum>, %select_n3A_35 masked %reduce_sum3A_37 : vector<16xi32>, vector<16xi1> -> vector<16xi32>
    %reduce_sum3A_39 = vector.extract %reduce_sum3A_38[15] : i32 from vector<16xi32>
    %reduce_sum3A_40 = arith.constant true
    %reduce_sum3A_41 = vector.broadcast %reduce_sum3A_40 : i1 to vector<16xi1>
    %reduce_sum3A_42 = tpu.scan <sum>, %get3A_23 masked %reduce_sum3A_41 : vector<16xi32>, vector<16xi1> -> vector<16xi32>
    %reduce_sum3A_43 = vector.extract %reduce_sum3A_42[15] : i32 from vector<16xi32>
    %reduce_sum3A_44 = arith.constant true
    %reduce_sum3A_45 = vector.broadcast %reduce_sum3A_44 : i1 to vector<16xi1>
    %reduce_sum3A_46 = tpu.scan <sum>, %get3A_29 masked %reduce_sum3A_45 : vector<16xi32>, vector<16xi1> -> vector<16xi32>
    %reduce_sum3A_47 = vector.extract %reduce_sum3A_46[15] : i32 from vector<16xi32>
    %eq3A = arith.constant 0 : i32
    %eq3A_48 = arith.cmpi eq, %arg0, %eq3A : i32
    %get3A_49 = arith.constant 0 : index
    %get3A_50 = tpu.vector_load %arg8[%get3A_49] {strides = array<i32>} : memref<384xi32, #tpu.memory_space<vmem>>, vector<16xi32>,
    %add3A = arith.constant 512 : i32
    %add3A_51 = vector.broadcast %add3A : i32 to vector<16xi32>
    %add3A_52 = arith.addi %add3A_51, %iota3A : vector<16xi32>
    %ge3A = arith.constant 0 : i32
    %ge3A_53 = vector.broadcast %ge3A : i32 to vector<16xi32>
    %ge3A_54 = arith.cmpi sge, %get3A_50, %ge3A_53 : vector<16xi32>
    %lt3A_55 = arith.constant 80 : i32
    %lt3A_56 = vector.broadcast %lt3A_55 : i32 to vector<16xi32>
    %lt3A_57 = arith.cmpi slt, %get3A_50, %lt3A_56 : vector<16xi32>
    %and3A = arith.andi %ge3A_54, %lt3A_57 : vector<16xi1>
    %eq3A_58 = arith.constant 80 : i32
    %eq3A_59 = vector.broadcast %eq3A_58 : i32 to vector<16xi32>
    %eq3A_60 = arith.cmpi eq, %get3A_50, %eq3A_59 : vector<16xi32>
    %convert_element_type3A = arith.extui %and3A : vector<16xi1> to vector<16xi32>
    %convert_element_type3A_61 = arith.extui %eq3A_60 : vector<16xi1> to vector<16xi32>
    %broadcast_in_dim3A_62 = arith.constant true
    %broadcast_in_dim3A_63 = vector.broadcast %broadcast_in_dim3A_62 : i1 to vector<16xi1>
    %masked_cumsum3A = tpu.scan <sum>, %convert_element_type3A masked %broadcast_in_dim3A_63 : vector<16xi32>, vector<16xi1> -> vector<16xi32>
    %broadcast_in_dim3A_64 = arith.constant true
    %broadcast_in_dim3A_65 = vector.broadcast %broadcast_in_dim3A_64 : i1 to vector<16xi1>
    %masked_cumsum3A_66 = tpu.scan <sum>, %convert_element_type3A_61 masked %broadcast_in_dim3A_65 : vector<16xi32>, vector<16xi1> -> vector<16xi32>
    %add3A_67 = vector.broadcast %reduce_sum3A_34 : i32 to vector<16xi32>
    %add3A_68 = arith.addi %add3A_67, %masked_cumsum3A : vector<16xi32>
    %sub3A = arith.subi %add3A_68, %convert_element_type3A : vector<16xi32>
    %add3A_69 = vector.broadcast %reduce_sum3A_39 : i32 to vector<16xi32>
    %add3A_70 = arith.addi %add3A_69, %masked_cumsum3A_66 : vector<16xi32>
    %sub3A_71 = arith.subi %add3A_70, %convert_element_type3A_61 : vector<16xi32>
    %add3A_72 = vector.broadcast %reduce_sum3A_43 : i32 to vector<16xi32>
    %add3A_73 = arith.addi %add3A_72, %sub3A_71 : vector<16xi32>
    %select_n3A_74 = arith.select %and3A, %sub3A, %add3A_73 : vector<16xi1>, vector<16xi32>
    %add3A_75 = vector.broadcast %reduce_sum3A_47 : i32 to vector<16xi32>
    %add3A_76 = arith.addi %add3A_75, %sub3A : vector<16xi32>
    %select_n3A_77 = arith.select %eq3A_60, %sub3A_71, %add3A_76 : vector<16xi1>, vector<16xi32>
    %or3A = arith.ori %and3A, %eq3A_60 : vector<16xi1>
    %lt3A_78 = arith.constant 128 : i32
    %lt3A_79 = vector.broadcast %lt3A_78 : i32 to vector<16xi32>
    %lt3A_80 = arith.cmpi slt, %select_n3A_74, %lt3A_79 : vector<16xi32>
    %and3A_81 = arith.andi %or3A, %lt3A_80 : vector<16xi1>
    %select_n3A_82 = arith.select %and3A_81, %select_n3A_74, %add3A_52 : vector<16xi1>, vector<16xi32>
    %lt3A_83 = arith.constant 384 : i32
    %lt3A_84 = vector.broadcast %lt3A_83 : i32 to vector<16xi32>
    %lt3A_85 = arith.cmpi slt, %select_n3A_77, %lt3A_84 : vector<16xi32>
    %and3A_86 = arith.andi %or3A, %lt3A_85 : vector<16xi1>
    %add3A_87 = arith.constant 128 : i32
    %add3A_88 = vector.broadcast %add3A_87 : i32 to vector<16xi32>
    %add3A_89 = arith.addi %select_n3A_77, %add3A_88 : vector<16xi32>
    %select_n3A_90 = arith.select %and3A_86, %add3A_89, %add3A_52 : vector<16xi1>, vector<16xi32>
    %select_n3A_91 = arith.select %eq3A_48, %select_n3A_82, %select_n3A_90 : vector<16xi32>
    %swap3A = arith.constant 0 : i32
    %swap3A_92 = arith.index_cast %swap3A : i32 to index
    %swap3A_93 = arith.constant 0 : index
    %swap3A_94 = tpu.vector_load %arg11[%swap3A_92, %swap3A_93] {strides = array<i32>} : memref<3x128xi32, #tpu.memory_space<vmem>>, vector<16xi32>,
    tpu.vector_store %arg11[%swap3A_92, %swap3A_93], %select_n3A_91 {strides = array<i32>} : memref<3x128xi32, #tpu.memory_space<vmem>>, vector<16xi32>,
    %add3A_95 = arith.constant 0 : i32
    %add3A_96 = arith.addi %mul3A_0, %add3A_95 : i32
    %add3A_97 = vector.broadcast %add3A_96 : i32 to vector<16xi32>
    %add3A_98 = arith.addi %add3A_97, %iota3A : vector<16xi32>
    %swap3A_99 = arith.constant 0 : index
    %swap3A_100 = tpu.vector_load %arg10[%swap3A_99] {strides = array<i32>} : memref<384xi32, #tpu.memory_space<vmem>>, vector<16xi32>,
    tpu.vector_store %arg10[%swap3A_99], %add3A_98 {strides = array<i32>} : memref<384xi32, #tpu.memory_space<vmem>>, vector<16xi32>,
    %slice3A = vector.extract_strided_slice %masked_cumsum3A {offsets = [15], sizes = [1], strides = [1]} : vector<16xi32> to vector<1xi32>
    %squeeze3A = vector.extract %slice3A[0] : i32 from vector<1xi32>
    %add3A_101 = arith.addi %reduce_sum3A_34, %squeeze3A : i32
    %slice3A_102 = vector.extract_strided_slice %masked_cumsum3A_66 {offsets = [15], sizes = [1], strides = [1]} : vector<16xi32> to vector<1xi32>
    %squeeze3A_103 = vector.extract %slice3A_102[0] : i32 from vector<1xi32>
    %add3A_104 = arith.addi %reduce_sum3A_39, %squeeze3A_103 : i32
    %get3A_105 = arith.constant 16 : index
    %get3A_106 = tpu.vector_load %arg8[%get3A_105] {strides = array<i32>} : memref<384xi32, #tpu.memory_space<vmem>>, vector<16xi32>,
    %add3A_107 = arith.constant 528 : i32
    %add3A_108 = vector.broadcast %add3A_107 : i32 to vector<16xi32>
    %add3A_109 = arith.addi %add3A_108, %iota3A : vector<16xi32>
    %ge3A_110 = arith.constant 0 : i32
    %ge3A_111 = vector.broadcast %ge3A_110 : i32 to vector<16xi32>
    %ge3A_112 = arith.cmpi sge, %get3A_106, %ge3A_111 : vector<16xi32>
    %lt3A_113 = arith.constant 80 : i32
    %lt3A_114 = vector.broadcast %lt3A_113 : i32 to vector<16xi32>
    %lt3A_115 = arith.cmpi slt, %get3A_106, %lt3A_114 : vector<16xi32>
    %and3A_116 = arith.andi %ge3A_112, %lt3A_115 : vector<16xi1>
    %eq3A_117 = arith.constant 80 : i32
    %eq3A_118 = vector.broadcast %eq3A_117 : i32 to vector<16xi32>
    %eq3A_119 = arith.cmpi eq, %get3A_106, %eq3A_118 : vector<16xi32>
    %convert_element_type3A_120 = arith.extui %and3A_116 : vector<16xi1> to vector<16xi32>
    %convert_element_type3A_121 = arith.extui %eq3A_119 : vector<16xi1> to vector<16xi32>
    %broadcast_in_dim3A_122 = arith.constant true
    %broadcast_in_dim3A_123 = vector.broadcast %broadcast_in_dim3A_122 : i1 to vector<16xi1>
    %masked_cumsum3A_124 = tpu.scan <sum>, %convert_element_type3A_120 masked %broadcast_in_dim3A_123 : vector<16xi32>, vector<16xi1> -> vector<16xi32>
    %broadcast_in_dim3A_125 = arith.constant true
    %broadcast_in_dim3A_126 = vector.broadcast %broadcast_in_dim3A_125 : i1 to vector<16xi1>
    %masked_cumsum3A_127 = tpu.scan <sum>, %convert_element_type3A_121 masked %broadcast_in_dim3A_126 : vector<16xi32>, vector<16xi1> -> vector<16xi32>
    %add3A_128 = vector.broadcast %add3A_101 : i32 to vector<16xi32>
    %add3A_129 = arith.addi %add3A_128, %masked_cumsum3A_124 : vector<16xi32>
    %sub3A_130 = arith.subi %add3A_129, %convert_element_type3A_120 : vector<16xi32>
    %add3A_131 = vector.broadcast %add3A_104 : i32 to vector<16xi32>
    %add3A_132 = arith.addi %add3A_131, %masked_cumsum3A_127 : vector<16xi32>
    %sub3A_133 = arith.subi %add3A_132, %convert_element_type3A_121 : vector<16xi32>
    %add3A_134 = vector.broadcast %reduce_sum3A_43 : i32 to vector<16xi32>
    %add3A_135 = arith.addi %add3A_134, %sub3A_133 : vector<16xi32>
    %select_n3A_136 = arith.select %and3A_116, %sub3A_130, %add3A_135 : vector<16xi1>, vector<16xi32>
    %add3A_137 = vector.broadcast %reduce_sum3A_47 : i32 to vector<16xi32>
    %add3A_138 = arith.addi %add3A_137, %sub3A_130 : vector<16xi32>
    %select_n3A_139 = arith.select %eq3A_119, %sub3A_133, %add3A_138 : vector<16xi1>, vector<16xi32>
    %or3A_140 = arith.ori %and3A_116, %eq3A_119 : vector<16xi1>
    %lt3A_141 = arith.constant 128 : i32
    %lt3A_142 = vector.broadcast %lt3A_141 : i32 to vector<16xi32>
    %lt3A_143 = arith.cmpi slt, %select_n3A_136, %lt3A_142 : vector<16xi32>
    %and3A_144 = arith.andi %or3A_140, %lt3A_143 : vector<16xi1>
    %select_n3A_145 = arith.select %and3A_144, %select_n3A_136, %add3A_109 : vector<16xi1>, vector<16xi32>
    %lt3A_146 = arith.constant 384 : i32
    %lt3A_147 = vector.broadcast %lt3A_146 : i32 to vector<16xi32>
    %lt3A_148 = arith.cmpi slt, %select_n3A_139, %lt3A_147 : vector<16xi32>
    %and3A_149 = arith.andi %or3A_140, %lt3A_148 : vector<16xi1>
    %add3A_150 = arith.constant 128 : i32
    %add3A_151 = vector.broadcast %add3A_150 : i32 to vector<16xi32>
    %add3A_152 = arith.addi %select_n3A_139, %add3A_151 : vector<16xi32>
    %select_n3A_153 = arith.select %and3A_149, %add3A_152, %add3A_109 : vector<16xi1>, vector<16xi32>
    %select_n3A_154 = arith.select %eq3A_48, %select_n3A_145, %select_n3A_153 : vector<16xi32>
    %swap3A_155 = arith.constant 0 : i32
    %swap3A_156 = arith.index_cast %swap3A_155 : i32 to index
    %swap3A_157 = arith.constant 16 : index
    %swap3A_158 = tpu.vector_load %arg11[%swap3A_156, %swap3A_157] {strides = array<i32>} : memref<3x128xi32, #tpu.memory_space<vmem>>, vector<16xi32>,
    tpu.vector_store %arg11[%swap3A_156, %swap3A_157], %select_n3A_154 {strides = array<i32>} : memref<3x128xi32, #tpu.memory_space<vmem>>, vector<16xi32>,
    %add3A_159 = arith.constant 16 : i32
    %add3A_160 = arith.addi %mul3A_0, %add3A_159 : i32
    %add3A_161 = vector.broadcast %add3A_160 : i32 to vector<16xi32>
    %add3A_162 = arith.addi %add3A_161, %iota3A : vector<16xi32>
    %swap3A_163 = arith.constant 16 : index
    %swap3A_164 = tpu.vector_load %arg10[%swap3A_163] {strides = array<i32>} : memref<384xi32, #tpu.memory_space<vmem>>, vector<16xi32>,
    tpu.vector_store %arg10[%swap3A_163], %add3A_162 {strides = array<i32>} : memref<384xi32, #tpu.memory_space<vmem>>, vector<16xi32>,
    %slice3A_165 = vector.extract_strided_slice %masked_cumsum3A_124 {offsets = [15], sizes = [1], strides = [1]} : vector<16xi32> to vector<1xi32>
    %squeeze3A_166 = vector.extract %slice3A_165[0] : i32 from vector<1xi32>
    %add3A_167 = arith.addi %add3A_101, %squeeze3A_166 : i32
    %slice3A_168 = vector.extract_strided_slice %masked_cumsum3A_127 {offsets = [15], sizes = [1], strides = [1]} : vector<16xi32> to vector<1xi32>
    %squeeze3A_169 = vector.extract %slice3A_168[0] : i32 from vector<1xi32>
    %add3A_170 = arith.addi %add3A_104, %squeeze3A_169 : i32
    %get3A_171 = arith.constant 32 : index
    %get3A_172 = tpu.vector_load %arg8[%get3A_171] {strides = array<i32>} : memref<384xi32, #tpu.memory_space<vmem>>, vector<16xi32>,
    %add3A_173 = arith.constant 544 : i32
    %add3A_174 = vector.broadcast %add3A_173 : i32 to vector<16xi32>
    %add3A_175 = arith.addi %add3A_174, %iota3A : vector<16xi32>
    %ge3A_176 = arith.constant 0 : i32
    %ge3A_177 = vector.broadcast %ge3A_176 : i32 to vector<16xi32>
    %ge3A_178 = arith.cmpi sge, %get3A_172, %ge3A_177 : vector<16xi32>
    %lt3A_179 = arith.constant 80 : i32
    %lt3A_180 = vector.broadcast %lt3A_179 : i32 to vector<16xi32>
    %lt3A_181 = arith.cmpi slt, %get3A_172, %lt3A_180 : vector<16xi32>
    %and3A_182 = arith.andi %ge3A_178, %lt3A_181 : vector<16xi1>
    %eq3A_183 = arith.constant 80 : i32
    %eq3A_184 = vector.broadcast %eq3A_183 : i32 to vector<16xi32>
    %eq3A_185 = arith.cmpi eq, %get3A_172, %eq3A_184 : vector<16xi32>
    %convert_element_type3A_186 = arith.extui %and3A_182 : vector<16xi1> to vector<16xi32>
    %convert_element_type3A_187 = arith.extui %eq3A_185 : vector<16xi1> to vector<16xi32>
    %broadcast_in_dim3A_188 = arith.constant true
    %broadcast_in_dim3A_189 = vector.broadcast %broadcast_in_dim3A_188 : i1 to vector<16xi1>
    %masked_cumsum3A_190 = tpu.scan <sum>, %convert_element_type3A_186 masked %broadcast_in_dim3A_189 : vector<16xi32>, vector<16xi1> -> vector<16xi32>
    %broadcast_in_dim3A_191 = arith.constant true
    %broadcast_in_dim3A_192 = vector.broadcast %broadcast_in_dim3A_191 : i1 to vector<16xi1>
    %masked_cumsum3A_193 = tpu.scan <sum>, %convert_element_type3A_187 masked %broadcast_in_dim3A_192 : vector<16xi32>, vector<16xi1> -> vector<16xi32>
    %add3A_194 = vector.broadcast %add3A_167 : i32 to vector<16xi32>
    %add3A_195 = arith.addi %add3A_194, %masked_cumsum3A_190 : vector<16xi32>
    %sub3A_196 = arith.subi %add3A_195, %convert_element_type3A_186 : vector<16xi32>
    %add3A_197 = vector.broadcast %add3A_170 : i32 to vector<16xi32>
    %add3A_198 = arith.addi %add3A_197, %masked_cumsum3A_193 : vector<16xi32>
    %sub3A_199 = arith.subi %add3A_198, %convert_element_type3A_187 : vector<16xi32>
    %add3A_200 = vector.broadcast %reduce_sum3A_43 : i32 to vector<16xi32>
    %add3A_201 = arith.addi %add3A_200, %sub3A_199 : vector<16xi32>
    %select_n3A_202 = arith.select %and3A_182, %sub3A_196, %add3A_201 : vector<16xi1>, vector<16xi32>
    %add3A_203 = vector.broadcast %reduce_sum3A_47 : i32 to vector<16xi32>
    %add3A_204 = arith.addi %add3A_203, %sub3A_196 : vector<16xi32>
    %select_n3A_205 = arith.select %eq3A_185, %sub3A_199, %add3A_204 : vector<16xi1>, vector<16xi32>
    %or3A_206 = arith.ori %and3A_182, %eq3A_185 : vector<16xi1>
    %lt3A_207 = arith.constant 128 : i32
    %lt3A_208 = vector.broadcast %lt3A_207 : i32 to vector<16xi32>
    %lt3A_209 = arith.cmpi slt, %select_n3A_202, %lt3A_208 : vector<16xi32>
    %and3A_210 = arith.andi %or3A_206, %lt3A_209 : vector<16xi1>
    %select_n3A_211 = arith.select %and3A_210, %select_n3A_202, %add3A_175 : vector<16xi1>, vector<16xi32>
    %lt3A_212 = arith.constant 384 : i32
    %lt3A_213 = vector.broadcast %lt3A_212 : i32 to vector<16xi32>
    %lt3A_214 = arith.cmpi slt, %select_n3A_205, %lt3A_213 : vector<16xi32>
    %and3A_215 = arith.andi %or3A_206, %lt3A_214 : vector<16xi1>
    %add3A_216 = arith.constant 128 : i32
    %add3A_217 = vector.broadcast %add3A_216 : i32 to vector<16xi32>
    %add3A_218 = arith.addi %select_n3A_205, %add3A_217 : vector<16xi32>
    %select_n3A_219 = arith.select %and3A_215, %add3A_218, %add3A_175 : vector<16xi1>, vector<16xi32>
    %select_n3A_220 = arith.select %eq3A_48, %select_n3A_211, %select_n3A_219 : vector<16xi32>
    %swap3A_221 = arith.constant 0 : i32
    %swap3A_222 = arith.index_cast %swap3A_221 : i32 to index
    %swap3A_223 = arith.constant 32 : index
    %swap3A_224 = tpu.vector_load %arg11[%swap3A_222, %swap3A_223] {strides = array<i32>} : memref<3x128xi32, #tpu.memory_space<vmem>>, vector<16xi32>,
    tpu.vector_store %arg11[%swap3A_222, %swap3A_223], %select_n3A_220 {strides = array<i32>} : memref<3x128xi32, #tpu.memory_space<vmem>>, vector<16xi32>,
    %add3A_225 = arith.constant 32 : i32
    %add3A_226 = arith.addi %mul3A_0, %add3A_225 : i32
    %add3A_227 = vector.broadcast %add3A_226 : i32 to vector<16xi32>
    %add3A_228 = arith.addi %add3A_227, %iota3A : vector<16xi32>
    %swap3A_229 = arith.constant 32 : index
    %swap3A_230 = tpu.vector_load %arg10[%swap3A_229] {strides = array<i32>} : memref<384xi32, #tpu.memory_space<vmem>>, vector<16xi32>,
    tpu.vector_store %arg10[%swap3A_229], %add3A_228 {strides = array<i32>} : memref<384xi32, #tpu.memory_space<vmem>>, vector<16xi32>,
    %slice3A_231 = vector.extract_strided_slice %masked_cumsum3A_190 {offsets = [15], sizes = [1], strides = [1]} : vector<16xi32> to vector<1xi32>
    %squeeze3A_232 = vector.extract %slice3A_231[0] : i32 from vector<1xi32>
    %add3A_233 = arith.addi %add3A_167, %squeeze3A_232 : i32
    %slice3A_234 = vector.extract_strided_slice %masked_cumsum3A_193 {offsets = [15], sizes = [1], strides = [1]} : vector<16xi32> to vector<1xi32>
    %squeeze3A_235 = vector.extract %slice3A_234[0] : i32 from vector<1xi32>
    %add3A_236 = arith.addi %add3A_170, %squeeze3A_235 : i32
    %get3A_237 = arith.constant 48 : index
    %get3A_238 = tpu.vector_load %arg8[%get3A_237] {strides = array<i32>} : memref<384xi32, #tpu.memory_space<vmem>>, vector<16xi32>,
    %add3A_239 = arith.constant 560 : i32
    %add3A_240 = vector.broadcast %add3A_239 : i32 to vector<16xi32>
    %add3A_241 = arith.addi %add3A_240, %iota3A : vector<16xi32>
    %ge3A_242 = arith.constant 0 : i32
    %ge3A_243 = vector.broadcast %ge3A_242 : i32 to vector<16xi32>
    %ge3A_244 = arith.cmpi sge, %get3A_238, %ge3A_243 : vector<16xi32>
    %lt3A_245 = arith.constant 80 : i32
    %lt3A_246 = vector.broadcast %lt3A_245 : i32 to vector<16xi32>
    %lt3A_247 = arith.cmpi slt, %get3A_238, %lt3A_246 : vector<16xi32>
    %and3A_248 = arith.andi %ge3A_244, %lt3A_247 : vector<16xi1>
    %eq3A_249 = arith.constant 80 : i32
    %eq3A_250 = vector.broadcast %eq3A_249 : i32 to vector<16xi32>
    %eq3A_251 = arith.cmpi eq, %get3A_238, %eq3A_250 : vector<16xi32>
    %convert_element_type3A_252 = arith.extui %and3A_248 : vector<16xi1> to vector<16xi32>
    %convert_element_type3A_253 = arith.extui %eq3A_251 : vector<16xi1> to vector<16xi32>
    %broadcast_in_dim3A_254 = arith.constant true
    %broadcast_in_dim3A_255 = vector.broadcast %broadcast_in_dim3A_254 : i1 to vector<16xi1>
    %masked_cumsum3A_256 = tpu.scan <sum>, %convert_element_type3A_252 masked %broadcast_in_dim3A_255 : vector<16xi32>, vector<16xi1> -> vector<16xi32>
    %broadcast_in_dim3A_257 = arith.constant true
    %broadcast_in_dim3A_258 = vector.broadcast %broadcast_in_dim3A_257 : i1 to vector<16xi1>
    %masked_cumsum3A_259 = tpu.scan <sum>, %convert_element_type3A_253 masked %broadcast_in_dim3A_258 : vector<16xi32>, vector<16xi1> -> vector<16xi32>
    %add3A_260 = vector.broadcast %add3A_233 : i32 to vector<16xi32>
    %add3A_261 = arith.addi %add3A_260, %masked_cumsum3A_256 : vector<16xi32>
    %sub3A_262 = arith.subi %add3A_261, %convert_element_type3A_252 : vector<16xi32>
    %add3A_263 = vector.broadcast %add3A_236 : i32 to vector<16xi32>
    %add3A_264 = arith.addi %add3A_263, %masked_cumsum3A_259 : vector<16xi32>
    %sub3A_265 = arith.subi %add3A_264, %convert_element_type3A_253 : vector<16xi32>
    %add3A_266 = vector.broadcast %reduce_sum3A_43 : i32 to vector<16xi32>
    %add3A_267 = arith.addi %add3A_266, %sub3A_265 : vector<16xi32>
    %select_n3A_268 = arith.select %and3A_248, %sub3A_262, %add3A_267 : vector<16xi1>, vector<16xi32>
    %add3A_269 = vector.broadcast %reduce_sum3A_47 : i32 to vector<16xi32>
    %add3A_270 = arith.addi %add3A_269, %sub3A_262 : vector<16xi32>
    %select_n3A_271 = arith.select %eq3A_251, %sub3A_265, %add3A_270 : vector<16xi1>, vector<16xi32>
    %or3A_272 = arith.ori %and3A_248, %eq3A_251 : vector<16xi1>
    %lt3A_273 = arith.constant 128 : i32
    %lt3A_274 = vector.broadcast %lt3A_273 : i32 to vector<16xi32>
    %lt3A_275 = arith.cmpi slt, %select_n3A_268, %lt3A_274 : vector<16xi32>
    %and3A_276 = arith.andi %or3A_272, %lt3A_275 : vector<16xi1>
    %select_n3A_277 = arith.select %and3A_276, %select_n3A_268, %add3A_241 : vector<16xi1>, vector<16xi32>
    %lt3A_278 = arith.constant 384 : i32
    %lt3A_279 = vector.broadcast %lt3A_278 : i32 to vector<16xi32>
    %lt3A_280 = arith.cmpi slt, %select_n3A_271, %lt3A_279 : vector<16xi32>
    %and3A_281 = arith.andi %or3A_272, %lt3A_280 : vector<16xi1>
    %add3A_282 = arith.constant 128 : i32
    %add3A_283 = vector.broadcast %add3A_282 : i32 to vector<16xi32>
    %add3A_284 = arith.addi %select_n3A_271, %add3A_283 : vector<16xi32>
    %select_n3A_285 = arith.select %and3A_281, %add3A_284, %add3A_241 : vector<16xi1>, vector<16xi32>
    %select_n3A_286 = arith.select %eq3A_48, %select_n3A_277, %select_n3A_285 : vector<16xi32>
    %swap3A_287 = arith.constant 0 : i32
    %swap3A_288 = arith.index_cast %swap3A_287 : i32 to index
    %swap3A_289 = arith.constant 48 : index
    %swap3A_290 = tpu.vector_load %arg11[%swap3A_288, %swap3A_289] {strides = array<i32>} : memref<3x128xi32, #tpu.memory_space<vmem>>, vector<16xi32>,
    tpu.vector_store %arg11[%swap3A_288, %swap3A_289], %select_n3A_286 {strides = array<i32>} : memref<3x128xi32, #tpu.memory_space<vmem>>, vector<16xi32>,
    %add3A_291 = arith.constant 48 : i32
    %add3A_292 = arith.addi %mul3A_0, %add3A_291 : i32
    %add3A_293 = vector.broadcast %add3A_292 : i32 to vector<16xi32>
    %add3A_294 = arith.addi %add3A_293, %iota3A : vector<16xi32>
    %swap3A_295 = arith.constant 48 : index
    %swap3A_296 = tpu.vector_load %arg10[%swap3A_295] {strides = array<i32>} : memref<384xi32, #tpu.memory_space<vmem>>, vector<16xi32>,
    tpu.vector_store %arg10[%swap3A_295], %add3A_294 {strides = array<i32>} : memref<384xi32, #tpu.memory_space<vmem>>, vector<16xi32>,
    %slice3A_297 = vector.extract_strided_slice %masked_cumsum3A_256 {offsets = [15], sizes = [1], strides = [1]} : vector<16xi32> to vector<1xi32>
    %squeeze3A_298 = vector.extract %slice3A_297[0] : i32 from vector<1xi32>
    %add3A_299 = arith.addi %add3A_233, %squeeze3A_298 : i32
    %slice3A_300 = vector.extract_strided_slice %masked_cumsum3A_259 {offsets = [15], sizes = [1], strides = [1]} : vector<16xi32> to vector<1xi32>
    %squeeze3A_301 = vector.extract %slice3A_300[0] : i32 from vector<1xi32>
    %add3A_302 = arith.addi %add3A_236, %squeeze3A_301 : i32
    %get3A_303 = arith.constant 64 : index
    %get3A_304 = tpu.vector_load %arg8[%get3A_303] {strides = array<i32>} : memref<384xi32, #tpu.memory_space<vmem>>, vector<16xi32>,
    %add3A_305 = arith.constant 576 : i32
    %add3A_306 = vector.broadcast %add3A_305 : i32 to vector<16xi32>
    %add3A_307 = arith.addi %add3A_306, %iota3A : vector<16xi32>
    %ge3A_308 = arith.constant 0 : i32
    %ge3A_309 = vector.broadcast %ge3A_308 : i32 to vector<16xi32>
    %ge3A_310 = arith.cmpi sge, %get3A_304, %ge3A_309 : vector<16xi32>
    %lt3A_311 = arith.constant 80 : i32
    %lt3A_312 = vector.broadcast %lt3A_311 : i32 to vector<16xi32>
    %lt3A_313 = arith.cmpi slt, %get3A_304, %lt3A_312 : vector<16xi32>
    %and3A_314 = arith.andi %ge3A_310, %lt3A_313 : vector<16xi1>
    %eq3A_315 = arith.constant 80 : i32
    %eq3A_316 = vector.broadcast %eq3A_315 : i32 to vector<16xi32>
    %eq3A_317 = arith.cmpi eq, %get3A_304, %eq3A_316 : vector<16xi32>
    %convert_element_type3A_318 = arith.extui %and3A_314 : vector<16xi1> to vector<16xi32>
    %convert_element_type3A_319 = arith.extui %eq3A_317 : vector<16xi1> to vector<16xi32>
    %broadcast_in_dim3A_320 = arith.constant true
    %broadcast_in_dim3A_321 = vector.broadcast %broadcast_in_dim3A_320 : i1 to vector<16xi1>
    %masked_cumsum3A_322 = tpu.scan <sum>, %convert_element_type3A_318 masked %broadcast_in_dim3A_321 : vector<16xi32>, vector<16xi1> -> vector<16xi32>
    %broadcast_in_dim3A_323 = arith.constant true
    %broadcast_in_dim3A_324 = vector.broadcast %broadcast_in_dim3A_323 : i1 to vector<16xi1>
    %masked_cumsum3A_325 = tpu.scan <sum>, %convert_element_type3A_319 masked %broadcast_in_dim3A_324 : vector<16xi32>, vector<16xi1> -> vector<16xi32>
    %add3A_326 = vector.broadcast %add3A_299 : i32 to vector<16xi32>
    %add3A_327 = arith.addi %add3A_326, %masked_cumsum3A_322 : vector<16xi32>
    %sub3A_328 = arith.subi %add3A_327, %convert_element_type3A_318 : vector<16xi32>
    %add3A_329 = vector.broadcast %add3A_302 : i32 to vector<16xi32>
    %add3A_330 = arith.addi %add3A_329, %masked_cumsum3A_325 : vector<16xi32>
    %sub3A_331 = arith.subi %add3A_330, %convert_element_type3A_319 : vector<16xi32>
    %add3A_332 = vector.broadcast %reduce_sum3A_43 : i32 to vector<16xi32>
    %add3A_333 = arith.addi %add3A_332, %sub3A_331 : vector<16xi32>
    %select_n3A_334 = arith.select %and3A_314, %sub3A_328, %add3A_333 : vector<16xi1>, vector<16xi32>
    %add3A_335 = vector.broadcast %reduce_sum3A_47 : i32 to vector<16xi32>
    %add3A_336 = arith.addi %add3A_335, %sub3A_328 : vector<16xi32>
    %select_n3A_337 = arith.select %eq3A_317, %sub3A_331, %add3A_336 : vector<16xi1>, vector<16xi32>
    %or3A_338 = arith.ori %and3A_314, %eq3A_317 : vector<16xi1>
    %lt3A_339 = arith.constant 128 : i32
    %lt3A_340 = vector.broadcast %lt3A_339 : i32 to vector<16xi32>
    %lt3A_341 = arith.cmpi slt, %select_n3A_334, %lt3A_340 : vector<16xi32>
    %and3A_342 = arith.andi %or3A_338, %lt3A_341 : vector<16xi1>
    %select_n3A_343 = arith.select %and3A_342, %select_n3A_334, %add3A_307 : vector<16xi1>, vector<16xi32>
    %lt3A_344 = arith.constant 384 : i32
    %lt3A_345 = vector.broadcast %lt3A_344 : i32 to vector<16xi32>
    %lt3A_346 = arith.cmpi slt, %select_n3A_337, %lt3A_345 : vector<16xi32>
    %and3A_347 = arith.andi %or3A_338, %lt3A_346 : vector<16xi1>
    %add3A_348 = arith.constant 128 : i32
    %add3A_349 = vector.broadcast %add3A_348 : i32 to vector<16xi32>
    %add3A_350 = arith.addi %select_n3A_337, %add3A_349 : vector<16xi32>
    %select_n3A_351 = arith.select %and3A_347, %add3A_350, %add3A_307 : vector<16xi1>, vector<16xi32>
    %select_n3A_352 = arith.select %eq3A_48, %select_n3A_343, %select_n3A_351 : vector<16xi32>
    %swap3A_353 = arith.constant 0 : i32
    %swap3A_354 = arith.index_cast %swap3A_353 : i32 to index
    %swap3A_355 = arith.constant 64 : index
    %swap3A_356 = tpu.vector_load %arg11[%swap3A_354, %swap3A_355] {strides = array<i32>} : memref<3x128xi32, #tpu.memory_space<vmem>>, vector<16xi32>,
    tpu.vector_store %arg11[%swap3A_354, %swap3A_355], %select_n3A_352 {strides = array<i32>} : memref<3x128xi32, #tpu.memory_space<vmem>>, vector<16xi32>,
    %add3A_357 = arith.constant 64 : i32
    %add3A_358 = arith.addi %mul3A_0, %add3A_357 : i32
    %add3A_359 = vector.broadcast %add3A_358 : i32 to vector<16xi32>
    %add3A_360 = arith.addi %add3A_359, %iota3A : vector<16xi32>
    %swap3A_361 = arith.constant 64 : index
    %swap3A_362 = tpu.vector_load %arg10[%swap3A_361] {strides = array<i32>} : memref<384xi32, #tpu.memory_space<vmem>>, vector<16xi32>,
    tpu.vector_store %arg10[%swap3A_361], %add3A_360 {strides = array<i32>} : memref<384xi32, #tpu.memory_space<vmem>>, vector<16xi32>,
    %slice3A_363 = vector.extract_strided_slice %masked_cumsum3A_322 {offsets = [15], sizes = [1], strides = [1]} : vector<16xi32> to vector<1xi32>
    %squeeze3A_364 = vector.extract %slice3A_363[0] : i32 from vector<1xi32>
    %add3A_365 = arith.addi %add3A_299, %squeeze3A_364 : i32
    %slice3A_366 = vector.extract_strided_slice %masked_cumsum3A_325 {offsets = [15], sizes = [1], strides = [1]} : vector<16xi32> to vector<1xi32>
    %squeeze3A_367 = vector.extract %slice3A_366[0] : i32 from vector<1xi32>
    %add3A_368 = arith.addi %add3A_302, %squeeze3A_367 : i32
    %get3A_369 = arith.constant 80 : index
    %get3A_370 = tpu.vector_load %arg8[%get3A_369] {strides = array<i32>} : memref<384xi32, #tpu.memory_space<vmem>>, vector<16xi32>,
    %add3A_371 = arith.constant 592 : i32
    %add3A_372 = vector.broadcast %add3A_371 : i32 to vector<16xi32>
    %add3A_373 = arith.addi %add3A_372, %iota3A : vector<16xi32>
    %ge3A_374 = arith.constant 0 : i32
    %ge3A_375 = vector.broadcast %ge3A_374 : i32 to vector<16xi32>
    %ge3A_376 = arith.cmpi sge, %get3A_370, %ge3A_375 : vector<16xi32>
    %lt3A_377 = arith.constant 80 : i32
    %lt3A_378 = vector.broadcast %lt3A_377 : i32 to vector<16xi32>
    %lt3A_379 = arith.cmpi slt, %get3A_370, %lt3A_378 : vector<16xi32>
    %and3A_380 = arith.andi %ge3A_376, %lt3A_379 : vector<16xi1>
    %eq3A_381 = arith.constant 80 : i32
    %eq3A_382 = vector.broadcast %eq3A_381 : i32 to vector<16xi32>
    %eq3A_383 = arith.cmpi eq, %get3A_370, %eq3A_382 : vector<16xi32>
    %convert_element_type3A_384 = arith.extui %and3A_380 : vector<16xi1> to vector<16xi32>
    %convert_element_type3A_385 = arith.extui %eq3A_383 : vector<16xi1> to vector<16xi32>
    %broadcast_in_dim3A_386 = arith.constant true
    %broadcast_in_dim3A_387 = vector.broadcast %broadcast_in_dim3A_386 : i1 to vector<16xi1>
    %masked_cumsum3A_388 = tpu.scan <sum>, %convert_element_type3A_384 masked %broadcast_in_dim3A_387 : vector<16xi32>, vector<16xi1> -> vector<16xi32>
    %broadcast_in_dim3A_389 = arith.constant true
    %broadcast_in_dim3A_390 = vector.broadcast %broadcast_in_dim3A_389 : i1 to vector<16xi1>
    %masked_cumsum3A_391 = tpu.scan <sum>, %convert_element_type3A_385 masked %broadcast_in_dim3A_390 : vector<16xi32>, vector<16xi1> -> vector<16xi32>
    %add3A_392 = vector.broadcast %add3A_365 : i32 to vector<16xi32>
    %add3A_393 = arith.addi %add3A_392, %masked_cumsum3A_388 : vector<16xi32>
    %sub3A_394 = arith.subi %add3A_393, %convert_element_type3A_384 : vector<16xi32>
    %add3A_395 = vector.broadcast %add3A_368 : i32 to vector<16xi32>
    %add3A_396 = arith.addi %add3A_395, %masked_cumsum3A_391 : vector<16xi32>
    %sub3A_397 = arith.subi %add3A_396, %convert_element_type3A_385 : vector<16xi32>
    %add3A_398 = vector.broadcast %reduce_sum3A_43 : i32 to vector<16xi32>
    %add3A_399 = arith.addi %add3A_398, %sub3A_397 : vector<16xi32>
    %select_n3A_400 = arith.select %and3A_380, %sub3A_394, %add3A_399 : vector<16xi1>, vector<16xi32>
    %add3A_401 = vector.broadcast %reduce_sum3A_47 : i32 to vector<16xi32>
    %add3A_402 = arith.addi %add3A_401, %sub3A_394 : vector<16xi32>
    %select_n3A_403 = arith.select %eq3A_383, %sub3A_397, %add3A_402 : vector<16xi1>, vector<16xi32>
    %or3A_404 = arith.ori %and3A_380, %eq3A_383 : vector<16xi1>
    %lt3A_405 = arith.constant 128 : i32
    %lt3A_406 = vector.broadcast %lt3A_405 : i32 to vector<16xi32>
    %lt3A_407 = arith.cmpi slt, %select_n3A_400, %lt3A_406 : vector<16xi32>
    %and3A_408 = arith.andi %or3A_404, %lt3A_407 : vector<16xi1>
    %select_n3A_409 = arith.select %and3A_408, %select_n3A_400, %add3A_373 : vector<16xi1>, vector<16xi32>
    %lt3A_410 = arith.constant 384 : i32
    %lt3A_411 = vector.broadcast %lt3A_410 : i32 to vector<16xi32>
    %lt3A_412 = arith.cmpi slt, %select_n3A_403, %lt3A_411 : vector<16xi32>
    %and3A_413 = arith.andi %or3A_404, %lt3A_412 : vector<16xi1>
    %add3A_414 = arith.constant 128 : i32
    %add3A_415 = vector.broadcast %add3A_414 : i32 to vector<16xi32>
    %add3A_416 = arith.addi %select_n3A_403, %add3A_415 : vector<16xi32>
    %select_n3A_417 = arith.select %and3A_413, %add3A_416, %add3A_373 : vector<16xi1>, vector<16xi32>
    %select_n3A_418 = arith.select %eq3A_48, %select_n3A_409, %select_n3A_417 : vector<16xi32>
    %swap3A_419 = arith.constant 0 : i32
    %swap3A_420 = arith.index_cast %swap3A_419 : i32 to index
    %swap3A_421 = arith.constant 80 : index
    %swap3A_422 = tpu.vector_load %arg11[%swap3A_420, %swap3A_421] {strides = array<i32>} : memref<3x128xi32, #tpu.memory_space<vmem>>, vector<16xi32>,
    tpu.vector_store %arg11[%swap3A_420, %swap3A_421], %select_n3A_418 {strides = array<i32>} : memref<3x128xi32, #tpu.memory_space<vmem>>, vector<16xi32>,
    %add3A_423 = arith.constant 80 : i32
    %add3A_424 = arith.addi %mul3A_0, %add3A_423 : i32
    %add3A_425 = vector.broadcast %add3A_424 : i32 to vector<16xi32>
    %add3A_426 = arith.addi %add3A_425, %iota3A : vector<16xi32>
    %swap3A_427 = arith.constant 80 : index
    %swap3A_428 = tpu.vector_load %arg10[%swap3A_427] {strides = array<i32>} : memref<384xi32, #tpu.memory_space<vmem>>, vector<16xi32>,
    tpu.vector_store %arg10[%swap3A_427], %add3A_426 {strides = array<i32>} : memref<384xi32, #tpu.memory_space<vmem>>, vector<16xi32>,
    %slice3A_429 = vector.extract_strided_slice %masked_cumsum3A_388 {offsets = [15], sizes = [1], strides = [1]} : vector<16xi32> to vector<1xi32>
    %squeeze3A_430 = vector.extract %slice3A_429[0] : i32 from vector<1xi32>
    %add3A_431 = arith.addi %add3A_365, %squeeze3A_430 : i32
    %slice3A_432 = vector.extract_strided_slice %masked_cumsum3A_391 {offsets = [15], sizes = [1], strides = [1]} : vector<16xi32> to vector<1xi32>
    %squeeze3A_433 = vector.extract %slice3A_432[0] : i32 from vector<1xi32>
    %add3A_434 = arith.addi %add3A_368, %squeeze3A_433 : i32
    %get3A_435 = arith.constant 96 : index
    %get3A_436 = tpu.vector_load %arg8[%get3A_435] {strides = array<i32>} : memref<384xi32, #tpu.memory_space<vmem>>, vector<16xi32>,
    %add3A_437 = arith.constant 608 : i32
    %add3A_438 = vector.broadcast %add3A_437 : i32 to vector<16xi32>
    %add3A_439 = arith.addi %add3A_438, %iota3A : vector<16xi32>
    %ge3A_440 = arith.constant 0 : i32
    %ge3A_441 = vector.broadcast %ge3A_440 : i32 to vector<16xi32>
    %ge3A_442 = arith.cmpi sge, %get3A_436, %ge3A_441 : vector<16xi32>
    %lt3A_443 = arith.constant 80 : i32
    %lt3A_444 = vector.broadcast %lt3A_443 : i32 to vector<16xi32>
    %lt3A_445 = arith.cmpi slt, %get3A_436, %lt3A_444 : vector<16xi32>
    %and3A_446 = arith.andi %ge3A_442, %lt3A_445 : vector<16xi1>
    %eq3A_447 = arith.constant 80 : i32
    %eq3A_448 = vector.broadcast %eq3A_447 : i32 to vector<16xi32>
    %eq3A_449 = arith.cmpi eq, %get3A_436, %eq3A_448 : vector<16xi32>
    %convert_element_type3A_450 = arith.extui %and3A_446 : vector<16xi1> to vector<16xi32>
    %convert_element_type3A_451 = arith.extui %eq3A_449 : vector<16xi1> to vector<16xi32>
    %broadcast_in_dim3A_452 = arith.constant true
    %broadcast_in_dim3A_453 = vector.broadcast %broadcast_in_dim3A_452 : i1 to vector<16xi1>
    %masked_cumsum3A_454 = tpu.scan <sum>, %convert_element_type3A_450 masked %broadcast_in_dim3A_453 : vector<16xi32>, vector<16xi1> -> vector<16xi32>
    %broadcast_in_dim3A_455 = arith.constant true
    %broadcast_in_dim3A_456 = vector.broadcast %broadcast_in_dim3A_455 : i1 to vector<16xi1>
    %masked_cumsum3A_457 = tpu.scan <sum>, %convert_element_type3A_451 masked %broadcast_in_dim3A_456 : vector<16xi32>, vector<16xi1> -> vector<16xi32>
    %add3A_458 = vector.broadcast %add3A_431 : i32 to vector<16xi32>
    %add3A_459 = arith.addi %add3A_458, %masked_cumsum3A_454 : vector<16xi32>
    %sub3A_460 = arith.subi %add3A_459, %convert_element_type3A_450 : vector<16xi32>
    %add3A_461 = vector.broadcast %add3A_434 : i32 to vector<16xi32>
    %add3A_462 = arith.addi %add3A_461, %masked_cumsum3A_457 : vector<16xi32>
    %sub3A_463 = arith.subi %add3A_462, %convert_element_type3A_451 : vector<16xi32>
    %add3A_464 = vector.broadcast %reduce_sum3A_43 : i32 to vector<16xi32>
    %add3A_465 = arith.addi %add3A_464, %sub3A_463 : vector<16xi32>
    %select_n3A_466 = arith.select %and3A_446, %sub3A_460, %add3A_465 : vector<16xi1>, vector<16xi32>
    %add3A_467 = vector.broadcast %reduce_sum3A_47 : i32 to vector<16xi32>
    %add3A_468 = arith.addi %add3A_467, %sub3A_460 : vector<16xi32>
    %select_n3A_469 = arith.select %eq3A_449, %sub3A_463, %add3A_468 : vector<16xi1>, vector<16xi32>
    %or3A_470 = arith.ori %and3A_446, %eq3A_449 : vector<16xi1>
    %lt3A_471 = arith.constant 128 : i32
    %lt3A_472 = vector.broadcast %lt3A_471 : i32 to vector<16xi32>
    %lt3A_473 = arith.cmpi slt, %select_n3A_466, %lt3A_472 : vector<16xi32>
    %and3A_474 = arith.andi %or3A_470, %lt3A_473 : vector<16xi1>
    %select_n3A_475 = arith.select %and3A_474, %select_n3A_466, %add3A_439 : vector<16xi1>, vector<16xi32>
    %lt3A_476 = arith.constant 384 : i32
    %lt3A_477 = vector.broadcast %lt3A_476 : i32 to vector<16xi32>
    %lt3A_478 = arith.cmpi slt, %select_n3A_469, %lt3A_477 : vector<16xi32>
    %and3A_479 = arith.andi %or3A_470, %lt3A_478 : vector<16xi1>
    %add3A_480 = arith.constant 128 : i32
    %add3A_481 = vector.broadcast %add3A_480 : i32 to vector<16xi32>
    %add3A_482 = arith.addi %select_n3A_469, %add3A_481 : vector<16xi32>
    %select_n3A_483 = arith.select %and3A_479, %add3A_482, %add3A_439 : vector<16xi1>, vector<16xi32>
    %select_n3A_484 = arith.select %eq3A_48, %select_n3A_475, %select_n3A_483 : vector<16xi32>
    %swap3A_485 = arith.constant 0 : i32
    %swap3A_486 = arith.index_cast %swap3A_485 : i32 to index
    %swap3A_487 = arith.constant 96 : index
    %swap3A_488 = tpu.vector_load %arg11[%swap3A_486, %swap3A_487] {strides = array<i32>} : memref<3x128xi32, #tpu.memory_space<vmem>>, vector<16xi32>,
    tpu.vector_store %arg11[%swap3A_486, %swap3A_487], %select_n3A_484 {strides = array<i32>} : memref<3x128xi32, #tpu.memory_space<vmem>>, vector<16xi32>,
    %add3A_489 = arith.constant 96 : i32
    %add3A_490 = arith.addi %mul3A_0, %add3A_489 : i32
    %add3A_491 = vector.broadcast %add3A_490 : i32 to vector<16xi32>
    %add3A_492 = arith.addi %add3A_491, %iota3A : vector<16xi32>
    %swap3A_493 = arith.constant 96 : index
    %swap3A_494 = tpu.vector_load %arg10[%swap3A_493] {strides = array<i32>} : memref<384xi32, #tpu.memory_space<vmem>>, vector<16xi32>,
    tpu.vector_store %arg10[%swap3A_493], %add3A_492 {strides = array<i32>} : memref<384xi32, #tpu.memory_space<vmem>>, vector<16xi32>,
    %slice3A_495 = vector.extract_strided_slice %masked_cumsum3A_454 {offsets = [15], sizes = [1], strides = [1]} : vector<16xi32> to vector<1xi32>
    %squeeze3A_496 = vector.extract %slice3A_495[0] : i32 from vector<1xi32>
    %add3A_497 = arith.addi %add3A_431, %squeeze3A_496 : i32
    %slice3A_498 = vector.extract_strided_slice %masked_cumsum3A_457 {offsets = [15], sizes = [1], strides = [1]} : vector<16xi32> to vector<1xi32>
    %squeeze3A_499 = vector.extract %slice3A_498[0] : i32 from vector<1xi32>
    %add3A_500 = arith.addi %add3A_434, %squeeze3A_499 : i32
    %get3A_501 = arith.constant 112 : index
    %get3A_502 = tpu.vector_load %arg8[%get3A_501] {strides = array<i32>} : memref<384xi32, #tpu.memory_space<vmem>>, vector<16xi32>,
    %add3A_503 = arith.constant 624 : i32
    %add3A_504 = vector.broadcast %add3A_503 : i32 to vector<16xi32>
    %add3A_505 = arith.addi %add3A_504, %iota3A : vector<16xi32>
    %ge3A_506 = arith.constant 0 : i32
    %ge3A_507 = vector.broadcast %ge3A_506 : i32 to vector<16xi32>
    %ge3A_508 = arith.cmpi sge, %get3A_502, %ge3A_507 : vector<16xi32>
    %lt3A_509 = arith.constant 80 : i32
    %lt3A_510 = vector.broadcast %lt3A_509 : i32 to vector<16xi32>
    %lt3A_511 = arith.cmpi slt, %get3A_502, %lt3A_510 : vector<16xi32>
    %and3A_512 = arith.andi %ge3A_508, %lt3A_511 : vector<16xi1>
    %eq3A_513 = arith.constant 80 : i32
    %eq3A_514 = vector.broadcast %eq3A_513 : i32 to vector<16xi32>
    %eq3A_515 = arith.cmpi eq, %get3A_502, %eq3A_514 : vector<16xi32>
    %convert_element_type3A_516 = arith.extui %and3A_512 : vector<16xi1> to vector<16xi32>
    %convert_element_type3A_517 = arith.extui %eq3A_515 : vector<16xi1> to vector<16xi32>
    %broadcast_in_dim3A_518 = arith.constant true
    %broadcast_in_dim3A_519 = vector.broadcast %broadcast_in_dim3A_518 : i1 to vector<16xi1>
    %masked_cumsum3A_520 = tpu.scan <sum>, %convert_element_type3A_516 masked %broadcast_in_dim3A_519 : vector<16xi32>, vector<16xi1> -> vector<16xi32>
    %broadcast_in_dim3A_521 = arith.constant true
    %broadcast_in_dim3A_522 = vector.broadcast %broadcast_in_dim3A_521 : i1 to vector<16xi1>
    %masked_cumsum3A_523 = tpu.scan <sum>, %convert_element_type3A_517 masked %broadcast_in_dim3A_522 : vector<16xi32>, vector<16xi1> -> vector<16xi32>
    %add3A_524 = vector.broadcast %add3A_497 : i32 to vector<16xi32>
    %add3A_525 = arith.addi %add3A_524, %masked_cumsum3A_520 : vector<16xi32>
    %sub3A_526 = arith.subi %add3A_525, %convert_element_type3A_516 : vector<16xi32>
    %add3A_527 = vector.broadcast %add3A_500 : i32 to vector<16xi32>
    %add3A_528 = arith.addi %add3A_527, %masked_cumsum3A_523 : vector<16xi32>
    %sub3A_529 = arith.subi %add3A_528, %convert_element_type3A_517 : vector<16xi32>
    %add3A_530 = vector.broadcast %reduce_sum3A_43 : i32 to vector<16xi32>
    %add3A_531 = arith.addi %add3A_530, %sub3A_529 : vector<16xi32>
    %select_n3A_532 = arith.select %and3A_512, %sub3A_526, %add3A_531 : vector<16xi1>, vector<16xi32>
    %add3A_533 = vector.broadcast %reduce_sum3A_47 : i32 to vector<16xi32>
    %add3A_534 = arith.addi %add3A_533, %sub3A_526 : vector<16xi32>
    %select_n3A_535 = arith.select %eq3A_515, %sub3A_529, %add3A_534 : vector<16xi1>, vector<16xi32>
    %or3A_536 = arith.ori %and3A_512, %eq3A_515 : vector<16xi1>
    %lt3A_537 = arith.constant 128 : i32
    %lt3A_538 = vector.broadcast %lt3A_537 : i32 to vector<16xi32>
    %lt3A_539 = arith.cmpi slt, %select_n3A_532, %lt3A_538 : vector<16xi32>
    %and3A_540 = arith.andi %or3A_536, %lt3A_539 : vector<16xi1>
    %select_n3A_541 = arith.select %and3A_540, %select_n3A_532, %add3A_505 : vector<16xi1>, vector<16xi32>
    %lt3A_542 = arith.constant 384 : i32
    %lt3A_543 = vector.broadcast %lt3A_542 : i32 to vector<16xi32>
    %lt3A_544 = arith.cmpi slt, %select_n3A_535, %lt3A_543 : vector<16xi32>
    %and3A_545 = arith.andi %or3A_536, %lt3A_544 : vector<16xi1>
    %add3A_546 = arith.constant 128 : i32
    %add3A_547 = vector.broadcast %add3A_546 : i32 to vector<16xi32>
    %add3A_548 = arith.addi %select_n3A_535, %add3A_547 : vector<16xi32>
    %select_n3A_549 = arith.select %and3A_545, %add3A_548, %add3A_505 : vector<16xi1>, vector<16xi32>
    %select_n3A_550 = arith.select %eq3A_48, %select_n3A_541, %select_n3A_549 : vector<16xi32>
    %swap3A_551 = arith.constant 0 : i32
    %swap3A_552 = arith.index_cast %swap3A_551 : i32 to index
    %swap3A_553 = arith.constant 112 : index
    %swap3A_554 = tpu.vector_load %arg11[%swap3A_552, %swap3A_553] {strides = array<i32>} : memref<3x128xi32, #tpu.memory_space<vmem>>, vector<16xi32>,
    tpu.vector_store %arg11[%swap3A_552, %swap3A_553], %select_n3A_550 {strides = array<i32>} : memref<3x128xi32, #tpu.memory_space<vmem>>, vector<16xi32>,
    %add3A_555 = arith.constant 112 : i32
    %add3A_556 = arith.addi %mul3A_0, %add3A_555 : i32
    %add3A_557 = vector.broadcast %add3A_556 : i32 to vector<16xi32>
    %add3A_558 = arith.addi %add3A_557, %iota3A : vector<16xi32>
    %swap3A_559 = arith.constant 112 : index
    %swap3A_560 = tpu.vector_load %arg10[%swap3A_559] {strides = array<i32>} : memref<384xi32, #tpu.memory_space<vmem>>, vector<16xi32>,
    tpu.vector_store %arg10[%swap3A_559], %add3A_558 {strides = array<i32>} : memref<384xi32, #tpu.memory_space<vmem>>, vector<16xi32>,
    %slice3A_561 = vector.extract_strided_slice %masked_cumsum3A_520 {offsets = [15], sizes = [1], strides = [1]} : vector<16xi32> to vector<1xi32>
    %squeeze3A_562 = vector.extract %slice3A_561[0] : i32 from vector<1xi32>
    %add3A_563 = arith.addi %add3A_497, %squeeze3A_562 : i32
    %slice3A_564 = vector.extract_strided_slice %masked_cumsum3A_523 {offsets = [15], sizes = [1], strides = [1]} : vector<16xi32> to vector<1xi32>
    %squeeze3A_565 = vector.extract %slice3A_564[0] : i32 from vector<1xi32>
    %add3A_566 = arith.addi %add3A_500, %squeeze3A_565 : i32
    %dma_start3A_567 = arith.constant 0 : i32
    %dma_start3A_568 = arith.constant 0 : i32
    %dma_start3A_569 = tpu.memref_slice %arg10[%dma_start3A_568] : memref<384xi32, #tpu.memory_space<vmem>> -> memref<128xi32, #tpu.memory_space<vmem>>
    %dma_start3A_570 = arith.constant 0 : i32
    %dma_start3A_571 = tpu.memref_slice %arg11[%dma_start3A_567, %dma_start3A_570] : memref<3x128xi32, #tpu.memory_space<vmem>> -> memref<1x128xi32, #tpu.memory_space<vmem>>
    %dma_start3A_572 = tpu.memref_squeeze %dma_start3A_571 : memref<1x128xi32, #tpu.memory_space<vmem>> -> memref<128xi32, #tpu.memory_space<vmem>>
    %dma_start3A_573 = arith.constant 0 : i32
    %dma_start3A_574 = tpu.memref_slice %arg13[%dma_start3A_573] : memref<896xi32, #tpu.memory_space<vmem_shared>> -> memref<896xi32, #tpu.memory_space<vmem_shared>>
    tpu.enqueue_indirect_dma source(%dma_start3A_569 : memref<128xi32, #tpu.memory_space<vmem>>) target(%dma_start3A_574 : memref<896xi32, #tpu.memory_space<vmem_shared>>) offsets(%dma_start3A_572 : memref<128xi32, #tpu.memory_space<vmem>>) semaphore(%arg17 : memref<!tpu.dma_semaphore, #tpu.memory_space<semaphore_mem>>)
    %dma_start3A_575 = arith.constant 0 : i32
    %dma_start3A_576 = arith.constant 0 : i32
    %dma_start3A_577 = tpu.memref_slice %arg8[%dma_start3A_576] : memref<384xi32, #tpu.memory_space<vmem>> -> memref<128xi32, #tpu.memory_space<vmem>>
    %dma_start3A_578 = arith.constant 0 : i32
    %dma_start3A_579 = tpu.memref_slice %arg11[%dma_start3A_575, %dma_start3A_578] : memref<3x128xi32, #tpu.memory_space<vmem>> -> memref<1x128xi32, #tpu.memory_space<vmem>>
    %dma_start3A_580 = tpu.memref_squeeze %dma_start3A_579 : memref<1x128xi32, #tpu.memory_space<vmem>> -> memref<128xi32, #tpu.memory_space<vmem>>
    %dma_start3A_581 = arith.constant 0 : i32
    %dma_start3A_582 = tpu.memref_slice %arg14[%dma_start3A_581] : memref<896xi32, #tpu.memory_space<vmem_shared>> -> memref<896xi32, #tpu.memory_space<vmem_shared>>
    tpu.enqueue_indirect_dma source(%dma_start3A_577 : memref<128xi32, #tpu.memory_space<vmem>>) target(%dma_start3A_582 : memref<896xi32, #tpu.memory_space<vmem_shared>>) offsets(%dma_start3A_580 : memref<128xi32, #tpu.memory_space<vmem>>) semaphore(%arg17 : memref<!tpu.dma_semaphore, #tpu.memory_space<semaphore_mem>>)
    %dma_start3A_583 = arith.constant 0 : i32
    %dma_start3A_584 = arith.constant 0 : i32
    %dma_start3A_585 = tpu.memref_slice %arg9[%dma_start3A_584] : memref<384xf32, #tpu.memory_space<vmem>> -> memref<128xf32, #tpu.memory_space<vmem>>
    %dma_start3A_586 = arith.constant 0 : i32
    %dma_start3A_587 = tpu.memref_slice %arg11[%dma_start3A_583, %dma_start3A_586] : memref<3x128xi32, #tpu.memory_space<vmem>> -> memref<1x128xi32, #tpu.memory_space<vmem>>
    %dma_start3A_588 = tpu.memref_squeeze %dma_start3A_587 : memref<1x128xi32, #tpu.memory_space<vmem>> -> memref<128xi32, #tpu.memory_space<vmem>>
    %dma_start3A_589 = arith.constant 0 : i32
    %dma_start3A_590 = tpu.memref_slice %arg15[%dma_start3A_589] : memref<896xf32, #tpu.memory_space<vmem_shared>> -> memref<896xf32, #tpu.memory_space<vmem_shared>>
    tpu.enqueue_indirect_dma source(%dma_start3A_585 : memref<128xf32, #tpu.memory_space<vmem>>) target(%dma_start3A_590 : memref<896xf32, #tpu.memory_space<vmem_shared>>) offsets(%dma_start3A_588 : memref<128xi32, #tpu.memory_space<vmem>>) semaphore(%arg17 : memref<!tpu.dma_semaphore, #tpu.memory_space<semaphore_mem>>)
    %get3A_591 = arith.constant 128 : index
    %get3A_592 = tpu.vector_load %arg8[%get3A_591] {strides = array<i32>} : memref<384xi32, #tpu.memory_space<vmem>>, vector<16xi32>,
    %add3A_593 = arith.constant 640 : i32
    %add3A_594 = vector.broadcast %add3A_593 : i32 to vector<16xi32>
    %add3A_595 = arith.addi %add3A_594, %iota3A : vector<16xi32>
    %ge3A_596 = arith.constant 0 : i32
    %ge3A_597 = vector.broadcast %ge3A_596 : i32 to vector<16xi32>
    %ge3A_598 = arith.cmpi sge, %get3A_592, %ge3A_597 : vector<16xi32>
    %lt3A_599 = arith.constant 80 : i32
    %lt3A_600 = vector.broadcast %lt3A_599 : i32 to vector<16xi32>
    %lt3A_601 = arith.cmpi slt, %get3A_592, %lt3A_600 : vector<16xi32>
    %and3A_602 = arith.andi %ge3A_598, %lt3A_601 : vector<16xi1>
    %eq3A_603 = arith.constant 80 : i32
    %eq3A_604 = vector.broadcast %eq3A_603 : i32 to vector<16xi32>
    %eq3A_605 = arith.cmpi eq, %get3A_592, %eq3A_604 : vector<16xi32>
    %convert_element_type3A_606 = arith.extui %and3A_602 : vector<16xi1> to vector<16xi32>
    %convert_element_type3A_607 = arith.extui %eq3A_605 : vector<16xi1> to vector<16xi32>
    %broadcast_in_dim3A_608 = arith.constant true
    %broadcast_in_dim3A_609 = vector.broadcast %broadcast_in_dim3A_608 : i1 to vector<16xi1>
    %masked_cumsum3A_610 = tpu.scan <sum>, %convert_element_type3A_606 masked %broadcast_in_dim3A_609 : vector<16xi32>, vector<16xi1> -> vector<16xi32>
    %broadcast_in_dim3A_611 = arith.constant true
    %broadcast_in_dim3A_612 = vector.broadcast %broadcast_in_dim3A_611 : i1 to vector<16xi1>
    %masked_cumsum3A_613 = tpu.scan <sum>, %convert_element_type3A_607 masked %broadcast_in_dim3A_612 : vector<16xi32>, vector<16xi1> -> vector<16xi32>
    %add3A_614 = vector.broadcast %add3A_563 : i32 to vector<16xi32>
    %add3A_615 = arith.addi %add3A_614, %masked_cumsum3A_610 : vector<16xi32>
    %sub3A_616 = arith.subi %add3A_615, %convert_element_type3A_606 : vector<16xi32>
    %add3A_617 = vector.broadcast %add3A_566 : i32 to vector<16xi32>
    %add3A_618 = arith.addi %add3A_617, %masked_cumsum3A_613 : vector<16xi32>
    %sub3A_619 = arith.subi %add3A_618, %convert_element_type3A_607 : vector<16xi32>
    %add3A_620 = vector.broadcast %reduce_sum3A_43 : i32 to vector<16xi32>
    %add3A_621 = arith.addi %add3A_620, %sub3A_619 : vector<16xi32>
    %select_n3A_622 = arith.select %and3A_602, %sub3A_616, %add3A_621 : vector<16xi1>, vector<16xi32>
    %add3A_623 = vector.broadcast %reduce_sum3A_47 : i32 to vector<16xi32>
    %add3A_624 = arith.addi %add3A_623, %sub3A_616 : vector<16xi32>
    %select_n3A_625 = arith.select %eq3A_605, %sub3A_619, %add3A_624 : vector<16xi1>, vector<16xi32>
    %or3A_626 = arith.ori %and3A_602, %eq3A_605 : vector<16xi1>
    %lt3A_627 = arith.constant 128 : i32
    %lt3A_628 = vector.broadcast %lt3A_627 : i32 to vector<16xi32>
    %lt3A_629 = arith.cmpi slt, %select_n3A_622, %lt3A_628 : vector<16xi32>
    %and3A_630 = arith.andi %or3A_626, %lt3A_629 : vector<16xi1>
    %select_n3A_631 = arith.select %and3A_630, %select_n3A_622, %add3A_595 : vector<16xi1>, vector<16xi32>
    %lt3A_632 = arith.constant 384 : i32
    %lt3A_633 = vector.broadcast %lt3A_632 : i32 to vector<16xi32>
    %lt3A_634 = arith.cmpi slt, %select_n3A_625, %lt3A_633 : vector<16xi32>
    %and3A_635 = arith.andi %or3A_626, %lt3A_634 : vector<16xi1>
    %add3A_636 = arith.constant 128 : i32
    %add3A_637 = vector.broadcast %add3A_636 : i32 to vector<16xi32>
    %add3A_638 = arith.addi %select_n3A_625, %add3A_637 : vector<16xi32>
    %select_n3A_639 = arith.select %and3A_635, %add3A_638, %add3A_595 : vector<16xi1>, vector<16xi32>
    %select_n3A_640 = arith.select %eq3A_48, %select_n3A_631, %select_n3A_639 : vector<16xi32>
    %swap3A_641 = arith.constant 1 : i32
    %swap3A_642 = arith.index_cast %swap3A_641 : i32 to index
    %swap3A_643 = arith.constant 0 : index
    %swap3A_644 = tpu.vector_load %arg11[%swap3A_642, %swap3A_643] {strides = array<i32>} : memref<3x128xi32, #tpu.memory_space<vmem>>, vector<16xi32>,
    tpu.vector_store %arg11[%swap3A_642, %swap3A_643], %select_n3A_640 {strides = array<i32>} : memref<3x128xi32, #tpu.memory_space<vmem>>, vector<16xi32>,
    %add3A_645 = arith.constant 128 : i32
    %add3A_646 = arith.addi %mul3A_0, %add3A_645 : i32
    %add3A_647 = vector.broadcast %add3A_646 : i32 to vector<16xi32>
    %add3A_648 = arith.addi %add3A_647, %iota3A : vector<16xi32>
    %swap3A_649 = arith.constant 128 : index
    %swap3A_650 = tpu.vector_load %arg10[%swap3A_649] {strides = array<i32>} : memref<384xi32, #tpu.memory_space<vmem>>, vector<16xi32>,
    tpu.vector_store %arg10[%swap3A_649], %add3A_648 {strides = array<i32>} : memref<384xi32, #tpu.memory_space<vmem>>, vector<16xi32>,
    %slice3A_651 = vector.extract_strided_slice %masked_cumsum3A_610 {offsets = [15], sizes = [1], strides = [1]} : vector<16xi32> to vector<1xi32>
    %squeeze3A_652 = vector.extract %slice3A_651[0] : i32 from vector<1xi32>
    %add3A_653 = arith.addi %add3A_563, %squeeze3A_652 : i32
    %slice3A_654 = vector.extract_strided_slice %masked_cumsum3A_613 {offsets = [15], sizes = [1], strides = [1]} : vector<16xi32> to vector<1xi32>
    %squeeze3A_655 = vector.extract %slice3A_654[0] : i32 from vector<1xi32>
    %add3A_656 = arith.addi %add3A_566, %squeeze3A_655 : i32
    %get3A_657 = arith.constant 144 : index
    %get3A_658 = tpu.vector_load %arg8[%get3A_657] {strides = array<i32>} : memref<384xi32, #tpu.memory_space<vmem>>, vector<16xi32>,
    %add3A_659 = arith.constant 656 : i32
    %add3A_660 = vector.broadcast %add3A_659 : i32 to vector<16xi32>
    %add3A_661 = arith.addi %add3A_660, %iota3A : vector<16xi32>
    %ge3A_662 = arith.constant 0 : i32
    %ge3A_663 = vector.broadcast %ge3A_662 : i32 to vector<16xi32>
    %ge3A_664 = arith.cmpi sge, %get3A_658, %ge3A_663 : vector<16xi32>
    %lt3A_665 = arith.constant 80 : i32
    %lt3A_666 = vector.broadcast %lt3A_665 : i32 to vector<16xi32>
    %lt3A_667 = arith.cmpi slt, %get3A_658, %lt3A_666 : vector<16xi32>
    %and3A_668 = arith.andi %ge3A_664, %lt3A_667 : vector<16xi1>
    %eq3A_669 = arith.constant 80 : i32
    %eq3A_670 = vector.broadcast %eq3A_669 : i32 to vector<16xi32>
    %eq3A_671 = arith.cmpi eq, %get3A_658, %eq3A_670 : vector<16xi32>
    %convert_element_type3A_672 = arith.extui %and3A_668 : vector<16xi1> to vector<16xi32>
    %convert_element_type3A_673 = arith.extui %eq3A_671 : vector<16xi1> to vector<16xi32>
    %broadcast_in_dim3A_674 = arith.constant true
    %broadcast_in_dim3A_675 = vector.broadcast %broadcast_in_dim3A_674 : i1 to vector<16xi1>
    %masked_cumsum3A_676 = tpu.scan <sum>, %convert_element_type3A_672 masked %broadcast_in_dim3A_675 : vector<16xi32>, vector<16xi1> -> vector<16xi32>
    %broadcast_in_dim3A_677 = arith.constant true
    %broadcast_in_dim3A_678 = vector.broadcast %broadcast_in_dim3A_677 : i1 to vector<16xi1>
    %masked_cumsum3A_679 = tpu.scan <sum>, %convert_element_type3A_673 masked %broadcast_in_dim3A_678 : vector<16xi32>, vector<16xi1> -> vector<16xi32>
    %add3A_680 = vector.broadcast %add3A_653 : i32 to vector<16xi32>
    %add3A_681 = arith.addi %add3A_680, %masked_cumsum3A_676 : vector<16xi32>
    %sub3A_682 = arith.subi %add3A_681, %convert_element_type3A_672 : vector<16xi32>
    %add3A_683 = vector.broadcast %add3A_656 : i32 to vector<16xi32>
    %add3A_684 = arith.addi %add3A_683, %masked_cumsum3A_679 : vector<16xi32>
    %sub3A_685 = arith.subi %add3A_684, %convert_element_type3A_673 : vector<16xi32>
    %add3A_686 = vector.broadcast %reduce_sum3A_43 : i32 to vector<16xi32>
    %add3A_687 = arith.addi %add3A_686, %sub3A_685 : vector<16xi32>
    %select_n3A_688 = arith.select %and3A_668, %sub3A_682, %add3A_687 : vector<16xi1>, vector<16xi32>
    %add3A_689 = vector.broadcast %reduce_sum3A_47 : i32 to vector<16xi32>
    %add3A_690 = arith.addi %add3A_689, %sub3A_682 : vector<16xi32>
    %select_n3A_691 = arith.select %eq3A_671, %sub3A_685, %add3A_690 : vector<16xi1>, vector<16xi32>
    %or3A_692 = arith.ori %and3A_668, %eq3A_671 : vector<16xi1>
    %lt3A_693 = arith.constant 128 : i32
    %lt3A_694 = vector.broadcast %lt3A_693 : i32 to vector<16xi32>
    %lt3A_695 = arith.cmpi slt, %select_n3A_688, %lt3A_694 : vector<16xi32>
    %and3A_696 = arith.andi %or3A_692, %lt3A_695 : vector<16xi1>
    %select_n3A_697 = arith.select %and3A_696, %select_n3A_688, %add3A_661 : vector<16xi1>, vector<16xi32>
    %lt3A_698 = arith.constant 384 : i32
    %lt3A_699 = vector.broadcast %lt3A_698 : i32 to vector<16xi32>
    %lt3A_700 = arith.cmpi slt, %select_n3A_691, %lt3A_699 : vector<16xi32>
    %and3A_701 = arith.andi %or3A_692, %lt3A_700 : vector<16xi1>
    %add3A_702 = arith.constant 128 : i32
    %add3A_703 = vector.broadcast %add3A_702 : i32 to vector<16xi32>
    %add3A_704 = arith.addi %select_n3A_691, %add3A_703 : vector<16xi32>
    %select_n3A_705 = arith.select %and3A_701, %add3A_704, %add3A_661 : vector<16xi1>, vector<16xi32>
    %select_n3A_706 = arith.select %eq3A_48, %select_n3A_697, %select_n3A_705 : vector<16xi32>
    %swap3A_707 = arith.constant 1 : i32
    %swap3A_708 = arith.index_cast %swap3A_707 : i32 to index
    %swap3A_709 = arith.constant 16 : index
    %swap3A_710 = tpu.vector_load %arg11[%swap3A_708, %swap3A_709] {strides = array<i32>} : memref<3x128xi32, #tpu.memory_space<vmem>>, vector<16xi32>,
    tpu.vector_store %arg11[%swap3A_708, %swap3A_709], %select_n3A_706 {strides = array<i32>} : memref<3x128xi32, #tpu.memory_space<vmem>>, vector<16xi32>,
    %add3A_711 = arith.constant 144 : i32
    %add3A_712 = arith.addi %mul3A_0, %add3A_711 : i32
    %add3A_713 = vector.broadcast %add3A_712 : i32 to vector<16xi32>
    %add3A_714 = arith.addi %add3A_713, %iota3A : vector<16xi32>
    %swap3A_715 = arith.constant 144 : index
    %swap3A_716 = tpu.vector_load %arg10[%swap3A_715] {strides = array<i32>} : memref<384xi32, #tpu.memory_space<vmem>>, vector<16xi32>,
    tpu.vector_store %arg10[%swap3A_715], %add3A_714 {strides = array<i32>} : memref<384xi32, #tpu.memory_space<vmem>>, vector<16xi32>,
    %slice3A_717 = vector.extract_strided_slice %masked_cumsum3A_676 {offsets = [15], sizes = [1], strides = [1]} : vector<16xi32> to vector<1xi32>
    %squeeze3A_718 = vector.extract %slice3A_717[0] : i32 from vector<1xi32>
    %add3A_719 = arith.addi %add3A_653, %squeeze3A_718 : i32
    %slice3A_720 = vector.extract_strided_slice %masked_cumsum3A_679 {offsets = [15], sizes = [1], strides = [1]} : vector<16xi32> to vector<1xi32>
    %squeeze3A_721 = vector.extract %slice3A_720[0] : i32 from vector<1xi32>
    %add3A_722 = arith.addi %add3A_656, %squeeze3A_721 : i32
    %get3A_723 = arith.constant 160 : index
    %get3A_724 = tpu.vector_load %arg8[%get3A_723] {strides = array<i32>} : memref<384xi32, #tpu.memory_space<vmem>>, vector<16xi32>,
    %add3A_725 = arith.constant 672 : i32
    %add3A_726 = vector.broadcast %add3A_725 : i32 to vector<16xi32>
    %add3A_727 = arith.addi %add3A_726, %iota3A : vector<16xi32>
    %ge3A_728 = arith.constant 0 : i32
    %ge3A_729 = vector.broadcast %ge3A_728 : i32 to vector<16xi32>
    %ge3A_730 = arith.cmpi sge, %get3A_724, %ge3A_729 : vector<16xi32>
    %lt3A_731 = arith.constant 80 : i32
    %lt3A_732 = vector.broadcast %lt3A_731 : i32 to vector<16xi32>
    %lt3A_733 = arith.cmpi slt, %get3A_724, %lt3A_732 : vector<16xi32>
    %and3A_734 = arith.andi %ge3A_730, %lt3A_733 : vector<16xi1>
    %eq3A_735 = arith.constant 80 : i32
    %eq3A_736 = vector.broadcast %eq3A_735 : i32 to vector<16xi32>
    %eq3A_737 = arith.cmpi eq, %get3A_724, %eq3A_736 : vector<16xi32>
    %convert_element_type3A_738 = arith.extui %and3A_734 : vector<16xi1> to vector<16xi32>
    %convert_element_type3A_739 = arith.extui %eq3A_737 : vector<16xi1> to vector<16xi32>
    %broadcast_in_dim3A_740 = arith.constant true
    %broadcast_in_dim3A_741 = vector.broadcast %broadcast_in_dim3A_740 : i1 to vector<16xi1>
    %masked_cumsum3A_742 = tpu.scan <sum>, %convert_element_type3A_738 masked %broadcast_in_dim3A_741 : vector<16xi32>, vector<16xi1> -> vector<16xi32>
    %broadcast_in_dim3A_743 = arith.constant true
    %broadcast_in_dim3A_744 = vector.broadcast %broadcast_in_dim3A_743 : i1 to vector<16xi1>
    %masked_cumsum3A_745 = tpu.scan <sum>, %convert_element_type3A_739 masked %broadcast_in_dim3A_744 : vector<16xi32>, vector<16xi1> -> vector<16xi32>
    %add3A_746 = vector.broadcast %add3A_719 : i32 to vector<16xi32>
    %add3A_747 = arith.addi %add3A_746, %masked_cumsum3A_742 : vector<16xi32>
    %sub3A_748 = arith.subi %add3A_747, %convert_element_type3A_738 : vector<16xi32>
    %add3A_749 = vector.broadcast %add3A_722 : i32 to vector<16xi32>
    %add3A_750 = arith.addi %add3A_749, %masked_cumsum3A_745 : vector<16xi32>
    %sub3A_751 = arith.subi %add3A_750, %convert_element_type3A_739 : vector<16xi32>
    %add3A_752 = vector.broadcast %reduce_sum3A_43 : i32 to vector<16xi32>
    %add3A_753 = arith.addi %add3A_752, %sub3A_751 : vector<16xi32>
    %select_n3A_754 = arith.select %and3A_734, %sub3A_748, %add3A_753 : vector<16xi1>, vector<16xi32>
    %add3A_755 = vector.broadcast %reduce_sum3A_47 : i32 to vector<16xi32>
    %add3A_756 = arith.addi %add3A_755, %sub3A_748 : vector<16xi32>
    %select_n3A_757 = arith.select %eq3A_737, %sub3A_751, %add3A_756 : vector<16xi1>, vector<16xi32>
    %or3A_758 = arith.ori %and3A_734, %eq3A_737 : vector<16xi1>
    %lt3A_759 = arith.constant 128 : i32
    %lt3A_760 = vector.broadcast %lt3A_759 : i32 to vector<16xi32>
    %lt3A_761 = arith.cmpi slt, %select_n3A_754, %lt3A_760 : vector<16xi32>
    %and3A_762 = arith.andi %or3A_758, %lt3A_761 : vector<16xi1>
    %select_n3A_763 = arith.select %and3A_762, %select_n3A_754, %add3A_727 : vector<16xi1>, vector<16xi32>
    %lt3A_764 = arith.constant 384 : i32
    %lt3A_765 = vector.broadcast %lt3A_764 : i32 to vector<16xi32>
    %lt3A_766 = arith.cmpi slt, %select_n3A_757, %lt3A_765 : vector<16xi32>
    %and3A_767 = arith.andi %or3A_758, %lt3A_766 : vector<16xi1>
    %add3A_768 = arith.constant 128 : i32
    %add3A_769 = vector.broadcast %add3A_768 : i32 to vector<16xi32>
    %add3A_770 = arith.addi %select_n3A_757, %add3A_769 : vector<16xi32>
    %select_n3A_771 = arith.select %and3A_767, %add3A_770, %add3A_727 : vector<16xi1>, vector<16xi32>
    %select_n3A_772 = arith.select %eq3A_48, %select_n3A_763, %select_n3A_771 : vector<16xi32>
    %swap3A_773 = arith.constant 1 : i32
    %swap3A_774 = arith.index_cast %swap3A_773 : i32 to index
    %swap3A_775 = arith.constant 32 : index
    %swap3A_776 = tpu.vector_load %arg11[%swap3A_774, %swap3A_775] {strides = array<i32>} : memref<3x128xi32, #tpu.memory_space<vmem>>, vector<16xi32>,
    tpu.vector_store %arg11[%swap3A_774, %swap3A_775], %select_n3A_772 {strides = array<i32>} : memref<3x128xi32, #tpu.memory_space<vmem>>, vector<16xi32>,
    %add3A_777 = arith.constant 160 : i32
    %add3A_778 = arith.addi %mul3A_0, %add3A_777 : i32
    %add3A_779 = vector.broadcast %add3A_778 : i32 to vector<16xi32>
    %add3A_780 = arith.addi %add3A_779, %iota3A : vector<16xi32>
    %swap3A_781 = arith.constant 160 : index
    %swap3A_782 = tpu.vector_load %arg10[%swap3A_781] {strides = array<i32>} : memref<384xi32, #tpu.memory_space<vmem>>, vector<16xi32>,
    tpu.vector_store %arg10[%swap3A_781], %add3A_780 {strides = array<i32>} : memref<384xi32, #tpu.memory_space<vmem>>, vector<16xi32>,
    %slice3A_783 = vector.extract_strided_slice %masked_cumsum3A_742 {offsets = [15], sizes = [1], strides = [1]} : vector<16xi32> to vector<1xi32>
    %squeeze3A_784 = vector.extract %slice3A_783[0] : i32 from vector<1xi32>
    %add3A_785 = arith.addi %add3A_719, %squeeze3A_784 : i32
    %slice3A_786 = vector.extract_strided_slice %masked_cumsum3A_745 {offsets = [15], sizes = [1], strides = [1]} : vector<16xi32> to vector<1xi32>
    %squeeze3A_787 = vector.extract %slice3A_786[0] : i32 from vector<1xi32>
    %add3A_788 = arith.addi %add3A_722, %squeeze3A_787 : i32
    %get3A_789 = arith.constant 176 : index
    %get3A_790 = tpu.vector_load %arg8[%get3A_789] {strides = array<i32>} : memref<384xi32, #tpu.memory_space<vmem>>, vector<16xi32>,
    %add3A_791 = arith.constant 688 : i32
    %add3A_792 = vector.broadcast %add3A_791 : i32 to vector<16xi32>
    %add3A_793 = arith.addi %add3A_792, %iota3A : vector<16xi32>
    %ge3A_794 = arith.constant 0 : i32
    %ge3A_795 = vector.broadcast %ge3A_794 : i32 to vector<16xi32>
    %ge3A_796 = arith.cmpi sge, %get3A_790, %ge3A_795 : vector<16xi32>
    %lt3A_797 = arith.constant 80 : i32
    %lt3A_798 = vector.broadcast %lt3A_797 : i32 to vector<16xi32>
    %lt3A_799 = arith.cmpi slt, %get3A_790, %lt3A_798 : vector<16xi32>
    %and3A_800 = arith.andi %ge3A_796, %lt3A_799 : vector<16xi1>
    %eq3A_801 = arith.constant 80 : i32
    %eq3A_802 = vector.broadcast %eq3A_801 : i32 to vector<16xi32>
    %eq3A_803 = arith.cmpi eq, %get3A_790, %eq3A_802 : vector<16xi32>
    %convert_element_type3A_804 = arith.extui %and3A_800 : vector<16xi1> to vector<16xi32>
    %convert_element_type3A_805 = arith.extui %eq3A_803 : vector<16xi1> to vector<16xi32>
    %broadcast_in_dim3A_806 = arith.constant true
    %broadcast_in_dim3A_807 = vector.broadcast %broadcast_in_dim3A_806 : i1 to vector<16xi1>
    %masked_cumsum3A_808 = tpu.scan <sum>, %convert_element_type3A_804 masked %broadcast_in_dim3A_807 : vector<16xi32>, vector<16xi1> -> vector<16xi32>
    %broadcast_in_dim3A_809 = arith.constant true
    %broadcast_in_dim3A_810 = vector.broadcast %broadcast_in_dim3A_809 : i1 to vector<16xi1>
    %masked_cumsum3A_811 = tpu.scan <sum>, %convert_element_type3A_805 masked %broadcast_in_dim3A_810 : vector<16xi32>, vector<16xi1> -> vector<16xi32>
    %add3A_812 = vector.broadcast %add3A_785 : i32 to vector<16xi32>
    %add3A_813 = arith.addi %add3A_812, %masked_cumsum3A_808 : vector<16xi32>
    %sub3A_814 = arith.subi %add3A_813, %convert_element_type3A_804 : vector<16xi32>
    %add3A_815 = vector.broadcast %add3A_788 : i32 to vector<16xi32>
    %add3A_816 = arith.addi %add3A_815, %masked_cumsum3A_811 : vector<16xi32>
    %sub3A_817 = arith.subi %add3A_816, %convert_element_type3A_805 : vector<16xi32>
    %add3A_818 = vector.broadcast %reduce_sum3A_43 : i32 to vector<16xi32>
    %add3A_819 = arith.addi %add3A_818, %sub3A_817 : vector<16xi32>
    %select_n3A_820 = arith.select %and3A_800, %sub3A_814, %add3A_819 : vector<16xi1>, vector<16xi32>
    %add3A_821 = vector.broadcast %reduce_sum3A_47 : i32 to vector<16xi32>
    %add3A_822 = arith.addi %add3A_821, %sub3A_814 : vector<16xi32>
    %select_n3A_823 = arith.select %eq3A_803, %sub3A_817, %add3A_822 : vector<16xi1>, vector<16xi32>
    %or3A_824 = arith.ori %and3A_800, %eq3A_803 : vector<16xi1>
    %lt3A_825 = arith.constant 128 : i32
    %lt3A_826 = vector.broadcast %lt3A_825 : i32 to vector<16xi32>
    %lt3A_827 = arith.cmpi slt, %select_n3A_820, %lt3A_826 : vector<16xi32>
    %and3A_828 = arith.andi %or3A_824, %lt3A_827 : vector<16xi1>
    %select_n3A_829 = arith.select %and3A_828, %select_n3A_820, %add3A_793 : vector<16xi1>, vector<16xi32>
    %lt3A_830 = arith.constant 384 : i32
    %lt3A_831 = vector.broadcast %lt3A_830 : i32 to vector<16xi32>
    %lt3A_832 = arith.cmpi slt, %select_n3A_823, %lt3A_831 : vector<16xi32>
    %and3A_833 = arith.andi %or3A_824, %lt3A_832 : vector<16xi1>
    %add3A_834 = arith.constant 128 : i32
    %add3A_835 = vector.broadcast %add3A_834 : i32 to vector<16xi32>
    %add3A_836 = arith.addi %select_n3A_823, %add3A_835 : vector<16xi32>
    %select_n3A_837 = arith.select %and3A_833, %add3A_836, %add3A_793 : vector<16xi1>, vector<16xi32>
    %select_n3A_838 = arith.select %eq3A_48, %select_n3A_829, %select_n3A_837 : vector<16xi32>
    %swap3A_839 = arith.constant 1 : i32
    %swap3A_840 = arith.index_cast %swap3A_839 : i32 to index
    %swap3A_841 = arith.constant 48 : index
    %swap3A_842 = tpu.vector_load %arg11[%swap3A_840, %swap3A_841] {strides = array<i32>} : memref<3x128xi32, #tpu.memory_space<vmem>>, vector<16xi32>,
    tpu.vector_store %arg11[%swap3A_840, %swap3A_841], %select_n3A_838 {strides = array<i32>} : memref<3x128xi32, #tpu.memory_space<vmem>>, vector<16xi32>,
    %add3A_843 = arith.constant 176 : i32
    %add3A_844 = arith.addi %mul3A_0, %add3A_843 : i32
    %add3A_845 = vector.broadcast %add3A_844 : i32 to vector<16xi32>
    %add3A_846 = arith.addi %add3A_845, %iota3A : vector<16xi32>
    %swap3A_847 = arith.constant 176 : index
    %swap3A_848 = tpu.vector_load %arg10[%swap3A_847] {strides = array<i32>} : memref<384xi32, #tpu.memory_space<vmem>>, vector<16xi32>,
    tpu.vector_store %arg10[%swap3A_847], %add3A_846 {strides = array<i32>} : memref<384xi32, #tpu.memory_space<vmem>>, vector<16xi32>,
    %slice3A_849 = vector.extract_strided_slice %masked_cumsum3A_808 {offsets = [15], sizes = [1], strides = [1]} : vector<16xi32> to vector<1xi32>
    %squeeze3A_850 = vector.extract %slice3A_849[0] : i32 from vector<1xi32>
    %add3A_851 = arith.addi %add3A_785, %squeeze3A_850 : i32
    %slice3A_852 = vector.extract_strided_slice %masked_cumsum3A_811 {offsets = [15], sizes = [1], strides = [1]} : vector<16xi32> to vector<1xi32>
    %squeeze3A_853 = vector.extract %slice3A_852[0] : i32 from vector<1xi32>
    %add3A_854 = arith.addi %add3A_788, %squeeze3A_853 : i32
    %get3A_855 = arith.constant 192 : index
    %get3A_856 = tpu.vector_load %arg8[%get3A_855] {strides = array<i32>} : memref<384xi32, #tpu.memory_space<vmem>>, vector<16xi32>,
    %add3A_857 = arith.constant 704 : i32
    %add3A_858 = vector.broadcast %add3A_857 : i32 to vector<16xi32>
    %add3A_859 = arith.addi %add3A_858, %iota3A : vector<16xi32>
    %ge3A_860 = arith.constant 0 : i32
    %ge3A_861 = vector.broadcast %ge3A_860 : i32 to vector<16xi32>
    %ge3A_862 = arith.cmpi sge, %get3A_856, %ge3A_861 : vector<16xi32>
    %lt3A_863 = arith.constant 80 : i32
    %lt3A_864 = vector.broadcast %lt3A_863 : i32 to vector<16xi32>
    %lt3A_865 = arith.cmpi slt, %get3A_856, %lt3A_864 : vector<16xi32>
    %and3A_866 = arith.andi %ge3A_862, %lt3A_865 : vector<16xi1>
    %eq3A_867 = arith.constant 80 : i32
    %eq3A_868 = vector.broadcast %eq3A_867 : i32 to vector<16xi32>
    %eq3A_869 = arith.cmpi eq, %get3A_856, %eq3A_868 : vector<16xi32>
    %convert_element_type3A_870 = arith.extui %and3A_866 : vector<16xi1> to vector<16xi32>
    %convert_element_type3A_871 = arith.extui %eq3A_869 : vector<16xi1> to vector<16xi32>
    %broadcast_in_dim3A_872 = arith.constant true
    %broadcast_in_dim3A_873 = vector.broadcast %broadcast_in_dim3A_872 : i1 to vector<16xi1>
    %masked_cumsum3A_874 = tpu.scan <sum>, %convert_element_type3A_870 masked %broadcast_in_dim3A_873 : vector<16xi32>, vector<16xi1> -> vector<16xi32>
    %broadcast_in_dim3A_875 = arith.constant true
    %broadcast_in_dim3A_876 = vector.broadcast %broadcast_in_dim3A_875 : i1 to vector<16xi1>
    %masked_cumsum3A_877 = tpu.scan <sum>, %convert_element_type3A_871 masked %broadcast_in_dim3A_876 : vector<16xi32>, vector<16xi1> -> vector<16xi32>
    %add3A_878 = vector.broadcast %add3A_851 : i32 to vector<16xi32>
    %add3A_879 = arith.addi %add3A_878, %masked_cumsum3A_874 : vector<16xi32>
    %sub3A_880 = arith.subi %add3A_879, %convert_element_type3A_870 : vector<16xi32>
    %add3A_881 = vector.broadcast %add3A_854 : i32 to vector<16xi32>
    %add3A_882 = arith.addi %add3A_881, %masked_cumsum3A_877 : vector<16xi32>
    %sub3A_883 = arith.subi %add3A_882, %convert_element_type3A_871 : vector<16xi32>
    %add3A_884 = vector.broadcast %reduce_sum3A_43 : i32 to vector<16xi32>
    %add3A_885 = arith.addi %add3A_884, %sub3A_883 : vector<16xi32>
    %select_n3A_886 = arith.select %and3A_866, %sub3A_880, %add3A_885 : vector<16xi1>, vector<16xi32>
    %add3A_887 = vector.broadcast %reduce_sum3A_47 : i32 to vector<16xi32>
    %add3A_888 = arith.addi %add3A_887, %sub3A_880 : vector<16xi32>
    %select_n3A_889 = arith.select %eq3A_869, %sub3A_883, %add3A_888 : vector<16xi1>, vector<16xi32>
    %or3A_890 = arith.ori %and3A_866, %eq3A_869 : vector<16xi1>
    %lt3A_891 = arith.constant 128 : i32
    %lt3A_892 = vector.broadcast %lt3A_891 : i32 to vector<16xi32>
    %lt3A_893 = arith.cmpi slt, %select_n3A_886, %lt3A_892 : vector<16xi32>
    %and3A_894 = arith.andi %or3A_890, %lt3A_893 : vector<16xi1>
    %select_n3A_895 = arith.select %and3A_894, %select_n3A_886, %add3A_859 : vector<16xi1>, vector<16xi32>
    %lt3A_896 = arith.constant 384 : i32
    %lt3A_897 = vector.broadcast %lt3A_896 : i32 to vector<16xi32>
    %lt3A_898 = arith.cmpi slt, %select_n3A_889, %lt3A_897 : vector<16xi32>
    %and3A_899 = arith.andi %or3A_890, %lt3A_898 : vector<16xi1>
    %add3A_900 = arith.constant 128 : i32
    %add3A_901 = vector.broadcast %add3A_900 : i32 to vector<16xi32>
    %add3A_902 = arith.addi %select_n3A_889, %add3A_901 : vector<16xi32>
    %select_n3A_903 = arith.select %and3A_899, %add3A_902, %add3A_859 : vector<16xi1>, vector<16xi32>
    %select_n3A_904 = arith.select %eq3A_48, %select_n3A_895, %select_n3A_903 : vector<16xi32>
    %swap3A_905 = arith.constant 1 : i32
    %swap3A_906 = arith.index_cast %swap3A_905 : i32 to index
    %swap3A_907 = arith.constant 64 : index
    %swap3A_908 = tpu.vector_load %arg11[%swap3A_906, %swap3A_907] {strides = array<i32>} : memref<3x128xi32, #tpu.memory_space<vmem>>, vector<16xi32>,
    tpu.vector_store %arg11[%swap3A_906, %swap3A_907], %select_n3A_904 {strides = array<i32>} : memref<3x128xi32, #tpu.memory_space<vmem>>, vector<16xi32>,
    %add3A_909 = arith.constant 192 : i32
    %add3A_910 = arith.addi %mul3A_0, %add3A_909 : i32
    %add3A_911 = vector.broadcast %add3A_910 : i32 to vector<16xi32>
    %add3A_912 = arith.addi %add3A_911, %iota3A : vector<16xi32>
    %swap3A_913 = arith.constant 192 : index
    %swap3A_914 = tpu.vector_load %arg10[%swap3A_913] {strides = array<i32>} : memref<384xi32, #tpu.memory_space<vmem>>, vector<16xi32>,
    tpu.vector_store %arg10[%swap3A_913], %add3A_912 {strides = array<i32>} : memref<384xi32, #tpu.memory_space<vmem>>, vector<16xi32>,
    %slice3A_915 = vector.extract_strided_slice %masked_cumsum3A_874 {offsets = [15], sizes = [1], strides = [1]} : vector<16xi32> to vector<1xi32>
    %squeeze3A_916 = vector.extract %slice3A_915[0] : i32 from vector<1xi32>
    %add3A_917 = arith.addi %add3A_851, %squeeze3A_916 : i32
    %slice3A_918 = vector.extract_strided_slice %masked_cumsum3A_877 {offsets = [15], sizes = [1], strides = [1]} : vector<16xi32> to vector<1xi32>
    %squeeze3A_919 = vector.extract %slice3A_918[0] : i32 from vector<1xi32>
    %add3A_920 = arith.addi %add3A_854, %squeeze3A_919 : i32
    %get3A_921 = arith.constant 208 : index
    %get3A_922 = tpu.vector_load %arg8[%get3A_921] {strides = array<i32>} : memref<384xi32, #tpu.memory_space<vmem>>, vector<16xi32>,
    %add3A_923 = arith.constant 720 : i32
    %add3A_924 = vector.broadcast %add3A_923 : i32 to vector<16xi32>
    %add3A_925 = arith.addi %add3A_924, %iota3A : vector<16xi32>
    %ge3A_926 = arith.constant 0 : i32
    %ge3A_927 = vector.broadcast %ge3A_926 : i32 to vector<16xi32>
    %ge3A_928 = arith.cmpi sge, %get3A_922, %ge3A_927 : vector<16xi32>
    %lt3A_929 = arith.constant 80 : i32
    %lt3A_930 = vector.broadcast %lt3A_929 : i32 to vector<16xi32>
    %lt3A_931 = arith.cmpi slt, %get3A_922, %lt3A_930 : vector<16xi32>
    %and3A_932 = arith.andi %ge3A_928, %lt3A_931 : vector<16xi1>
    %eq3A_933 = arith.constant 80 : i32
    %eq3A_934 = vector.broadcast %eq3A_933 : i32 to vector<16xi32>
    %eq3A_935 = arith.cmpi eq, %get3A_922, %eq3A_934 : vector<16xi32>
    %convert_element_type3A_936 = arith.extui %and3A_932 : vector<16xi1> to vector<16xi32>
    %convert_element_type3A_937 = arith.extui %eq3A_935 : vector<16xi1> to vector<16xi32>
    %broadcast_in_dim3A_938 = arith.constant true
    %broadcast_in_dim3A_939 = vector.broadcast %broadcast_in_dim3A_938 : i1 to vector<16xi1>
    %masked_cumsum3A_940 = tpu.scan <sum>, %convert_element_type3A_936 masked %broadcast_in_dim3A_939 : vector<16xi32>, vector<16xi1> -> vector<16xi32>
    %broadcast_in_dim3A_941 = arith.constant true
    %broadcast_in_dim3A_942 = vector.broadcast %broadcast_in_dim3A_941 : i1 to vector<16xi1>
    %masked_cumsum3A_943 = tpu.scan <sum>, %convert_element_type3A_937 masked %broadcast_in_dim3A_942 : vector<16xi32>, vector<16xi1> -> vector<16xi32>
    %add3A_944 = vector.broadcast %add3A_917 : i32 to vector<16xi32>
    %add3A_945 = arith.addi %add3A_944, %masked_cumsum3A_940 : vector<16xi32>
    %sub3A_946 = arith.subi %add3A_945, %convert_element_type3A_936 : vector<16xi32>
    %add3A_947 = vector.broadcast %add3A_920 : i32 to vector<16xi32>
    %add3A_948 = arith.addi %add3A_947, %masked_cumsum3A_943 : vector<16xi32>
    %sub3A_949 = arith.subi %add3A_948, %convert_element_type3A_937 : vector<16xi32>
    %add3A_950 = vector.broadcast %reduce_sum3A_43 : i32 to vector<16xi32>
    %add3A_951 = arith.addi %add3A_950, %sub3A_949 : vector<16xi32>
    %select_n3A_952 = arith.select %and3A_932, %sub3A_946, %add3A_951 : vector<16xi1>, vector<16xi32>
    %add3A_953 = vector.broadcast %reduce_sum3A_47 : i32 to vector<16xi32>
    %add3A_954 = arith.addi %add3A_953, %sub3A_946 : vector<16xi32>
    %select_n3A_955 = arith.select %eq3A_935, %sub3A_949, %add3A_954 : vector<16xi1>, vector<16xi32>
    %or3A_956 = arith.ori %and3A_932, %eq3A_935 : vector<16xi1>
    %lt3A_957 = arith.constant 128 : i32
    %lt3A_958 = vector.broadcast %lt3A_957 : i32 to vector<16xi32>
    %lt3A_959 = arith.cmpi slt, %select_n3A_952, %lt3A_958 : vector<16xi32>
    %and3A_960 = arith.andi %or3A_956, %lt3A_959 : vector<16xi1>
    %select_n3A_961 = arith.select %and3A_960, %select_n3A_952, %add3A_925 : vector<16xi1>, vector<16xi32>
    %lt3A_962 = arith.constant 384 : i32
    %lt3A_963 = vector.broadcast %lt3A_962 : i32 to vector<16xi32>
    %lt3A_964 = arith.cmpi slt, %select_n3A_955, %lt3A_963 : vector<16xi32>
    %and3A_965 = arith.andi %or3A_956, %lt3A_964 : vector<16xi1>
    %add3A_966 = arith.constant 128 : i32
    %add3A_967 = vector.broadcast %add3A_966 : i32 to vector<16xi32>
    %add3A_968 = arith.addi %select_n3A_955, %add3A_967 : vector<16xi32>
    %select_n3A_969 = arith.select %and3A_965, %add3A_968, %add3A_925 : vector<16xi1>, vector<16xi32>
    %select_n3A_970 = arith.select %eq3A_48, %select_n3A_961, %select_n3A_969 : vector<16xi32>
    %swap3A_971 = arith.constant 1 : i32
    %swap3A_972 = arith.index_cast %swap3A_971 : i32 to index
    %swap3A_973 = arith.constant 80 : index
    %swap3A_974 = tpu.vector_load %arg11[%swap3A_972, %swap3A_973] {strides = array<i32>} : memref<3x128xi32, #tpu.memory_space<vmem>>, vector<16xi32>,
    tpu.vector_store %arg11[%swap3A_972, %swap3A_973], %select_n3A_970 {strides = array<i32>} : memref<3x128xi32, #tpu.memory_space<vmem>>, vector<16xi32>,
    %add3A_975 = arith.constant 208 : i32
    %add3A_976 = arith.addi %mul3A_0, %add3A_975 : i32
    %add3A_977 = vector.broadcast %add3A_976 : i32 to vector<16xi32>
    %add3A_978 = arith.addi %add3A_977, %iota3A : vector<16xi32>
    %swap3A_979 = arith.constant 208 : index
    %swap3A_980 = tpu.vector_load %arg10[%swap3A_979] {strides = array<i32>} : memref<384xi32, #tpu.memory_space<vmem>>, vector<16xi32>,
    tpu.vector_store %arg10[%swap3A_979], %add3A_978 {strides = array<i32>} : memref<384xi32, #tpu.memory_space<vmem>>, vector<16xi32>,
    %slice3A_981 = vector.extract_strided_slice %masked_cumsum3A_940 {offsets = [15], sizes = [1], strides = [1]} : vector<16xi32> to vector<1xi32>
    %squeeze3A_982 = vector.extract %slice3A_981[0] : i32 from vector<1xi32>
    %add3A_983 = arith.addi %add3A_917, %squeeze3A_982 : i32
    %slice3A_984 = vector.extract_strided_slice %masked_cumsum3A_943 {offsets = [15], sizes = [1], strides = [1]} : vector<16xi32> to vector<1xi32>
    %squeeze3A_985 = vector.extract %slice3A_984[0] : i32 from vector<1xi32>
    %add3A_986 = arith.addi %add3A_920, %squeeze3A_985 : i32
    %get3A_987 = arith.constant 224 : index
    %get3A_988 = tpu.vector_load %arg8[%get3A_987] {strides = array<i32>} : memref<384xi32, #tpu.memory_space<vmem>>, vector<16xi32>,
    %add3A_989 = arith.constant 736 : i32
    %add3A_990 = vector.broadcast %add3A_989 : i32 to vector<16xi32>
    %add3A_991 = arith.addi %add3A_990, %iota3A : vector<16xi32>
    %ge3A_992 = arith.constant 0 : i32
    %ge3A_993 = vector.broadcast %ge3A_992 : i32 to vector<16xi32>
    %ge3A_994 = arith.cmpi sge, %get3A_988, %ge3A_993 : vector<16xi32>
    %lt3A_995 = arith.constant 80 : i32
    %lt3A_996 = vector.broadcast %lt3A_995 : i32 to vector<16xi32>
    %lt3A_997 = arith.cmpi slt, %get3A_988, %lt3A_996 : vector<16xi32>
    %and3A_998 = arith.andi %ge3A_994, %lt3A_997 : vector<16xi1>
    %eq3A_999 = arith.constant 80 : i32
    %eq3A_1000 = vector.broadcast %eq3A_999 : i32 to vector<16xi32>
    %eq3A_1001 = arith.cmpi eq, %get3A_988, %eq3A_1000 : vector<16xi32>
    %convert_element_type3A_1002 = arith.extui %and3A_998 : vector<16xi1> to vector<16xi32>
    %convert_element_type3A_1003 = arith.extui %eq3A_1001 : vector<16xi1> to vector<16xi32>
    %broadcast_in_dim3A_1004 = arith.constant true
    %broadcast_in_dim3A_1005 = vector.broadcast %broadcast_in_dim3A_1004 : i1 to vector<16xi1>
    %masked_cumsum3A_1006 = tpu.scan <sum>, %convert_element_type3A_1002 masked %broadcast_in_dim3A_1005 : vector<16xi32>, vector<16xi1> -> vector<16xi32>
    %broadcast_in_dim3A_1007 = arith.constant true
    %broadcast_in_dim3A_1008 = vector.broadcast %broadcast_in_dim3A_1007 : i1 to vector<16xi1>
    %masked_cumsum3A_1009 = tpu.scan <sum>, %convert_element_type3A_1003 masked %broadcast_in_dim3A_1008 : vector<16xi32>, vector<16xi1> -> vector<16xi32>
    %add3A_1010 = vector.broadcast %add3A_983 : i32 to vector<16xi32>
    %add3A_1011 = arith.addi %add3A_1010, %masked_cumsum3A_1006 : vector<16xi32>
    %sub3A_1012 = arith.subi %add3A_1011, %convert_element_type3A_1002 : vector<16xi32>
    %add3A_1013 = vector.broadcast %add3A_986 : i32 to vector<16xi32>
    %add3A_1014 = arith.addi %add3A_1013, %masked_cumsum3A_1009 : vector<16xi32>
    %sub3A_1015 = arith.subi %add3A_1014, %convert_element_type3A_1003 : vector<16xi32>
    %add3A_1016 = vector.broadcast %reduce_sum3A_43 : i32 to vector<16xi32>
    %add3A_1017 = arith.addi %add3A_1016, %sub3A_1015 : vector<16xi32>
    %select_n3A_1018 = arith.select %and3A_998, %sub3A_1012, %add3A_1017 : vector<16xi1>, vector<16xi32>
    %add3A_1019 = vector.broadcast %reduce_sum3A_47 : i32 to vector<16xi32>
    %add3A_1020 = arith.addi %add3A_1019, %sub3A_1012 : vector<16xi32>
    %select_n3A_1021 = arith.select %eq3A_1001, %sub3A_1015, %add3A_1020 : vector<16xi1>, vector<16xi32>
    %or3A_1022 = arith.ori %and3A_998, %eq3A_1001 : vector<16xi1>
    %lt3A_1023 = arith.constant 128 : i32
    %lt3A_1024 = vector.broadcast %lt3A_1023 : i32 to vector<16xi32>
    %lt3A_1025 = arith.cmpi slt, %select_n3A_1018, %lt3A_1024 : vector<16xi32>
    %and3A_1026 = arith.andi %or3A_1022, %lt3A_1025 : vector<16xi1>
    %select_n3A_1027 = arith.select %and3A_1026, %select_n3A_1018, %add3A_991 : vector<16xi1>, vector<16xi32>
    %lt3A_1028 = arith.constant 384 : i32
    %lt3A_1029 = vector.broadcast %lt3A_1028 : i32 to vector<16xi32>
    %lt3A_1030 = arith.cmpi slt, %select_n3A_1021, %lt3A_1029 : vector<16xi32>
    %and3A_1031 = arith.andi %or3A_1022, %lt3A_1030 : vector<16xi1>
    %add3A_1032 = arith.constant 128 : i32
    %add3A_1033 = vector.broadcast %add3A_1032 : i32 to vector<16xi32>
    %add3A_1034 = arith.addi %select_n3A_1021, %add3A_1033 : vector<16xi32>
    %select_n3A_1035 = arith.select %and3A_1031, %add3A_1034, %add3A_991 : vector<16xi1>, vector<16xi32>
    %select_n3A_1036 = arith.select %eq3A_48, %select_n3A_1027, %select_n3A_1035 : vector<16xi32>
    %swap3A_1037 = arith.constant 1 : i32
    %swap3A_1038 = arith.index_cast %swap3A_1037 : i32 to index
    %swap3A_1039 = arith.constant 96 : index
    %swap3A_1040 = tpu.vector_load %arg11[%swap3A_1038, %swap3A_1039] {strides = array<i32>} : memref<3x128xi32, #tpu.memory_space<vmem>>, vector<16xi32>,
    tpu.vector_store %arg11[%swap3A_1038, %swap3A_1039], %select_n3A_1036 {strides = array<i32>} : memref<3x128xi32, #tpu.memory_space<vmem>>, vector<16xi32>,
    %add3A_1041 = arith.constant 224 : i32
    %add3A_1042 = arith.addi %mul3A_0, %add3A_1041 : i32
    %add3A_1043 = vector.broadcast %add3A_1042 : i32 to vector<16xi32>
    %add3A_1044 = arith.addi %add3A_1043, %iota3A : vector<16xi32>
    %swap3A_1045 = arith.constant 224 : index
    %swap3A_1046 = tpu.vector_load %arg10[%swap3A_1045] {strides = array<i32>} : memref<384xi32, #tpu.memory_space<vmem>>, vector<16xi32>,
    tpu.vector_store %arg10[%swap3A_1045], %add3A_1044 {strides = array<i32>} : memref<384xi32, #tpu.memory_space<vmem>>, vector<16xi32>,
    %slice3A_1047 = vector.extract_strided_slice %masked_cumsum3A_1006 {offsets = [15], sizes = [1], strides = [1]} : vector<16xi32> to vector<1xi32>
    %squeeze3A_1048 = vector.extract %slice3A_1047[0] : i32 from vector<1xi32>
    %add3A_1049 = arith.addi %add3A_983, %squeeze3A_1048 : i32
    %slice3A_1050 = vector.extract_strided_slice %masked_cumsum3A_1009 {offsets = [15], sizes = [1], strides = [1]} : vector<16xi32> to vector<1xi32>
    %squeeze3A_1051 = vector.extract %slice3A_1050[0] : i32 from vector<1xi32>
    %add3A_1052 = arith.addi %add3A_986, %squeeze3A_1051 : i32
    %get3A_1053 = arith.constant 240 : index
    %get3A_1054 = tpu.vector_load %arg8[%get3A_1053] {strides = array<i32>} : memref<384xi32, #tpu.memory_space<vmem>>, vector<16xi32>,
    %add3A_1055 = arith.constant 752 : i32
    %add3A_1056 = vector.broadcast %add3A_1055 : i32 to vector<16xi32>
    %add3A_1057 = arith.addi %add3A_1056, %iota3A : vector<16xi32>
    %ge3A_1058 = arith.constant 0 : i32
    %ge3A_1059 = vector.broadcast %ge3A_1058 : i32 to vector<16xi32>
    %ge3A_1060 = arith.cmpi sge, %get3A_1054, %ge3A_1059 : vector<16xi32>
    %lt3A_1061 = arith.constant 80 : i32
    %lt3A_1062 = vector.broadcast %lt3A_1061 : i32 to vector<16xi32>
    %lt3A_1063 = arith.cmpi slt, %get3A_1054, %lt3A_1062 : vector<16xi32>
    %and3A_1064 = arith.andi %ge3A_1060, %lt3A_1063 : vector<16xi1>
    %eq3A_1065 = arith.constant 80 : i32
    %eq3A_1066 = vector.broadcast %eq3A_1065 : i32 to vector<16xi32>
    %eq3A_1067 = arith.cmpi eq, %get3A_1054, %eq3A_1066 : vector<16xi32>
    %convert_element_type3A_1068 = arith.extui %and3A_1064 : vector<16xi1> to vector<16xi32>
    %convert_element_type3A_1069 = arith.extui %eq3A_1067 : vector<16xi1> to vector<16xi32>
    %broadcast_in_dim3A_1070 = arith.constant true
    %broadcast_in_dim3A_1071 = vector.broadcast %broadcast_in_dim3A_1070 : i1 to vector<16xi1>
    %masked_cumsum3A_1072 = tpu.scan <sum>, %convert_element_type3A_1068 masked %broadcast_in_dim3A_1071 : vector<16xi32>, vector<16xi1> -> vector<16xi32>
    %broadcast_in_dim3A_1073 = arith.constant true
    %broadcast_in_dim3A_1074 = vector.broadcast %broadcast_in_dim3A_1073 : i1 to vector<16xi1>
    %masked_cumsum3A_1075 = tpu.scan <sum>, %convert_element_type3A_1069 masked %broadcast_in_dim3A_1074 : vector<16xi32>, vector<16xi1> -> vector<16xi32>
    %add3A_1076 = vector.broadcast %add3A_1049 : i32 to vector<16xi32>
    %add3A_1077 = arith.addi %add3A_1076, %masked_cumsum3A_1072 : vector<16xi32>
    %sub3A_1078 = arith.subi %add3A_1077, %convert_element_type3A_1068 : vector<16xi32>
    %add3A_1079 = vector.broadcast %add3A_1052 : i32 to vector<16xi32>
    %add3A_1080 = arith.addi %add3A_1079, %masked_cumsum3A_1075 : vector<16xi32>
    %sub3A_1081 = arith.subi %add3A_1080, %convert_element_type3A_1069 : vector<16xi32>
    %add3A_1082 = vector.broadcast %reduce_sum3A_43 : i32 to vector<16xi32>
    %add3A_1083 = arith.addi %add3A_1082, %sub3A_1081 : vector<16xi32>
    %select_n3A_1084 = arith.select %and3A_1064, %sub3A_1078, %add3A_1083 : vector<16xi1>, vector<16xi32>
    %add3A_1085 = vector.broadcast %reduce_sum3A_47 : i32 to vector<16xi32>
    %add3A_1086 = arith.addi %add3A_1085, %sub3A_1078 : vector<16xi32>
    %select_n3A_1087 = arith.select %eq3A_1067, %sub3A_1081, %add3A_1086 : vector<16xi1>, vector<16xi32>
    %or3A_1088 = arith.ori %and3A_1064, %eq3A_1067 : vector<16xi1>
    %lt3A_1089 = arith.constant 128 : i32
    %lt3A_1090 = vector.broadcast %lt3A_1089 : i32 to vector<16xi32>
    %lt3A_1091 = arith.cmpi slt, %select_n3A_1084, %lt3A_1090 : vector<16xi32>
    %and3A_1092 = arith.andi %or3A_1088, %lt3A_1091 : vector<16xi1>
    %select_n3A_1093 = arith.select %and3A_1092, %select_n3A_1084, %add3A_1057 : vector<16xi1>, vector<16xi32>
    %lt3A_1094 = arith.constant 384 : i32
    %lt3A_1095 = vector.broadcast %lt3A_1094 : i32 to vector<16xi32>
    %lt3A_1096 = arith.cmpi slt, %select_n3A_1087, %lt3A_1095 : vector<16xi32>
    %and3A_1097 = arith.andi %or3A_1088, %lt3A_1096 : vector<16xi1>
    %add3A_1098 = arith.constant 128 : i32
    %add3A_1099 = vector.broadcast %add3A_1098 : i32 to vector<16xi32>
    %add3A_1100 = arith.addi %select_n3A_1087, %add3A_1099 : vector<16xi32>
    %select_n3A_1101 = arith.select %and3A_1097, %add3A_1100, %add3A_1057 : vector<16xi1>, vector<16xi32>
    %select_n3A_1102 = arith.select %eq3A_48, %select_n3A_1093, %select_n3A_1101 : vector<16xi32>
    %swap3A_1103 = arith.constant 1 : i32
    %swap3A_1104 = arith.index_cast %swap3A_1103 : i32 to index
    %swap3A_1105 = arith.constant 112 : index
    %swap3A_1106 = tpu.vector_load %arg11[%swap3A_1104, %swap3A_1105] {strides = array<i32>} : memref<3x128xi32, #tpu.memory_space<vmem>>, vector<16xi32>,
    tpu.vector_store %arg11[%swap3A_1104, %swap3A_1105], %select_n3A_1102 {strides = array<i32>} : memref<3x128xi32, #tpu.memory_space<vmem>>, vector<16xi32>,
    %add3A_1107 = arith.constant 240 : i32
    %add3A_1108 = arith.addi %mul3A_0, %add3A_1107 : i32
    %add3A_1109 = vector.broadcast %add3A_1108 : i32 to vector<16xi32>
    %add3A_1110 = arith.addi %add3A_1109, %iota3A : vector<16xi32>
    %swap3A_1111 = arith.constant 240 : index
    %swap3A_1112 = tpu.vector_load %arg10[%swap3A_1111] {strides = array<i32>} : memref<384xi32, #tpu.memory_space<vmem>>, vector<16xi32>,
    tpu.vector_store %arg10[%swap3A_1111], %add3A_1110 {strides = array<i32>} : memref<384xi32, #tpu.memory_space<vmem>>, vector<16xi32>,
    %slice3A_1113 = vector.extract_strided_slice %masked_cumsum3A_1072 {offsets = [15], sizes = [1], strides = [1]} : vector<16xi32> to vector<1xi32>
    %squeeze3A_1114 = vector.extract %slice3A_1113[0] : i32 from vector<1xi32>
    %add3A_1115 = arith.addi %add3A_1049, %squeeze3A_1114 : i32
    %slice3A_1116 = vector.extract_strided_slice %masked_cumsum3A_1075 {offsets = [15], sizes = [1], strides = [1]} : vector<16xi32> to vector<1xi32>
    %squeeze3A_1117 = vector.extract %slice3A_1116[0] : i32 from vector<1xi32>
    %add3A_1118 = arith.addi %add3A_1052, %squeeze3A_1117 : i32
    %dma_start3A_1119 = arith.constant 1 : i32
    %dma_start3A_1120 = arith.constant 128 : i32
    %dma_start3A_1121 = tpu.memref_slice %arg10[%dma_start3A_1120] : memref<384xi32, #tpu.memory_space<vmem>> -> memref<128xi32, #tpu.memory_space<vmem>>
    %dma_start3A_1122 = arith.constant 0 : i32
    %dma_start3A_1123 = tpu.memref_slice %arg11[%dma_start3A_1119, %dma_start3A_1122] : memref<3x128xi32, #tpu.memory_space<vmem>> -> memref<1x128xi32, #tpu.memory_space<vmem>>
    %dma_start3A_1124 = tpu.memref_squeeze %dma_start3A_1123 : memref<1x128xi32, #tpu.memory_space<vmem>> -> memref<128xi32, #tpu.memory_space<vmem>>
    %dma_start3A_1125 = arith.constant 0 : i32
    %dma_start3A_1126 = tpu.memref_slice %arg13[%dma_start3A_1125] : memref<896xi32, #tpu.memory_space<vmem_shared>> -> memref<896xi32, #tpu.memory_space<vmem_shared>>
    tpu.enqueue_indirect_dma source(%dma_start3A_1121 : memref<128xi32, #tpu.memory_space<vmem>>) target(%dma_start3A_1126 : memref<896xi32, #tpu.memory_space<vmem_shared>>) offsets(%dma_start3A_1124 : memref<128xi32, #tpu.memory_space<vmem>>) semaphore(%arg17 : memref<!tpu.dma_semaphore, #tpu.memory_space<semaphore_mem>>)
    %dma_start3A_1127 = arith.constant 1 : i32
    %dma_start3A_1128 = arith.constant 128 : i32
    %dma_start3A_1129 = tpu.memref_slice %arg8[%dma_start3A_1128] : memref<384xi32, #tpu.memory_space<vmem>> -> memref<128xi32, #tpu.memory_space<vmem>>
    %dma_start3A_1130 = arith.constant 0 : i32
    %dma_start3A_1131 = tpu.memref_slice %arg11[%dma_start3A_1127, %dma_start3A_1130] : memref<3x128xi32, #tpu.memory_space<vmem>> -> memref<1x128xi32, #tpu.memory_space<vmem>>
    %dma_start3A_1132 = tpu.memref_squeeze %dma_start3A_1131 : memref<1x128xi32, #tpu.memory_space<vmem>> -> memref<128xi32, #tpu.memory_space<vmem>>
    %dma_start3A_1133 = arith.constant 0 : i32
    %dma_start3A_1134 = tpu.memref_slice %arg14[%dma_start3A_1133] : memref<896xi32, #tpu.memory_space<vmem_shared>> -> memref<896xi32, #tpu.memory_space<vmem_shared>>
    tpu.enqueue_indirect_dma source(%dma_start3A_1129 : memref<128xi32, #tpu.memory_space<vmem>>) target(%dma_start3A_1134 : memref<896xi32, #tpu.memory_space<vmem_shared>>) offsets(%dma_start3A_1132 : memref<128xi32, #tpu.memory_space<vmem>>) semaphore(%arg17 : memref<!tpu.dma_semaphore, #tpu.memory_space<semaphore_mem>>)
    %dma_start3A_1135 = arith.constant 1 : i32
    %dma_start3A_1136 = arith.constant 128 : i32
    %dma_start3A_1137 = tpu.memref_slice %arg9[%dma_start3A_1136] : memref<384xf32, #tpu.memory_space<vmem>> -> memref<128xf32, #tpu.memory_space<vmem>>
    %dma_start3A_1138 = arith.constant 0 : i32
    %dma_start3A_1139 = tpu.memref_slice %arg11[%dma_start3A_1135, %dma_start3A_1138] : memref<3x128xi32, #tpu.memory_space<vmem>> -> memref<1x128xi32, #tpu.memory_space<vmem>>
    %dma_start3A_1140 = tpu.memref_squeeze %dma_start3A_1139 : memref<1x128xi32, #tpu.memory_space<vmem>> -> memref<128xi32, #tpu.memory_space<vmem>>
    %dma_start3A_1141 = arith.constant 0 : i32
    %dma_start3A_1142 = tpu.memref_slice %arg15[%dma_start3A_1141] : memref<896xf32, #tpu.memory_space<vmem_shared>> -> memref<896xf32, #tpu.memory_space<vmem_shared>>
    tpu.enqueue_indirect_dma source(%dma_start3A_1137 : memref<128xf32, #tpu.memory_space<vmem>>) target(%dma_start3A_1142 : memref<896xf32, #tpu.memory_space<vmem_shared>>) offsets(%dma_start3A_1140 : memref<128xi32, #tpu.memory_space<vmem>>) semaphore(%arg17 : memref<!tpu.dma_semaphore, #tpu.memory_space<semaphore_mem>>)
    %get3A_1143 = arith.constant 256 : index
    %get3A_1144 = tpu.vector_load %arg8[%get3A_1143] {strides = array<i32>} : memref<384xi32, #tpu.memory_space<vmem>>, vector<16xi32>,
    %add3A_1145 = arith.constant 768 : i32
    %add3A_1146 = vector.broadcast %add3A_1145 : i32 to vector<16xi32>
    %add3A_1147 = arith.addi %add3A_1146, %iota3A : vector<16xi32>
    %ge3A_1148 = arith.constant 0 : i32
    %ge3A_1149 = vector.broadcast %ge3A_1148 : i32 to vector<16xi32>
    %ge3A_1150 = arith.cmpi sge, %get3A_1144, %ge3A_1149 : vector<16xi32>
    %lt3A_1151 = arith.constant 80 : i32
    %lt3A_1152 = vector.broadcast %lt3A_1151 : i32 to vector<16xi32>
    %lt3A_1153 = arith.cmpi slt, %get3A_1144, %lt3A_1152 : vector<16xi32>
    %and3A_1154 = arith.andi %ge3A_1150, %lt3A_1153 : vector<16xi1>
    %eq3A_1155 = arith.constant 80 : i32
    %eq3A_1156 = vector.broadcast %eq3A_1155 : i32 to vector<16xi32>
    %eq3A_1157 = arith.cmpi eq, %get3A_1144, %eq3A_1156 : vector<16xi32>
    %convert_element_type3A_1158 = arith.extui %and3A_1154 : vector<16xi1> to vector<16xi32>
    %convert_element_type3A_1159 = arith.extui %eq3A_1157 : vector<16xi1> to vector<16xi32>
    %broadcast_in_dim3A_1160 = arith.constant true
    %broadcast_in_dim3A_1161 = vector.broadcast %broadcast_in_dim3A_1160 : i1 to vector<16xi1>
    %masked_cumsum3A_1162 = tpu.scan <sum>, %convert_element_type3A_1158 masked %broadcast_in_dim3A_1161 : vector<16xi32>, vector<16xi1> -> vector<16xi32>
    %broadcast_in_dim3A_1163 = arith.constant true
    %broadcast_in_dim3A_1164 = vector.broadcast %broadcast_in_dim3A_1163 : i1 to vector<16xi1>
    %masked_cumsum3A_1165 = tpu.scan <sum>, %convert_element_type3A_1159 masked %broadcast_in_dim3A_1164 : vector<16xi32>, vector<16xi1> -> vector<16xi32>
    %add3A_1166 = vector.broadcast %add3A_1115 : i32 to vector<16xi32>
    %add3A_1167 = arith.addi %add3A_1166, %masked_cumsum3A_1162 : vector<16xi32>
    %sub3A_1168 = arith.subi %add3A_1167, %convert_element_type3A_1158 : vector<16xi32>
    %add3A_1169 = vector.broadcast %add3A_1118 : i32 to vector<16xi32>
    %add3A_1170 = arith.addi %add3A_1169, %masked_cumsum3A_1165 : vector<16xi32>
    %sub3A_1171 = arith.subi %add3A_1170, %convert_element_type3A_1159 : vector<16xi32>
    %add3A_1172 = vector.broadcast %reduce_sum3A_43 : i32 to vector<16xi32>
    %add3A_1173 = arith.addi %add3A_1172, %sub3A_1171 : vector<16xi32>
    %select_n3A_1174 = arith.select %and3A_1154, %sub3A_1168, %add3A_1173 : vector<16xi1>, vector<16xi32>
    %add3A_1175 = vector.broadcast %reduce_sum3A_47 : i32 to vector<16xi32>
    %add3A_1176 = arith.addi %add3A_1175, %sub3A_1168 : vector<16xi32>
    %select_n3A_1177 = arith.select %eq3A_1157, %sub3A_1171, %add3A_1176 : vector<16xi1>, vector<16xi32>
    %or3A_1178 = arith.ori %and3A_1154, %eq3A_1157 : vector<16xi1>
    %lt3A_1179 = arith.constant 128 : i32
    %lt3A_1180 = vector.broadcast %lt3A_1179 : i32 to vector<16xi32>
    %lt3A_1181 = arith.cmpi slt, %select_n3A_1174, %lt3A_1180 : vector<16xi32>
    %and3A_1182 = arith.andi %or3A_1178, %lt3A_1181 : vector<16xi1>
    %select_n3A_1183 = arith.select %and3A_1182, %select_n3A_1174, %add3A_1147 : vector<16xi1>, vector<16xi32>
    %lt3A_1184 = arith.constant 384 : i32
    %lt3A_1185 = vector.broadcast %lt3A_1184 : i32 to vector<16xi32>
    %lt3A_1186 = arith.cmpi slt, %select_n3A_1177, %lt3A_1185 : vector<16xi32>
    %and3A_1187 = arith.andi %or3A_1178, %lt3A_1186 : vector<16xi1>
    %add3A_1188 = arith.constant 128 : i32
    %add3A_1189 = vector.broadcast %add3A_1188 : i32 to vector<16xi32>
    %add3A_1190 = arith.addi %select_n3A_1177, %add3A_1189 : vector<16xi32>
    %select_n3A_1191 = arith.select %and3A_1187, %add3A_1190, %add3A_1147 : vector<16xi1>, vector<16xi32>
    %select_n3A_1192 = arith.select %eq3A_48, %select_n3A_1183, %select_n3A_1191 : vector<16xi32>
    %swap3A_1193 = arith.constant 2 : i32
    %swap3A_1194 = arith.index_cast %swap3A_1193 : i32 to index
    %swap3A_1195 = arith.constant 0 : index
    %swap3A_1196 = tpu.vector_load %arg11[%swap3A_1194, %swap3A_1195] {strides = array<i32>} : memref<3x128xi32, #tpu.memory_space<vmem>>, vector<16xi32>,
    tpu.vector_store %arg11[%swap3A_1194, %swap3A_1195], %select_n3A_1192 {strides = array<i32>} : memref<3x128xi32, #tpu.memory_space<vmem>>, vector<16xi32>,
    %add3A_1197 = arith.constant 256 : i32
    %add3A_1198 = arith.addi %mul3A_0, %add3A_1197 : i32
    %add3A_1199 = vector.broadcast %add3A_1198 : i32 to vector<16xi32>
    %add3A_1200 = arith.addi %add3A_1199, %iota3A : vector<16xi32>
    %swap3A_1201 = arith.constant 256 : index
    %swap3A_1202 = tpu.vector_load %arg10[%swap3A_1201] {strides = array<i32>} : memref<384xi32, #tpu.memory_space<vmem>>, vector<16xi32>,
    tpu.vector_store %arg10[%swap3A_1201], %add3A_1200 {strides = array<i32>} : memref<384xi32, #tpu.memory_space<vmem>>, vector<16xi32>,
    %slice3A_1203 = vector.extract_strided_slice %masked_cumsum3A_1162 {offsets = [15], sizes = [1], strides = [1]} : vector<16xi32> to vector<1xi32>
    %squeeze3A_1204 = vector.extract %slice3A_1203[0] : i32 from vector<1xi32>
    %add3A_1205 = arith.addi %add3A_1115, %squeeze3A_1204 : i32
    %slice3A_1206 = vector.extract_strided_slice %masked_cumsum3A_1165 {offsets = [15], sizes = [1], strides = [1]} : vector<16xi32> to vector<1xi32>
    %squeeze3A_1207 = vector.extract %slice3A_1206[0] : i32 from vector<1xi32>
    %add3A_1208 = arith.addi %add3A_1118, %squeeze3A_1207 : i32
    %get3A_1209 = arith.constant 272 : index
    %get3A_1210 = tpu.vector_load %arg8[%get3A_1209] {strides = array<i32>} : memref<384xi32, #tpu.memory_space<vmem>>, vector<16xi32>,
    %add3A_1211 = arith.constant 784 : i32
    %add3A_1212 = vector.broadcast %add3A_1211 : i32 to vector<16xi32>
    %add3A_1213 = arith.addi %add3A_1212, %iota3A : vector<16xi32>
    %ge3A_1214 = arith.constant 0 : i32
    %ge3A_1215 = vector.broadcast %ge3A_1214 : i32 to vector<16xi32>
    %ge3A_1216 = arith.cmpi sge, %get3A_1210, %ge3A_1215 : vector<16xi32>
    %lt3A_1217 = arith.constant 80 : i32
    %lt3A_1218 = vector.broadcast %lt3A_1217 : i32 to vector<16xi32>
    %lt3A_1219 = arith.cmpi slt, %get3A_1210, %lt3A_1218 : vector<16xi32>
    %and3A_1220 = arith.andi %ge3A_1216, %lt3A_1219 : vector<16xi1>
    %eq3A_1221 = arith.constant 80 : i32
    %eq3A_1222 = vector.broadcast %eq3A_1221 : i32 to vector<16xi32>
    %eq3A_1223 = arith.cmpi eq, %get3A_1210, %eq3A_1222 : vector<16xi32>
    %convert_element_type3A_1224 = arith.extui %and3A_1220 : vector<16xi1> to vector<16xi32>
    %convert_element_type3A_1225 = arith.extui %eq3A_1223 : vector<16xi1> to vector<16xi32>
    %broadcast_in_dim3A_1226 = arith.constant true
    %broadcast_in_dim3A_1227 = vector.broadcast %broadcast_in_dim3A_1226 : i1 to vector<16xi1>
    %masked_cumsum3A_1228 = tpu.scan <sum>, %convert_element_type3A_1224 masked %broadcast_in_dim3A_1227 : vector<16xi32>, vector<16xi1> -> vector<16xi32>
    %broadcast_in_dim3A_1229 = arith.constant true
    %broadcast_in_dim3A_1230 = vector.broadcast %broadcast_in_dim3A_1229 : i1 to vector<16xi1>
    %masked_cumsum3A_1231 = tpu.scan <sum>, %convert_element_type3A_1225 masked %broadcast_in_dim3A_1230 : vector<16xi32>, vector<16xi1> -> vector<16xi32>
    %add3A_1232 = vector.broadcast %add3A_1205 : i32 to vector<16xi32>
    %add3A_1233 = arith.addi %add3A_1232, %masked_cumsum3A_1228 : vector<16xi32>
    %sub3A_1234 = arith.subi %add3A_1233, %convert_element_type3A_1224 : vector<16xi32>
    %add3A_1235 = vector.broadcast %add3A_1208 : i32 to vector<16xi32>
    %add3A_1236 = arith.addi %add3A_1235, %masked_cumsum3A_1231 : vector<16xi32>
    %sub3A_1237 = arith.subi %add3A_1236, %convert_element_type3A_1225 : vector<16xi32>
    %add3A_1238 = vector.broadcast %reduce_sum3A_43 : i32 to vector<16xi32>
    %add3A_1239 = arith.addi %add3A_1238, %sub3A_1237 : vector<16xi32>
    %select_n3A_1240 = arith.select %and3A_1220, %sub3A_1234, %add3A_1239 : vector<16xi1>, vector<16xi32>
    %add3A_1241 = vector.broadcast %reduce_sum3A_47 : i32 to vector<16xi32>
    %add3A_1242 = arith.addi %add3A_1241, %sub3A_1234 : vector<16xi32>
    %select_n3A_1243 = arith.select %eq3A_1223, %sub3A_1237, %add3A_1242 : vector<16xi1>, vector<16xi32>
    %or3A_1244 = arith.ori %and3A_1220, %eq3A_1223 : vector<16xi1>
    %lt3A_1245 = arith.constant 128 : i32
    %lt3A_1246 = vector.broadcast %lt3A_1245 : i32 to vector<16xi32>
    %lt3A_1247 = arith.cmpi slt, %select_n3A_1240, %lt3A_1246 : vector<16xi32>
    %and3A_1248 = arith.andi %or3A_1244, %lt3A_1247 : vector<16xi1>
    %select_n3A_1249 = arith.select %and3A_1248, %select_n3A_1240, %add3A_1213 : vector<16xi1>, vector<16xi32>
    %lt3A_1250 = arith.constant 384 : i32
    %lt3A_1251 = vector.broadcast %lt3A_1250 : i32 to vector<16xi32>
    %lt3A_1252 = arith.cmpi slt, %select_n3A_1243, %lt3A_1251 : vector<16xi32>
    %and3A_1253 = arith.andi %or3A_1244, %lt3A_1252 : vector<16xi1>
    %add3A_1254 = arith.constant 128 : i32
    %add3A_1255 = vector.broadcast %add3A_1254 : i32 to vector<16xi32>
    %add3A_1256 = arith.addi %select_n3A_1243, %add3A_1255 : vector<16xi32>
    %select_n3A_1257 = arith.select %and3A_1253, %add3A_1256, %add3A_1213 : vector<16xi1>, vector<16xi32>
    %select_n3A_1258 = arith.select %eq3A_48, %select_n3A_1249, %select_n3A_1257 : vector<16xi32>
    %swap3A_1259 = arith.constant 2 : i32
    %swap3A_1260 = arith.index_cast %swap3A_1259 : i32 to index
    %swap3A_1261 = arith.constant 16 : index
    %swap3A_1262 = tpu.vector_load %arg11[%swap3A_1260, %swap3A_1261] {strides = array<i32>} : memref<3x128xi32, #tpu.memory_space<vmem>>, vector<16xi32>,
    tpu.vector_store %arg11[%swap3A_1260, %swap3A_1261], %select_n3A_1258 {strides = array<i32>} : memref<3x128xi32, #tpu.memory_space<vmem>>, vector<16xi32>,
    %add3A_1263 = arith.constant 272 : i32
    %add3A_1264 = arith.addi %mul3A_0, %add3A_1263 : i32
    %add3A_1265 = vector.broadcast %add3A_1264 : i32 to vector<16xi32>
    %add3A_1266 = arith.addi %add3A_1265, %iota3A : vector<16xi32>
    %swap3A_1267 = arith.constant 272 : index
    %swap3A_1268 = tpu.vector_load %arg10[%swap3A_1267] {strides = array<i32>} : memref<384xi32, #tpu.memory_space<vmem>>, vector<16xi32>,
    tpu.vector_store %arg10[%swap3A_1267], %add3A_1266 {strides = array<i32>} : memref<384xi32, #tpu.memory_space<vmem>>, vector<16xi32>,
    %slice3A_1269 = vector.extract_strided_slice %masked_cumsum3A_1228 {offsets = [15], sizes = [1], strides = [1]} : vector<16xi32> to vector<1xi32>
    %squeeze3A_1270 = vector.extract %slice3A_1269[0] : i32 from vector<1xi32>
    %add3A_1271 = arith.addi %add3A_1205, %squeeze3A_1270 : i32
    %slice3A_1272 = vector.extract_strided_slice %masked_cumsum3A_1231 {offsets = [15], sizes = [1], strides = [1]} : vector<16xi32> to vector<1xi32>
    %squeeze3A_1273 = vector.extract %slice3A_1272[0] : i32 from vector<1xi32>
    %add3A_1274 = arith.addi %add3A_1208, %squeeze3A_1273 : i32
    %get3A_1275 = arith.constant 288 : index
    %get3A_1276 = tpu.vector_load %arg8[%get3A_1275] {strides = array<i32>} : memref<384xi32, #tpu.memory_space<vmem>>, vector<16xi32>,
    %add3A_1277 = arith.constant 800 : i32
    %add3A_1278 = vector.broadcast %add3A_1277 : i32 to vector<16xi32>
    %add3A_1279 = arith.addi %add3A_1278, %iota3A : vector<16xi32>
    %ge3A_1280 = arith.constant 0 : i32
    %ge3A_1281 = vector.broadcast %ge3A_1280 : i32 to vector<16xi32>
    %ge3A_1282 = arith.cmpi sge, %get3A_1276, %ge3A_1281 : vector<16xi32>
    %lt3A_1283 = arith.constant 80 : i32
    %lt3A_1284 = vector.broadcast %lt3A_1283 : i32 to vector<16xi32>
    %lt3A_1285 = arith.cmpi slt, %get3A_1276, %lt3A_1284 : vector<16xi32>
    %and3A_1286 = arith.andi %ge3A_1282, %lt3A_1285 : vector<16xi1>
    %eq3A_1287 = arith.constant 80 : i32
    %eq3A_1288 = vector.broadcast %eq3A_1287 : i32 to vector<16xi32>
    %eq3A_1289 = arith.cmpi eq, %get3A_1276, %eq3A_1288 : vector<16xi32>
    %convert_element_type3A_1290 = arith.extui %and3A_1286 : vector<16xi1> to vector<16xi32>
    %convert_element_type3A_1291 = arith.extui %eq3A_1289 : vector<16xi1> to vector<16xi32>
    %broadcast_in_dim3A_1292 = arith.constant true
    %broadcast_in_dim3A_1293 = vector.broadcast %broadcast_in_dim3A_1292 : i1 to vector<16xi1>
    %masked_cumsum3A_1294 = tpu.scan <sum>, %convert_element_type3A_1290 masked %broadcast_in_dim3A_1293 : vector<16xi32>, vector<16xi1> -> vector<16xi32>
    %broadcast_in_dim3A_1295 = arith.constant true
    %broadcast_in_dim3A_1296 = vector.broadcast %broadcast_in_dim3A_1295 : i1 to vector<16xi1>
    %masked_cumsum3A_1297 = tpu.scan <sum>, %convert_element_type3A_1291 masked %broadcast_in_dim3A_1296 : vector<16xi32>, vector<16xi1> -> vector<16xi32>
    %add3A_1298 = vector.broadcast %add3A_1271 : i32 to vector<16xi32>
    %add3A_1299 = arith.addi %add3A_1298, %masked_cumsum3A_1294 : vector<16xi32>
    %sub3A_1300 = arith.subi %add3A_1299, %convert_element_type3A_1290 : vector<16xi32>
    %add3A_1301 = vector.broadcast %add3A_1274 : i32 to vector<16xi32>
    %add3A_1302 = arith.addi %add3A_1301, %masked_cumsum3A_1297 : vector<16xi32>
    %sub3A_1303 = arith.subi %add3A_1302, %convert_element_type3A_1291 : vector<16xi32>
    %add3A_1304 = vector.broadcast %reduce_sum3A_43 : i32 to vector<16xi32>
    %add3A_1305 = arith.addi %add3A_1304, %sub3A_1303 : vector<16xi32>
    %select_n3A_1306 = arith.select %and3A_1286, %sub3A_1300, %add3A_1305 : vector<16xi1>, vector<16xi32>
    %add3A_1307 = vector.broadcast %reduce_sum3A_47 : i32 to vector<16xi32>
    %add3A_1308 = arith.addi %add3A_1307, %sub3A_1300 : vector<16xi32>
    %select_n3A_1309 = arith.select %eq3A_1289, %sub3A_1303, %add3A_1308 : vector<16xi1>, vector<16xi32>
    %or3A_1310 = arith.ori %and3A_1286, %eq3A_1289 : vector<16xi1>
    %lt3A_1311 = arith.constant 128 : i32
    %lt3A_1312 = vector.broadcast %lt3A_1311 : i32 to vector<16xi32>
    %lt3A_1313 = arith.cmpi slt, %select_n3A_1306, %lt3A_1312 : vector<16xi32>
    %and3A_1314 = arith.andi %or3A_1310, %lt3A_1313 : vector<16xi1>
    %select_n3A_1315 = arith.select %and3A_1314, %select_n3A_1306, %add3A_1279 : vector<16xi1>, vector<16xi32>
    %lt3A_1316 = arith.constant 384 : i32
    %lt3A_1317 = vector.broadcast %lt3A_1316 : i32 to vector<16xi32>
    %lt3A_1318 = arith.cmpi slt, %select_n3A_1309, %lt3A_1317 : vector<16xi32>
    %and3A_1319 = arith.andi %or3A_1310, %lt3A_1318 : vector<16xi1>
    %add3A_1320 = arith.constant 128 : i32
    %add3A_1321 = vector.broadcast %add3A_1320 : i32 to vector<16xi32>
    %add3A_1322 = arith.addi %select_n3A_1309, %add3A_1321 : vector<16xi32>
    %select_n3A_1323 = arith.select %and3A_1319, %add3A_1322, %add3A_1279 : vector<16xi1>, vector<16xi32>
    %select_n3A_1324 = arith.select %eq3A_48, %select_n3A_1315, %select_n3A_1323 : vector<16xi32>
    %swap3A_1325 = arith.constant 2 : i32
    %swap3A_1326 = arith.index_cast %swap3A_1325 : i32 to index
    %swap3A_1327 = arith.constant 32 : index
    %swap3A_1328 = tpu.vector_load %arg11[%swap3A_1326, %swap3A_1327] {strides = array<i32>} : memref<3x128xi32, #tpu.memory_space<vmem>>, vector<16xi32>,
    tpu.vector_store %arg11[%swap3A_1326, %swap3A_1327], %select_n3A_1324 {strides = array<i32>} : memref<3x128xi32, #tpu.memory_space<vmem>>, vector<16xi32>,
    %add3A_1329 = arith.constant 288 : i32
    %add3A_1330 = arith.addi %mul3A_0, %add3A_1329 : i32
    %add3A_1331 = vector.broadcast %add3A_1330 : i32 to vector<16xi32>
    %add3A_1332 = arith.addi %add3A_1331, %iota3A : vector<16xi32>
    %swap3A_1333 = arith.constant 288 : index
    %swap3A_1334 = tpu.vector_load %arg10[%swap3A_1333] {strides = array<i32>} : memref<384xi32, #tpu.memory_space<vmem>>, vector<16xi32>,
    tpu.vector_store %arg10[%swap3A_1333], %add3A_1332 {strides = array<i32>} : memref<384xi32, #tpu.memory_space<vmem>>, vector<16xi32>,
    %slice3A_1335 = vector.extract_strided_slice %masked_cumsum3A_1294 {offsets = [15], sizes = [1], strides = [1]} : vector<16xi32> to vector<1xi32>
    %squeeze3A_1336 = vector.extract %slice3A_1335[0] : i32 from vector<1xi32>
    %add3A_1337 = arith.addi %add3A_1271, %squeeze3A_1336 : i32
    %slice3A_1338 = vector.extract_strided_slice %masked_cumsum3A_1297 {offsets = [15], sizes = [1], strides = [1]} : vector<16xi32> to vector<1xi32>
    %squeeze3A_1339 = vector.extract %slice3A_1338[0] : i32 from vector<1xi32>
    %add3A_1340 = arith.addi %add3A_1274, %squeeze3A_1339 : i32
    %get3A_1341 = arith.constant 304 : index
    %get3A_1342 = tpu.vector_load %arg8[%get3A_1341] {strides = array<i32>} : memref<384xi32, #tpu.memory_space<vmem>>, vector<16xi32>,
    %add3A_1343 = arith.constant 816 : i32
    %add3A_1344 = vector.broadcast %add3A_1343 : i32 to vector<16xi32>
    %add3A_1345 = arith.addi %add3A_1344, %iota3A : vector<16xi32>
    %ge3A_1346 = arith.constant 0 : i32
    %ge3A_1347 = vector.broadcast %ge3A_1346 : i32 to vector<16xi32>
    %ge3A_1348 = arith.cmpi sge, %get3A_1342, %ge3A_1347 : vector<16xi32>
    %lt3A_1349 = arith.constant 80 : i32
    %lt3A_1350 = vector.broadcast %lt3A_1349 : i32 to vector<16xi32>
    %lt3A_1351 = arith.cmpi slt, %get3A_1342, %lt3A_1350 : vector<16xi32>
    %and3A_1352 = arith.andi %ge3A_1348, %lt3A_1351 : vector<16xi1>
    %eq3A_1353 = arith.constant 80 : i32
    %eq3A_1354 = vector.broadcast %eq3A_1353 : i32 to vector<16xi32>
    %eq3A_1355 = arith.cmpi eq, %get3A_1342, %eq3A_1354 : vector<16xi32>
    %convert_element_type3A_1356 = arith.extui %and3A_1352 : vector<16xi1> to vector<16xi32>
    %convert_element_type3A_1357 = arith.extui %eq3A_1355 : vector<16xi1> to vector<16xi32>
    %broadcast_in_dim3A_1358 = arith.constant true
    %broadcast_in_dim3A_1359 = vector.broadcast %broadcast_in_dim3A_1358 : i1 to vector<16xi1>
    %masked_cumsum3A_1360 = tpu.scan <sum>, %convert_element_type3A_1356 masked %broadcast_in_dim3A_1359 : vector<16xi32>, vector<16xi1> -> vector<16xi32>
    %broadcast_in_dim3A_1361 = arith.constant true
    %broadcast_in_dim3A_1362 = vector.broadcast %broadcast_in_dim3A_1361 : i1 to vector<16xi1>
    %masked_cumsum3A_1363 = tpu.scan <sum>, %convert_element_type3A_1357 masked %broadcast_in_dim3A_1362 : vector<16xi32>, vector<16xi1> -> vector<16xi32>
    %add3A_1364 = vector.broadcast %add3A_1337 : i32 to vector<16xi32>
    %add3A_1365 = arith.addi %add3A_1364, %masked_cumsum3A_1360 : vector<16xi32>
    %sub3A_1366 = arith.subi %add3A_1365, %convert_element_type3A_1356 : vector<16xi32>
    %add3A_1367 = vector.broadcast %add3A_1340 : i32 to vector<16xi32>
    %add3A_1368 = arith.addi %add3A_1367, %masked_cumsum3A_1363 : vector<16xi32>
    %sub3A_1369 = arith.subi %add3A_1368, %convert_element_type3A_1357 : vector<16xi32>
    %add3A_1370 = vector.broadcast %reduce_sum3A_43 : i32 to vector<16xi32>
    %add3A_1371 = arith.addi %add3A_1370, %sub3A_1369 : vector<16xi32>
    %select_n3A_1372 = arith.select %and3A_1352, %sub3A_1366, %add3A_1371 : vector<16xi1>, vector<16xi32>
    %add3A_1373 = vector.broadcast %reduce_sum3A_47 : i32 to vector<16xi32>
    %add3A_1374 = arith.addi %add3A_1373, %sub3A_1366 : vector<16xi32>
    %select_n3A_1375 = arith.select %eq3A_1355, %sub3A_1369, %add3A_1374 : vector<16xi1>, vector<16xi32>
    %or3A_1376 = arith.ori %and3A_1352, %eq3A_1355 : vector<16xi1>
    %lt3A_1377 = arith.constant 128 : i32
    %lt3A_1378 = vector.broadcast %lt3A_1377 : i32 to vector<16xi32>
    %lt3A_1379 = arith.cmpi slt, %select_n3A_1372, %lt3A_1378 : vector<16xi32>
    %and3A_1380 = arith.andi %or3A_1376, %lt3A_1379 : vector<16xi1>
    %select_n3A_1381 = arith.select %and3A_1380, %select_n3A_1372, %add3A_1345 : vector<16xi1>, vector<16xi32>
    %lt3A_1382 = arith.constant 384 : i32
    %lt3A_1383 = vector.broadcast %lt3A_1382 : i32 to vector<16xi32>
    %lt3A_1384 = arith.cmpi slt, %select_n3A_1375, %lt3A_1383 : vector<16xi32>
    %and3A_1385 = arith.andi %or3A_1376, %lt3A_1384 : vector<16xi1>
    %add3A_1386 = arith.constant 128 : i32
    %add3A_1387 = vector.broadcast %add3A_1386 : i32 to vector<16xi32>
    %add3A_1388 = arith.addi %select_n3A_1375, %add3A_1387 : vector<16xi32>
    %select_n3A_1389 = arith.select %and3A_1385, %add3A_1388, %add3A_1345 : vector<16xi1>, vector<16xi32>
    %select_n3A_1390 = arith.select %eq3A_48, %select_n3A_1381, %select_n3A_1389 : vector<16xi32>
    %swap3A_1391 = arith.constant 2 : i32
    %swap3A_1392 = arith.index_cast %swap3A_1391 : i32 to index
    %swap3A_1393 = arith.constant 48 : index
    %swap3A_1394 = tpu.vector_load %arg11[%swap3A_1392, %swap3A_1393] {strides = array<i32>} : memref<3x128xi32, #tpu.memory_space<vmem>>, vector<16xi32>,
    tpu.vector_store %arg11[%swap3A_1392, %swap3A_1393], %select_n3A_1390 {strides = array<i32>} : memref<3x128xi32, #tpu.memory_space<vmem>>, vector<16xi32>,
    %add3A_1395 = arith.constant 304 : i32
    %add3A_1396 = arith.addi %mul3A_0, %add3A_1395 : i32
    %add3A_1397 = vector.broadcast %add3A_1396 : i32 to vector<16xi32>
    %add3A_1398 = arith.addi %add3A_1397, %iota3A : vector<16xi32>
    %swap3A_1399 = arith.constant 304 : index
    %swap3A_1400 = tpu.vector_load %arg10[%swap3A_1399] {strides = array<i32>} : memref<384xi32, #tpu.memory_space<vmem>>, vector<16xi32>,
    tpu.vector_store %arg10[%swap3A_1399], %add3A_1398 {strides = array<i32>} : memref<384xi32, #tpu.memory_space<vmem>>, vector<16xi32>,
    %slice3A_1401 = vector.extract_strided_slice %masked_cumsum3A_1360 {offsets = [15], sizes = [1], strides = [1]} : vector<16xi32> to vector<1xi32>
    %squeeze3A_1402 = vector.extract %slice3A_1401[0] : i32 from vector<1xi32>
    %add3A_1403 = arith.addi %add3A_1337, %squeeze3A_1402 : i32
    %slice3A_1404 = vector.extract_strided_slice %masked_cumsum3A_1363 {offsets = [15], sizes = [1], strides = [1]} : vector<16xi32> to vector<1xi32>
    %squeeze3A_1405 = vector.extract %slice3A_1404[0] : i32 from vector<1xi32>
    %add3A_1406 = arith.addi %add3A_1340, %squeeze3A_1405 : i32
    %get3A_1407 = arith.constant 320 : index
    %get3A_1408 = tpu.vector_load %arg8[%get3A_1407] {strides = array<i32>} : memref<384xi32, #tpu.memory_space<vmem>>, vector<16xi32>,
    %add3A_1409 = arith.constant 832 : i32
    %add3A_1410 = vector.broadcast %add3A_1409 : i32 to vector<16xi32>
    %add3A_1411 = arith.addi %add3A_1410, %iota3A : vector<16xi32>
    %ge3A_1412 = arith.constant 0 : i32
    %ge3A_1413 = vector.broadcast %ge3A_1412 : i32 to vector<16xi32>
    %ge3A_1414 = arith.cmpi sge, %get3A_1408, %ge3A_1413 : vector<16xi32>
    %lt3A_1415 = arith.constant 80 : i32
    %lt3A_1416 = vector.broadcast %lt3A_1415 : i32 to vector<16xi32>
    %lt3A_1417 = arith.cmpi slt, %get3A_1408, %lt3A_1416 : vector<16xi32>
    %and3A_1418 = arith.andi %ge3A_1414, %lt3A_1417 : vector<16xi1>
    %eq3A_1419 = arith.constant 80 : i32
    %eq3A_1420 = vector.broadcast %eq3A_1419 : i32 to vector<16xi32>
    %eq3A_1421 = arith.cmpi eq, %get3A_1408, %eq3A_1420 : vector<16xi32>
    %convert_element_type3A_1422 = arith.extui %and3A_1418 : vector<16xi1> to vector<16xi32>
    %convert_element_type3A_1423 = arith.extui %eq3A_1421 : vector<16xi1> to vector<16xi32>
    %broadcast_in_dim3A_1424 = arith.constant true
    %broadcast_in_dim3A_1425 = vector.broadcast %broadcast_in_dim3A_1424 : i1 to vector<16xi1>
    %masked_cumsum3A_1426 = tpu.scan <sum>, %convert_element_type3A_1422 masked %broadcast_in_dim3A_1425 : vector<16xi32>, vector<16xi1> -> vector<16xi32>
    %broadcast_in_dim3A_1427 = arith.constant true
    %broadcast_in_dim3A_1428 = vector.broadcast %broadcast_in_dim3A_1427 : i1 to vector<16xi1>
    %masked_cumsum3A_1429 = tpu.scan <sum>, %convert_element_type3A_1423 masked %broadcast_in_dim3A_1428 : vector<16xi32>, vector<16xi1> -> vector<16xi32>
    %add3A_1430 = vector.broadcast %add3A_1403 : i32 to vector<16xi32>
    %add3A_1431 = arith.addi %add3A_1430, %masked_cumsum3A_1426 : vector<16xi32>
    %sub3A_1432 = arith.subi %add3A_1431, %convert_element_type3A_1422 : vector<16xi32>
    %add3A_1433 = vector.broadcast %add3A_1406 : i32 to vector<16xi32>
    %add3A_1434 = arith.addi %add3A_1433, %masked_cumsum3A_1429 : vector<16xi32>
    %sub3A_1435 = arith.subi %add3A_1434, %convert_element_type3A_1423 : vector<16xi32>
    %add3A_1436 = vector.broadcast %reduce_sum3A_43 : i32 to vector<16xi32>
    %add3A_1437 = arith.addi %add3A_1436, %sub3A_1435 : vector<16xi32>
    %select_n3A_1438 = arith.select %and3A_1418, %sub3A_1432, %add3A_1437 : vector<16xi1>, vector<16xi32>
    %add3A_1439 = vector.broadcast %reduce_sum3A_47 : i32 to vector<16xi32>
    %add3A_1440 = arith.addi %add3A_1439, %sub3A_1432 : vector<16xi32>
    %select_n3A_1441 = arith.select %eq3A_1421, %sub3A_1435, %add3A_1440 : vector<16xi1>, vector<16xi32>
    %or3A_1442 = arith.ori %and3A_1418, %eq3A_1421 : vector<16xi1>
    %lt3A_1443 = arith.constant 128 : i32
    %lt3A_1444 = vector.broadcast %lt3A_1443 : i32 to vector<16xi32>
    %lt3A_1445 = arith.cmpi slt, %select_n3A_1438, %lt3A_1444 : vector<16xi32>
    %and3A_1446 = arith.andi %or3A_1442, %lt3A_1445 : vector<16xi1>
    %select_n3A_1447 = arith.select %and3A_1446, %select_n3A_1438, %add3A_1411 : vector<16xi1>, vector<16xi32>
    %lt3A_1448 = arith.constant 384 : i32
    %lt3A_1449 = vector.broadcast %lt3A_1448 : i32 to vector<16xi32>
    %lt3A_1450 = arith.cmpi slt, %select_n3A_1441, %lt3A_1449 : vector<16xi32>
    %and3A_1451 = arith.andi %or3A_1442, %lt3A_1450 : vector<16xi1>
    %add3A_1452 = arith.constant 128 : i32
    %add3A_1453 = vector.broadcast %add3A_1452 : i32 to vector<16xi32>
    %add3A_1454 = arith.addi %select_n3A_1441, %add3A_1453 : vector<16xi32>
    %select_n3A_1455 = arith.select %and3A_1451, %add3A_1454, %add3A_1411 : vector<16xi1>, vector<16xi32>
    %select_n3A_1456 = arith.select %eq3A_48, %select_n3A_1447, %select_n3A_1455 : vector<16xi32>
    %swap3A_1457 = arith.constant 2 : i32
    %swap3A_1458 = arith.index_cast %swap3A_1457 : i32 to index
    %swap3A_1459 = arith.constant 64 : index
    %swap3A_1460 = tpu.vector_load %arg11[%swap3A_1458, %swap3A_1459] {strides = array<i32>} : memref<3x128xi32, #tpu.memory_space<vmem>>, vector<16xi32>,
    tpu.vector_store %arg11[%swap3A_1458, %swap3A_1459], %select_n3A_1456 {strides = array<i32>} : memref<3x128xi32, #tpu.memory_space<vmem>>, vector<16xi32>,
    %add3A_1461 = arith.constant 320 : i32
    %add3A_1462 = arith.addi %mul3A_0, %add3A_1461 : i32
    %add3A_1463 = vector.broadcast %add3A_1462 : i32 to vector<16xi32>
    %add3A_1464 = arith.addi %add3A_1463, %iota3A : vector<16xi32>
    %swap3A_1465 = arith.constant 320 : index
    %swap3A_1466 = tpu.vector_load %arg10[%swap3A_1465] {strides = array<i32>} : memref<384xi32, #tpu.memory_space<vmem>>, vector<16xi32>,
    tpu.vector_store %arg10[%swap3A_1465], %add3A_1464 {strides = array<i32>} : memref<384xi32, #tpu.memory_space<vmem>>, vector<16xi32>,
    %slice3A_1467 = vector.extract_strided_slice %masked_cumsum3A_1426 {offsets = [15], sizes = [1], strides = [1]} : vector<16xi32> to vector<1xi32>
    %squeeze3A_1468 = vector.extract %slice3A_1467[0] : i32 from vector<1xi32>
    %add3A_1469 = arith.addi %add3A_1403, %squeeze3A_1468 : i32
    %slice3A_1470 = vector.extract_strided_slice %masked_cumsum3A_1429 {offsets = [15], sizes = [1], strides = [1]} : vector<16xi32> to vector<1xi32>
    %squeeze3A_1471 = vector.extract %slice3A_1470[0] : i32 from vector<1xi32>
    %add3A_1472 = arith.addi %add3A_1406, %squeeze3A_1471 : i32
    %get3A_1473 = arith.constant 336 : index
    %get3A_1474 = tpu.vector_load %arg8[%get3A_1473] {strides = array<i32>} : memref<384xi32, #tpu.memory_space<vmem>>, vector<16xi32>,
    %add3A_1475 = arith.constant 848 : i32
    %add3A_1476 = vector.broadcast %add3A_1475 : i32 to vector<16xi32>
    %add3A_1477 = arith.addi %add3A_1476, %iota3A : vector<16xi32>
    %ge3A_1478 = arith.constant 0 : i32
    %ge3A_1479 = vector.broadcast %ge3A_1478 : i32 to vector<16xi32>
    %ge3A_1480 = arith.cmpi sge, %get3A_1474, %ge3A_1479 : vector<16xi32>
    %lt3A_1481 = arith.constant 80 : i32
    %lt3A_1482 = vector.broadcast %lt3A_1481 : i32 to vector<16xi32>
    %lt3A_1483 = arith.cmpi slt, %get3A_1474, %lt3A_1482 : vector<16xi32>
    %and3A_1484 = arith.andi %ge3A_1480, %lt3A_1483 : vector<16xi1>
    %eq3A_1485 = arith.constant 80 : i32
    %eq3A_1486 = vector.broadcast %eq3A_1485 : i32 to vector<16xi32>
    %eq3A_1487 = arith.cmpi eq, %get3A_1474, %eq3A_1486 : vector<16xi32>
    %convert_element_type3A_1488 = arith.extui %and3A_1484 : vector<16xi1> to vector<16xi32>
    %convert_element_type3A_1489 = arith.extui %eq3A_1487 : vector<16xi1> to vector<16xi32>
    %broadcast_in_dim3A_1490 = arith.constant true
    %broadcast_in_dim3A_1491 = vector.broadcast %broadcast_in_dim3A_1490 : i1 to vector<16xi1>
    %masked_cumsum3A_1492 = tpu.scan <sum>, %convert_element_type3A_1488 masked %broadcast_in_dim3A_1491 : vector<16xi32>, vector<16xi1> -> vector<16xi32>
    %broadcast_in_dim3A_1493 = arith.constant true
    %broadcast_in_dim3A_1494 = vector.broadcast %broadcast_in_dim3A_1493 : i1 to vector<16xi1>
    %masked_cumsum3A_1495 = tpu.scan <sum>, %convert_element_type3A_1489 masked %broadcast_in_dim3A_1494 : vector<16xi32>, vector<16xi1> -> vector<16xi32>
    %add3A_1496 = vector.broadcast %add3A_1469 : i32 to vector<16xi32>
    %add3A_1497 = arith.addi %add3A_1496, %masked_cumsum3A_1492 : vector<16xi32>
    %sub3A_1498 = arith.subi %add3A_1497, %convert_element_type3A_1488 : vector<16xi32>
    %add3A_1499 = vector.broadcast %add3A_1472 : i32 to vector<16xi32>
    %add3A_1500 = arith.addi %add3A_1499, %masked_cumsum3A_1495 : vector<16xi32>
    %sub3A_1501 = arith.subi %add3A_1500, %convert_element_type3A_1489 : vector<16xi32>
    %add3A_1502 = vector.broadcast %reduce_sum3A_43 : i32 to vector<16xi32>
    %add3A_1503 = arith.addi %add3A_1502, %sub3A_1501 : vector<16xi32>
    %select_n3A_1504 = arith.select %and3A_1484, %sub3A_1498, %add3A_1503 : vector<16xi1>, vector<16xi32>
    %add3A_1505 = vector.broadcast %reduce_sum3A_47 : i32 to vector<16xi32>
    %add3A_1506 = arith.addi %add3A_1505, %sub3A_1498 : vector<16xi32>
    %select_n3A_1507 = arith.select %eq3A_1487, %sub3A_1501, %add3A_1506 : vector<16xi1>, vector<16xi32>
    %or3A_1508 = arith.ori %and3A_1484, %eq3A_1487 : vector<16xi1>
    %lt3A_1509 = arith.constant 128 : i32
    %lt3A_1510 = vector.broadcast %lt3A_1509 : i32 to vector<16xi32>
    %lt3A_1511 = arith.cmpi slt, %select_n3A_1504, %lt3A_1510 : vector<16xi32>
    %and3A_1512 = arith.andi %or3A_1508, %lt3A_1511 : vector<16xi1>
    %select_n3A_1513 = arith.select %and3A_1512, %select_n3A_1504, %add3A_1477 : vector<16xi1>, vector<16xi32>
    %lt3A_1514 = arith.constant 384 : i32
    %lt3A_1515 = vector.broadcast %lt3A_1514 : i32 to vector<16xi32>
    %lt3A_1516 = arith.cmpi slt, %select_n3A_1507, %lt3A_1515 : vector<16xi32>
    %and3A_1517 = arith.andi %or3A_1508, %lt3A_1516 : vector<16xi1>
    %add3A_1518 = arith.constant 128 : i32
    %add3A_1519 = vector.broadcast %add3A_1518 : i32 to vector<16xi32>
    %add3A_1520 = arith.addi %select_n3A_1507, %add3A_1519 : vector<16xi32>
    %select_n3A_1521 = arith.select %and3A_1517, %add3A_1520, %add3A_1477 : vector<16xi1>, vector<16xi32>
    %select_n3A_1522 = arith.select %eq3A_48, %select_n3A_1513, %select_n3A_1521 : vector<16xi32>
    %swap3A_1523 = arith.constant 2 : i32
    %swap3A_1524 = arith.index_cast %swap3A_1523 : i32 to index
    %swap3A_1525 = arith.constant 80 : index
    %swap3A_1526 = tpu.vector_load %arg11[%swap3A_1524, %swap3A_1525] {strides = array<i32>} : memref<3x128xi32, #tpu.memory_space<vmem>>, vector<16xi32>,
    tpu.vector_store %arg11[%swap3A_1524, %swap3A_1525], %select_n3A_1522 {strides = array<i32>} : memref<3x128xi32, #tpu.memory_space<vmem>>, vector<16xi32>,
    %add3A_1527 = arith.constant 336 : i32
    %add3A_1528 = arith.addi %mul3A_0, %add3A_1527 : i32
    %add3A_1529 = vector.broadcast %add3A_1528 : i32 to vector<16xi32>
    %add3A_1530 = arith.addi %add3A_1529, %iota3A : vector<16xi32>
    %swap3A_1531 = arith.constant 336 : index
    %swap3A_1532 = tpu.vector_load %arg10[%swap3A_1531] {strides = array<i32>} : memref<384xi32, #tpu.memory_space<vmem>>, vector<16xi32>,
    tpu.vector_store %arg10[%swap3A_1531], %add3A_1530 {strides = array<i32>} : memref<384xi32, #tpu.memory_space<vmem>>, vector<16xi32>,
    %slice3A_1533 = vector.extract_strided_slice %masked_cumsum3A_1492 {offsets = [15], sizes = [1], strides = [1]} : vector<16xi32> to vector<1xi32>
    %squeeze3A_1534 = vector.extract %slice3A_1533[0] : i32 from vector<1xi32>
    %add3A_1535 = arith.addi %add3A_1469, %squeeze3A_1534 : i32
    %slice3A_1536 = vector.extract_strided_slice %masked_cumsum3A_1495 {offsets = [15], sizes = [1], strides = [1]} : vector<16xi32> to vector<1xi32>
    %squeeze3A_1537 = vector.extract %slice3A_1536[0] : i32 from vector<1xi32>
    %add3A_1538 = arith.addi %add3A_1472, %squeeze3A_1537 : i32
    %get3A_1539 = arith.constant 352 : index
    %get3A_1540 = tpu.vector_load %arg8[%get3A_1539] {strides = array<i32>} : memref<384xi32, #tpu.memory_space<vmem>>, vector<16xi32>,
    %add3A_1541 = arith.constant 864 : i32
    %add3A_1542 = vector.broadcast %add3A_1541 : i32 to vector<16xi32>
    %add3A_1543 = arith.addi %add3A_1542, %iota3A : vector<16xi32>
    %ge3A_1544 = arith.constant 0 : i32
    %ge3A_1545 = vector.broadcast %ge3A_1544 : i32 to vector<16xi32>
    %ge3A_1546 = arith.cmpi sge, %get3A_1540, %ge3A_1545 : vector<16xi32>
    %lt3A_1547 = arith.constant 80 : i32
    %lt3A_1548 = vector.broadcast %lt3A_1547 : i32 to vector<16xi32>
    %lt3A_1549 = arith.cmpi slt, %get3A_1540, %lt3A_1548 : vector<16xi32>
    %and3A_1550 = arith.andi %ge3A_1546, %lt3A_1549 : vector<16xi1>
    %eq3A_1551 = arith.constant 80 : i32
    %eq3A_1552 = vector.broadcast %eq3A_1551 : i32 to vector<16xi32>
    %eq3A_1553 = arith.cmpi eq, %get3A_1540, %eq3A_1552 : vector<16xi32>
    %convert_element_type3A_1554 = arith.extui %and3A_1550 : vector<16xi1> to vector<16xi32>
    %convert_element_type3A_1555 = arith.extui %eq3A_1553 : vector<16xi1> to vector<16xi32>
    %broadcast_in_dim3A_1556 = arith.constant true
    %broadcast_in_dim3A_1557 = vector.broadcast %broadcast_in_dim3A_1556 : i1 to vector<16xi1>
    %masked_cumsum3A_1558 = tpu.scan <sum>, %convert_element_type3A_1554 masked %broadcast_in_dim3A_1557 : vector<16xi32>, vector<16xi1> -> vector<16xi32>
    %broadcast_in_dim3A_1559 = arith.constant true
    %broadcast_in_dim3A_1560 = vector.broadcast %broadcast_in_dim3A_1559 : i1 to vector<16xi1>
    %masked_cumsum3A_1561 = tpu.scan <sum>, %convert_element_type3A_1555 masked %broadcast_in_dim3A_1560 : vector<16xi32>, vector<16xi1> -> vector<16xi32>
    %add3A_1562 = vector.broadcast %add3A_1535 : i32 to vector<16xi32>
    %add3A_1563 = arith.addi %add3A_1562, %masked_cumsum3A_1558 : vector<16xi32>
    %sub3A_1564 = arith.subi %add3A_1563, %convert_element_type3A_1554 : vector<16xi32>
    %add3A_1565 = vector.broadcast %add3A_1538 : i32 to vector<16xi32>
    %add3A_1566 = arith.addi %add3A_1565, %masked_cumsum3A_1561 : vector<16xi32>
    %sub3A_1567 = arith.subi %add3A_1566, %convert_element_type3A_1555 : vector<16xi32>
    %add3A_1568 = vector.broadcast %reduce_sum3A_43 : i32 to vector<16xi32>
    %add3A_1569 = arith.addi %add3A_1568, %sub3A_1567 : vector<16xi32>
    %select_n3A_1570 = arith.select %and3A_1550, %sub3A_1564, %add3A_1569 : vector<16xi1>, vector<16xi32>
    %add3A_1571 = vector.broadcast %reduce_sum3A_47 : i32 to vector<16xi32>
    %add3A_1572 = arith.addi %add3A_1571, %sub3A_1564 : vector<16xi32>
    %select_n3A_1573 = arith.select %eq3A_1553, %sub3A_1567, %add3A_1572 : vector<16xi1>, vector<16xi32>
    %or3A_1574 = arith.ori %and3A_1550, %eq3A_1553 : vector<16xi1>
    %lt3A_1575 = arith.constant 128 : i32
    %lt3A_1576 = vector.broadcast %lt3A_1575 : i32 to vector<16xi32>
    %lt3A_1577 = arith.cmpi slt, %select_n3A_1570, %lt3A_1576 : vector<16xi32>
    %and3A_1578 = arith.andi %or3A_1574, %lt3A_1577 : vector<16xi1>
    %select_n3A_1579 = arith.select %and3A_1578, %select_n3A_1570, %add3A_1543 : vector<16xi1>, vector<16xi32>
    %lt3A_1580 = arith.constant 384 : i32
    %lt3A_1581 = vector.broadcast %lt3A_1580 : i32 to vector<16xi32>
    %lt3A_1582 = arith.cmpi slt, %select_n3A_1573, %lt3A_1581 : vector<16xi32>
    %and3A_1583 = arith.andi %or3A_1574, %lt3A_1582 : vector<16xi1>
    %add3A_1584 = arith.constant 128 : i32
    %add3A_1585 = vector.broadcast %add3A_1584 : i32 to vector<16xi32>
    %add3A_1586 = arith.addi %select_n3A_1573, %add3A_1585 : vector<16xi32>
    %select_n3A_1587 = arith.select %and3A_1583, %add3A_1586, %add3A_1543 : vector<16xi1>, vector<16xi32>
    %select_n3A_1588 = arith.select %eq3A_48, %select_n3A_1579, %select_n3A_1587 : vector<16xi32>
    %swap3A_1589 = arith.constant 2 : i32
    %swap3A_1590 = arith.index_cast %swap3A_1589 : i32 to index
    %swap3A_1591 = arith.constant 96 : index
    %swap3A_1592 = tpu.vector_load %arg11[%swap3A_1590, %swap3A_1591] {strides = array<i32>} : memref<3x128xi32, #tpu.memory_space<vmem>>, vector<16xi32>,
    tpu.vector_store %arg11[%swap3A_1590, %swap3A_1591], %select_n3A_1588 {strides = array<i32>} : memref<3x128xi32, #tpu.memory_space<vmem>>, vector<16xi32>,
    %add3A_1593 = arith.constant 352 : i32
    %add3A_1594 = arith.addi %mul3A_0, %add3A_1593 : i32
    %add3A_1595 = vector.broadcast %add3A_1594 : i32 to vector<16xi32>
    %add3A_1596 = arith.addi %add3A_1595, %iota3A : vector<16xi32>
    %swap3A_1597 = arith.constant 352 : index
    %swap3A_1598 = tpu.vector_load %arg10[%swap3A_1597] {strides = array<i32>} : memref<384xi32, #tpu.memory_space<vmem>>, vector<16xi32>,
    tpu.vector_store %arg10[%swap3A_1597], %add3A_1596 {strides = array<i32>} : memref<384xi32, #tpu.memory_space<vmem>>, vector<16xi32>,
    %slice3A_1599 = vector.extract_strided_slice %masked_cumsum3A_1558 {offsets = [15], sizes = [1], strides = [1]} : vector<16xi32> to vector<1xi32>
    %squeeze3A_1600 = vector.extract %slice3A_1599[0] : i32 from vector<1xi32>
    %add3A_1601 = arith.addi %add3A_1535, %squeeze3A_1600 : i32
    %slice3A_1602 = vector.extract_strided_slice %masked_cumsum3A_1561 {offsets = [15], sizes = [1], strides = [1]} : vector<16xi32> to vector<1xi32>
    %squeeze3A_1603 = vector.extract %slice3A_1602[0] : i32 from vector<1xi32>
    %add3A_1604 = arith.addi %add3A_1538, %squeeze3A_1603 : i32
    %get3A_1605 = arith.constant 368 : index
    %get3A_1606 = tpu.vector_load %arg8[%get3A_1605] {strides = array<i32>} : memref<384xi32, #tpu.memory_space<vmem>>, vector<16xi32>,
    %add3A_1607 = arith.constant 880 : i32
    %add3A_1608 = vector.broadcast %add3A_1607 : i32 to vector<16xi32>
    %add3A_1609 = arith.addi %add3A_1608, %iota3A : vector<16xi32>
    %ge3A_1610 = arith.constant 0 : i32
    %ge3A_1611 = vector.broadcast %ge3A_1610 : i32 to vector<16xi32>
    %ge3A_1612 = arith.cmpi sge, %get3A_1606, %ge3A_1611 : vector<16xi32>
    %lt3A_1613 = arith.constant 80 : i32
    %lt3A_1614 = vector.broadcast %lt3A_1613 : i32 to vector<16xi32>
    %lt3A_1615 = arith.cmpi slt, %get3A_1606, %lt3A_1614 : vector<16xi32>
    %and3A_1616 = arith.andi %ge3A_1612, %lt3A_1615 : vector<16xi1>
    %eq3A_1617 = arith.constant 80 : i32
    %eq3A_1618 = vector.broadcast %eq3A_1617 : i32 to vector<16xi32>
    %eq3A_1619 = arith.cmpi eq, %get3A_1606, %eq3A_1618 : vector<16xi32>
    %convert_element_type3A_1620 = arith.extui %and3A_1616 : vector<16xi1> to vector<16xi32>
    %convert_element_type3A_1621 = arith.extui %eq3A_1619 : vector<16xi1> to vector<16xi32>
    %broadcast_in_dim3A_1622 = arith.constant true
    %broadcast_in_dim3A_1623 = vector.broadcast %broadcast_in_dim3A_1622 : i1 to vector<16xi1>
    %masked_cumsum3A_1624 = tpu.scan <sum>, %convert_element_type3A_1620 masked %broadcast_in_dim3A_1623 : vector<16xi32>, vector<16xi1> -> vector<16xi32>
    %broadcast_in_dim3A_1625 = arith.constant true
    %broadcast_in_dim3A_1626 = vector.broadcast %broadcast_in_dim3A_1625 : i1 to vector<16xi1>
    %masked_cumsum3A_1627 = tpu.scan <sum>, %convert_element_type3A_1621 masked %broadcast_in_dim3A_1626 : vector<16xi32>, vector<16xi1> -> vector<16xi32>
    %add3A_1628 = vector.broadcast %add3A_1601 : i32 to vector<16xi32>
    %add3A_1629 = arith.addi %add3A_1628, %masked_cumsum3A_1624 : vector<16xi32>
    %sub3A_1630 = arith.subi %add3A_1629, %convert_element_type3A_1620 : vector<16xi32>
    %add3A_1631 = vector.broadcast %add3A_1604 : i32 to vector<16xi32>
    %add3A_1632 = arith.addi %add3A_1631, %masked_cumsum3A_1627 : vector<16xi32>
    %sub3A_1633 = arith.subi %add3A_1632, %convert_element_type3A_1621 : vector<16xi32>
    %add3A_1634 = vector.broadcast %reduce_sum3A_43 : i32 to vector<16xi32>
    %add3A_1635 = arith.addi %add3A_1634, %sub3A_1633 : vector<16xi32>
    %select_n3A_1636 = arith.select %and3A_1616, %sub3A_1630, %add3A_1635 : vector<16xi1>, vector<16xi32>
    %add3A_1637 = vector.broadcast %reduce_sum3A_47 : i32 to vector<16xi32>
    %add3A_1638 = arith.addi %add3A_1637, %sub3A_1630 : vector<16xi32>
    %select_n3A_1639 = arith.select %eq3A_1619, %sub3A_1633, %add3A_1638 : vector<16xi1>, vector<16xi32>
    %or3A_1640 = arith.ori %and3A_1616, %eq3A_1619 : vector<16xi1>
    %lt3A_1641 = arith.constant 128 : i32
    %lt3A_1642 = vector.broadcast %lt3A_1641 : i32 to vector<16xi32>
    %lt3A_1643 = arith.cmpi slt, %select_n3A_1636, %lt3A_1642 : vector<16xi32>
    %and3A_1644 = arith.andi %or3A_1640, %lt3A_1643 : vector<16xi1>
    %select_n3A_1645 = arith.select %and3A_1644, %select_n3A_1636, %add3A_1609 : vector<16xi1>, vector<16xi32>
    %lt3A_1646 = arith.constant 384 : i32
    %lt3A_1647 = vector.broadcast %lt3A_1646 : i32 to vector<16xi32>
    %lt3A_1648 = arith.cmpi slt, %select_n3A_1639, %lt3A_1647 : vector<16xi32>
    %and3A_1649 = arith.andi %or3A_1640, %lt3A_1648 : vector<16xi1>
    %add3A_1650 = arith.constant 128 : i32
    %add3A_1651 = vector.broadcast %add3A_1650 : i32 to vector<16xi32>
    %add3A_1652 = arith.addi %select_n3A_1639, %add3A_1651 : vector<16xi32>
    %select_n3A_1653 = arith.select %and3A_1649, %add3A_1652, %add3A_1609 : vector<16xi1>, vector<16xi32>
    %select_n3A_1654 = arith.select %eq3A_48, %select_n3A_1645, %select_n3A_1653 : vector<16xi32>
    %swap3A_1655 = arith.constant 2 : i32
    %swap3A_1656 = arith.index_cast %swap3A_1655 : i32 to index
    %swap3A_1657 = arith.constant 112 : index
    %swap3A_1658 = tpu.vector_load %arg11[%swap3A_1656, %swap3A_1657] {strides = array<i32>} : memref<3x128xi32, #tpu.memory_space<vmem>>, vector<16xi32>,
    tpu.vector_store %arg11[%swap3A_1656, %swap3A_1657], %select_n3A_1654 {strides = array<i32>} : memref<3x128xi32, #tpu.memory_space<vmem>>, vector<16xi32>,
    %add3A_1659 = arith.constant 368 : i32
    %add3A_1660 = arith.addi %mul3A_0, %add3A_1659 : i32
    %add3A_1661 = vector.broadcast %add3A_1660 : i32 to vector<16xi32>
    %add3A_1662 = arith.addi %add3A_1661, %iota3A : vector<16xi32>
    %swap3A_1663 = arith.constant 368 : index
    %swap3A_1664 = tpu.vector_load %arg10[%swap3A_1663] {strides = array<i32>} : memref<384xi32, #tpu.memory_space<vmem>>, vector<16xi32>,
    tpu.vector_store %arg10[%swap3A_1663], %add3A_1662 {strides = array<i32>} : memref<384xi32, #tpu.memory_space<vmem>>, vector<16xi32>,
    %slice3A_1665 = vector.extract_strided_slice %masked_cumsum3A_1624 {offsets = [15], sizes = [1], strides = [1]} : vector<16xi32> to vector<1xi32>
    %squeeze3A_1666 = vector.extract %slice3A_1665[0] : i32 from vector<1xi32>
    %add3A_1667 = arith.addi %add3A_1601, %squeeze3A_1666 : i32
    %slice3A_1668 = vector.extract_strided_slice %masked_cumsum3A_1627 {offsets = [15], sizes = [1], strides = [1]} : vector<16xi32> to vector<1xi32>
    %squeeze3A_1669 = vector.extract %slice3A_1668[0] : i32 from vector<1xi32>
    %add3A_1670 = arith.addi %add3A_1604, %squeeze3A_1669 : i32
    %dma_start3A_1671 = arith.constant 2 : i32
    %dma_start3A_1672 = arith.constant 256 : i32
    %dma_start3A_1673 = tpu.memref_slice %arg10[%dma_start3A_1672] : memref<384xi32, #tpu.memory_space<vmem>> -> memref<128xi32, #tpu.memory_space<vmem>>
    %dma_start3A_1674 = arith.constant 0 : i32
    %dma_start3A_1675 = tpu.memref_slice %arg11[%dma_start3A_1671, %dma_start3A_1674] : memref<3x128xi32, #tpu.memory_space<vmem>> -> memref<1x128xi32, #tpu.memory_space<vmem>>
    %dma_start3A_1676 = tpu.memref_squeeze %dma_start3A_1675 : memref<1x128xi32, #tpu.memory_space<vmem>> -> memref<128xi32, #tpu.memory_space<vmem>>
    %dma_start3A_1677 = arith.constant 0 : i32
    %dma_start3A_1678 = tpu.memref_slice %arg13[%dma_start3A_1677] : memref<896xi32, #tpu.memory_space<vmem_shared>> -> memref<896xi32, #tpu.memory_space<vmem_shared>>
    tpu.enqueue_indirect_dma source(%dma_start3A_1673 : memref<128xi32, #tpu.memory_space<vmem>>) target(%dma_start3A_1678 : memref<896xi32, #tpu.memory_space<vmem_shared>>) offsets(%dma_start3A_1676 : memref<128xi32, #tpu.memory_space<vmem>>) semaphore(%arg17 : memref<!tpu.dma_semaphore, #tpu.memory_space<semaphore_mem>>)
    %dma_start3A_1679 = arith.constant 2 : i32
    %dma_start3A_1680 = arith.constant 256 : i32
    %dma_start3A_1681 = tpu.memref_slice %arg8[%dma_start3A_1680] : memref<384xi32, #tpu.memory_space<vmem>> -> memref<128xi32, #tpu.memory_space<vmem>>
    %dma_start3A_1682 = arith.constant 0 : i32
    %dma_start3A_1683 = tpu.memref_slice %arg11[%dma_start3A_1679, %dma_start3A_1682] : memref<3x128xi32, #tpu.memory_space<vmem>> -> memref<1x128xi32, #tpu.memory_space<vmem>>
    %dma_start3A_1684 = tpu.memref_squeeze %dma_start3A_1683 : memref<1x128xi32, #tpu.memory_space<vmem>> -> memref<128xi32, #tpu.memory_space<vmem>>
    %dma_start3A_1685 = arith.constant 0 : i32
    %dma_start3A_1686 = tpu.memref_slice %arg14[%dma_start3A_1685] : memref<896xi32, #tpu.memory_space<vmem_shared>> -> memref<896xi32, #tpu.memory_space<vmem_shared>>
    tpu.enqueue_indirect_dma source(%dma_start3A_1681 : memref<128xi32, #tpu.memory_space<vmem>>) target(%dma_start3A_1686 : memref<896xi32, #tpu.memory_space<vmem_shared>>) offsets(%dma_start3A_1684 : memref<128xi32, #tpu.memory_space<vmem>>) semaphore(%arg17 : memref<!tpu.dma_semaphore, #tpu.memory_space<semaphore_mem>>)
    %dma_start3A_1687 = arith.constant 2 : i32
    %dma_start3A_1688 = arith.constant 256 : i32
    %dma_start3A_1689 = tpu.memref_slice %arg9[%dma_start3A_1688] : memref<384xf32, #tpu.memory_space<vmem>> -> memref<128xf32, #tpu.memory_space<vmem>>
    %dma_start3A_1690 = arith.constant 0 : i32
    %dma_start3A_1691 = tpu.memref_slice %arg11[%dma_start3A_1687, %dma_start3A_1690] : memref<3x128xi32, #tpu.memory_space<vmem>> -> memref<1x128xi32, #tpu.memory_space<vmem>>
    %dma_start3A_1692 = tpu.memref_squeeze %dma_start3A_1691 : memref<1x128xi32, #tpu.memory_space<vmem>> -> memref<128xi32, #tpu.memory_space<vmem>>
    %dma_start3A_1693 = arith.constant 0 : i32
    %dma_start3A_1694 = tpu.memref_slice %arg15[%dma_start3A_1693] : memref<896xf32, #tpu.memory_space<vmem_shared>> -> memref<896xf32, #tpu.memory_space<vmem_shared>>
    tpu.enqueue_indirect_dma source(%dma_start3A_1689 : memref<128xf32, #tpu.memory_space<vmem>>) target(%dma_start3A_1694 : memref<896xf32, #tpu.memory_space<vmem_shared>>) offsets(%dma_start3A_1692 : memref<128xi32, #tpu.memory_space<vmem>>) semaphore(%arg17 : memref<!tpu.dma_semaphore, #tpu.memory_space<semaphore_mem>>)
    %dma_wait3A_1695 = arith.constant 0 : i32
    %dma_wait3A_1696 = arith.constant 0 : i32
    %dma_wait3A_1697 = tpu.memref_slice %arg10[%dma_wait3A_1696] : memref<384xi32, #tpu.memory_space<vmem>> -> memref<128xi32, #tpu.memory_space<vmem>>
    %dma_wait3A_1698 = arith.constant 0 : i32
    %dma_wait3A_1699 = tpu.memref_slice %arg11[%dma_wait3A_1695, %dma_wait3A_1698] : memref<3x128xi32, #tpu.memory_space<vmem>> -> memref<1x128xi32, #tpu.memory_space<vmem>>
    %dma_wait3A_1700 = tpu.memref_squeeze %dma_wait3A_1699 : memref<1x128xi32, #tpu.memory_space<vmem>> -> memref<128xi32, #tpu.memory_space<vmem>>
    %dma_wait3A_1701 = arith.constant 0 : i32
    %dma_wait3A_1702 = tpu.memref_slice %arg13[%dma_wait3A_1701] : memref<896xi32, #tpu.memory_space<vmem_shared>> -> memref<896xi32, #tpu.memory_space<vmem_shared>>
    tpu.wait_indirect_dma semaphore(%arg17 : memref<!tpu.dma_semaphore, #tpu.memory_space<semaphore_mem>>) src(%dma_wait3A_1697 : memref<128xi32, #tpu.memory_space<vmem>>) dst(%dma_wait3A_1702 : memref<896xi32, #tpu.memory_space<vmem_shared>>)
    %dma_wait3A_1703 = arith.constant 0 : i32
    %dma_wait3A_1704 = arith.constant 0 : i32
    %dma_wait3A_1705 = tpu.memref_slice %arg8[%dma_wait3A_1704] : memref<384xi32, #tpu.memory_space<vmem>> -> memref<128xi32, #tpu.memory_space<vmem>>
    %dma_wait3A_1706 = arith.constant 0 : i32
    %dma_wait3A_1707 = tpu.memref_slice %arg11[%dma_wait3A_1703, %dma_wait3A_1706] : memref<3x128xi32, #tpu.memory_space<vmem>> -> memref<1x128xi32, #tpu.memory_space<vmem>>
    %dma_wait3A_1708 = tpu.memref_squeeze %dma_wait3A_1707 : memref<1x128xi32, #tpu.memory_space<vmem>> -> memref<128xi32, #tpu.memory_space<vmem>>
    %dma_wait3A_1709 = arith.constant 0 : i32
    %dma_wait3A_1710 = tpu.memref_slice %arg14[%dma_wait3A_1709] : memref<896xi32, #tpu.memory_space<vmem_shared>> -> memref<896xi32, #tpu.memory_space<vmem_shared>>
    tpu.wait_indirect_dma semaphore(%arg17 : memref<!tpu.dma_semaphore, #tpu.memory_space<semaphore_mem>>) src(%dma_wait3A_1705 : memref<128xi32, #tpu.memory_space<vmem>>) dst(%dma_wait3A_1710 : memref<896xi32, #tpu.memory_space<vmem_shared>>)
    %dma_wait3A_1711 = arith.constant 0 : i32
    %dma_wait3A_1712 = arith.constant 0 : i32
    %dma_wait3A_1713 = tpu.memref_slice %arg9[%dma_wait3A_1712] : memref<384xf32, #tpu.memory_space<vmem>> -> memref<128xf32, #tpu.memory_space<vmem>>
    %dma_wait3A_1714 = arith.constant 0 : i32
    %dma_wait3A_1715 = tpu.memref_slice %arg11[%dma_wait3A_1711, %dma_wait3A_1714] : memref<3x128xi32, #tpu.memory_space<vmem>> -> memref<1x128xi32, #tpu.memory_space<vmem>>
    %dma_wait3A_1716 = tpu.memref_squeeze %dma_wait3A_1715 : memref<1x128xi32, #tpu.memory_space<vmem>> -> memref<128xi32, #tpu.memory_space<vmem>>
    %dma_wait3A_1717 = arith.constant 0 : i32
    %dma_wait3A_1718 = tpu.memref_slice %arg15[%dma_wait3A_1717] : memref<896xf32, #tpu.memory_space<vmem_shared>> -> memref<896xf32, #tpu.memory_space<vmem_shared>>
    tpu.wait_indirect_dma semaphore(%arg17 : memref<!tpu.dma_semaphore, #tpu.memory_space<semaphore_mem>>) src(%dma_wait3A_1713 : memref<128xf32, #tpu.memory_space<vmem>>) dst(%dma_wait3A_1718 : memref<896xf32, #tpu.memory_space<vmem_shared>>)
    %dma_wait3A_1719 = arith.constant 1 : i32
    %dma_wait3A_1720 = arith.constant 128 : i32
    %dma_wait3A_1721 = tpu.memref_slice %arg10[%dma_wait3A_1720] : memref<384xi32, #tpu.memory_space<vmem>> -> memref<128xi32, #tpu.memory_space<vmem>>
    %dma_wait3A_1722 = arith.constant 0 : i32
    %dma_wait3A_1723 = tpu.memref_slice %arg11[%dma_wait3A_1719, %dma_wait3A_1722] : memref<3x128xi32, #tpu.memory_space<vmem>> -> memref<1x128xi32, #tpu.memory_space<vmem>>
    %dma_wait3A_1724 = tpu.memref_squeeze %dma_wait3A_1723 : memref<1x128xi32, #tpu.memory_space<vmem>> -> memref<128xi32, #tpu.memory_space<vmem>>
    %dma_wait3A_1725 = arith.constant 0 : i32
    %dma_wait3A_1726 = tpu.memref_slice %arg13[%dma_wait3A_1725] : memref<896xi32, #tpu.memory_space<vmem_shared>> -> memref<896xi32, #tpu.memory_space<vmem_shared>>
    tpu.wait_indirect_dma semaphore(%arg17 : memref<!tpu.dma_semaphore, #tpu.memory_space<semaphore_mem>>) src(%dma_wait3A_1721 : memref<128xi32, #tpu.memory_space<vmem>>) dst(%dma_wait3A_1726 : memref<896xi32, #tpu.memory_space<vmem_shared>>)
    %dma_wait3A_1727 = arith.constant 1 : i32
    %dma_wait3A_1728 = arith.constant 128 : i32
    %dma_wait3A_1729 = tpu.memref_slice %arg8[%dma_wait3A_1728] : memref<384xi32, #tpu.memory_space<vmem>> -> memref<128xi32, #tpu.memory_space<vmem>>
    %dma_wait3A_1730 = arith.constant 0 : i32
    %dma_wait3A_1731 = tpu.memref_slice %arg11[%dma_wait3A_1727, %dma_wait3A_1730] : memref<3x128xi32, #tpu.memory_space<vmem>> -> memref<1x128xi32, #tpu.memory_space<vmem>>
    %dma_wait3A_1732 = tpu.memref_squeeze %dma_wait3A_1731 : memref<1x128xi32, #tpu.memory_space<vmem>> -> memref<128xi32, #tpu.memory_space<vmem>>
    %dma_wait3A_1733 = arith.constant 0 : i32
    %dma_wait3A_1734 = tpu.memref_slice %arg14[%dma_wait3A_1733] : memref<896xi32, #tpu.memory_space<vmem_shared>> -> memref<896xi32, #tpu.memory_space<vmem_shared>>
    tpu.wait_indirect_dma semaphore(%arg17 : memref<!tpu.dma_semaphore, #tpu.memory_space<semaphore_mem>>) src(%dma_wait3A_1729 : memref<128xi32, #tpu.memory_space<vmem>>) dst(%dma_wait3A_1734 : memref<896xi32, #tpu.memory_space<vmem_shared>>)
    %dma_wait3A_1735 = arith.constant 1 : i32
    %dma_wait3A_1736 = arith.constant 128 : i32
    %dma_wait3A_1737 = tpu.memref_slice %arg9[%dma_wait3A_1736] : memref<384xf32, #tpu.memory_space<vmem>> -> memref<128xf32, #tpu.memory_space<vmem>>
    %dma_wait3A_1738 = arith.constant 0 : i32
    %dma_wait3A_1739 = tpu.memref_slice %arg11[%dma_wait3A_1735, %dma_wait3A_1738] : memref<3x128xi32, #tpu.memory_space<vmem>> -> memref<1x128xi32, #tpu.memory_space<vmem>>
    %dma_wait3A_1740 = tpu.memref_squeeze %dma_wait3A_1739 : memref<1x128xi32, #tpu.memory_space<vmem>> -> memref<128xi32, #tpu.memory_space<vmem>>
    %dma_wait3A_1741 = arith.constant 0 : i32
    %dma_wait3A_1742 = tpu.memref_slice %arg15[%dma_wait3A_1741] : memref<896xf32, #tpu.memory_space<vmem_shared>> -> memref<896xf32, #tpu.memory_space<vmem_shared>>
    tpu.wait_indirect_dma semaphore(%arg17 : memref<!tpu.dma_semaphore, #tpu.memory_space<semaphore_mem>>) src(%dma_wait3A_1737 : memref<128xf32, #tpu.memory_space<vmem>>) dst(%dma_wait3A_1742 : memref<896xf32, #tpu.memory_space<vmem_shared>>)
    %dma_wait3A_1743 = arith.constant 2 : i32
    %dma_wait3A_1744 = arith.constant 256 : i32
    %dma_wait3A_1745 = tpu.memref_slice %arg10[%dma_wait3A_1744] : memref<384xi32, #tpu.memory_space<vmem>> -> memref<128xi32, #tpu.memory_space<vmem>>
    %dma_wait3A_1746 = arith.constant 0 : i32
    %dma_wait3A_1747 = tpu.memref_slice %arg11[%dma_wait3A_1743, %dma_wait3A_1746] : memref<3x128xi32, #tpu.memory_space<vmem>> -> memref<1x128xi32, #tpu.memory_space<vmem>>
    %dma_wait3A_1748 = tpu.memref_squeeze %dma_wait3A_1747 : memref<1x128xi32, #tpu.memory_space<vmem>> -> memref<128xi32, #tpu.memory_space<vmem>>
    %dma_wait3A_1749 = arith.constant 0 : i32
    %dma_wait3A_1750 = tpu.memref_slice %arg13[%dma_wait3A_1749] : memref<896xi32, #tpu.memory_space<vmem_shared>> -> memref<896xi32, #tpu.memory_space<vmem_shared>>
    tpu.wait_indirect_dma semaphore(%arg17 : memref<!tpu.dma_semaphore, #tpu.memory_space<semaphore_mem>>) src(%dma_wait3A_1745 : memref<128xi32, #tpu.memory_space<vmem>>) dst(%dma_wait3A_1750 : memref<896xi32, #tpu.memory_space<vmem_shared>>)
    %dma_wait3A_1751 = arith.constant 2 : i32
    %dma_wait3A_1752 = arith.constant 256 : i32
    %dma_wait3A_1753 = tpu.memref_slice %arg8[%dma_wait3A_1752] : memref<384xi32, #tpu.memory_space<vmem>> -> memref<128xi32, #tpu.memory_space<vmem>>
    %dma_wait3A_1754 = arith.constant 0 : i32
    %dma_wait3A_1755 = tpu.memref_slice %arg11[%dma_wait3A_1751, %dma_wait3A_1754] : memref<3x128xi32, #tpu.memory_space<vmem>> -> memref<1x128xi32, #tpu.memory_space<vmem>>
    %dma_wait3A_1756 = tpu.memref_squeeze %dma_wait3A_1755 : memref<1x128xi32, #tpu.memory_space<vmem>> -> memref<128xi32, #tpu.memory_space<vmem>>
    %dma_wait3A_1757 = arith.constant 0 : i32
    %dma_wait3A_1758 = tpu.memref_slice %arg14[%dma_wait3A_1757] : memref<896xi32, #tpu.memory_space<vmem_shared>> -> memref<896xi32, #tpu.memory_space<vmem_shared>>
    tpu.wait_indirect_dma semaphore(%arg17 : memref<!tpu.dma_semaphore, #tpu.memory_space<semaphore_mem>>) src(%dma_wait3A_1753 : memref<128xi32, #tpu.memory_space<vmem>>) dst(%dma_wait3A_1758 : memref<896xi32, #tpu.memory_space<vmem_shared>>)
    %dma_wait3A_1759 = arith.constant 2 : i32
    %dma_wait3A_1760 = arith.constant 256 : i32
    %dma_wait3A_1761 = tpu.memref_slice %arg9[%dma_wait3A_1760] : memref<384xf32, #tpu.memory_space<vmem>> -> memref<128xf32, #tpu.memory_space<vmem>>
    %dma_wait3A_1762 = arith.constant 0 : i32
    %dma_wait3A_1763 = tpu.memref_slice %arg11[%dma_wait3A_1759, %dma_wait3A_1762] : memref<3x128xi32, #tpu.memory_space<vmem>> -> memref<1x128xi32, #tpu.memory_space<vmem>>
    %dma_wait3A_1764 = tpu.memref_squeeze %dma_wait3A_1763 : memref<1x128xi32, #tpu.memory_space<vmem>> -> memref<128xi32, #tpu.memory_space<vmem>>
    %dma_wait3A_1765 = arith.constant 0 : i32
    %dma_wait3A_1766 = tpu.memref_slice %arg15[%dma_wait3A_1765] : memref<896xf32, #tpu.memory_space<vmem_shared>> -> memref<896xf32, #tpu.memory_space<vmem_shared>>
    tpu.wait_indirect_dma semaphore(%arg17 : memref<!tpu.dma_semaphore, #tpu.memory_space<semaphore_mem>>) src(%dma_wait3A_1761 : memref<128xf32, #tpu.memory_space<vmem>>) dst(%dma_wait3A_1766 : memref<896xf32, #tpu.memory_space<vmem_shared>>)
    %barrier3A = arith.constant 0 : index
    tpu.barrier barrier_id(%barrier3A)
    %eq3A_1767 = arith.constant 0 : i32
    %eq3A_1768 = arith.cmpi eq, %arg1, %eq3A_1767 : i32
    %eq3A_1769 = arith.constant 0 : i32
    %eq3A_1770 = arith.cmpi eq, %arg0, %eq3A_1769 : i32
    %and3A_1771 = arith.andi %eq3A_1768, %eq3A_1770 : i1
    %convert_element_type3A_1772 = arith.extui %and3A_1771 : i1 to i32
    %cond3A = arith.constant 0 : i32
    %cond3A_1773 = arith.cmpi ne, %convert_element_type3A_1772, %cond3A : i32
    scf.if %cond3A_1773 {
      %dma_start3A_1782 = arith.constant 0 : i32
      %dma_start3A_1783 = tpu.memref_slice %arg5[%dma_start3A_1782] : memref<512xi32, #tpu.memory_space<hbm>> -> memref<128xi32, #tpu.memory_space<hbm>>
      %dma_start3A_1784 = arith.constant 0 : i32
      %dma_start3A_1785 = tpu.memref_slice %arg13[%dma_start3A_1784] : memref<896xi32, #tpu.memory_space<vmem_shared>> -> memref<128xi32, #tpu.memory_space<vmem_shared>>
      tpu.enqueue_dma source(%dma_start3A_1785 : memref<128xi32, #tpu.memory_space<vmem_shared>>) target(%dma_start3A_1783 : memref<128xi32, #tpu.memory_space<hbm>>) target_semaphore(%arg16 : memref<!tpu.dma_semaphore, #tpu.memory_space<semaphore_mem>>)
      %dma_start3A_1786 = arith.constant 0 : i32
      %dma_start3A_1787 = tpu.memref_slice %arg6[%dma_start3A_1786] : memref<512xi32, #tpu.memory_space<hbm>> -> memref<128xi32, #tpu.memory_space<hbm>>
      %dma_start3A_1788 = arith.constant 0 : i32
      %dma_start3A_1789 = tpu.memref_slice %arg14[%dma_start3A_1788] : memref<896xi32, #tpu.memory_space<vmem_shared>> -> memref<128xi32, #tpu.memory_space<vmem_shared>>
      tpu.enqueue_dma source(%dma_start3A_1789 : memref<128xi32, #tpu.memory_space<vmem_shared>>) target(%dma_start3A_1787 : memref<128xi32, #tpu.memory_space<hbm>>) target_semaphore(%arg16 : memref<!tpu.dma_semaphore, #tpu.memory_space<semaphore_mem>>)
      %dma_start3A_1790 = arith.constant 0 : i32
      %dma_start3A_1791 = tpu.memref_slice %arg7[%dma_start3A_1790] : memref<512xf32, #tpu.memory_space<hbm>> -> memref<128xf32, #tpu.memory_space<hbm>>
      %dma_start3A_1792 = arith.constant 0 : i32
      %dma_start3A_1793 = tpu.memref_slice %arg15[%dma_start3A_1792] : memref<896xf32, #tpu.memory_space<vmem_shared>> -> memref<128xf32, #tpu.memory_space<vmem_shared>>
      tpu.enqueue_dma source(%dma_start3A_1793 : memref<128xf32, #tpu.memory_space<vmem_shared>>) target(%dma_start3A_1791 : memref<128xf32, #tpu.memory_space<hbm>>) target_semaphore(%arg16 : memref<!tpu.dma_semaphore, #tpu.memory_space<semaphore_mem>>)
      %dma_wait3A_1794 = arith.constant 0 : i32
      %dma_wait3A_1795 = tpu.memref_slice %arg5[%dma_wait3A_1794] : memref<512xi32, #tpu.memory_space<hbm>> -> memref<128xi32, #tpu.memory_space<hbm>>
      %dma_wait3A_1796 = arith.constant 0 : i32
      %dma_wait3A_1797 = tpu.memref_slice %arg13[%dma_wait3A_1796] : memref<896xi32, #tpu.memory_space<vmem_shared>> -> memref<128xi32, #tpu.memory_space<vmem_shared>>
      tpu.wait_dma2 semaphore(%arg16 : memref<!tpu.dma_semaphore, #tpu.memory_space<semaphore_mem>>) src(%dma_wait3A_1797 : memref<128xi32, #tpu.memory_space<vmem_shared>>) dst(%dma_wait3A_1795 : memref<128xi32, #tpu.memory_space<hbm>>)
      %dma_wait3A_1798 = arith.constant 0 : i32
      %dma_wait3A_1799 = tpu.memref_slice %arg6[%dma_wait3A_1798] : memref<512xi32, #tpu.memory_space<hbm>> -> memref<128xi32, #tpu.memory_space<hbm>>
      %dma_wait3A_1800 = arith.constant 0 : i32
      %dma_wait3A_1801 = tpu.memref_slice %arg14[%dma_wait3A_1800] : memref<896xi32, #tpu.memory_space<vmem_shared>> -> memref<128xi32, #tpu.memory_space<vmem_shared>>
      tpu.wait_dma2 semaphore(%arg16 : memref<!tpu.dma_semaphore, #tpu.memory_space<semaphore_mem>>) src(%dma_wait3A_1801 : memref<128xi32, #tpu.memory_space<vmem_shared>>) dst(%dma_wait3A_1799 : memref<128xi32, #tpu.memory_space<hbm>>)
      %dma_wait3A_1802 = arith.constant 0 : i32
      %dma_wait3A_1803 = tpu.memref_slice %arg7[%dma_wait3A_1802] : memref<512xf32, #tpu.memory_space<hbm>> -> memref<128xf32, #tpu.memory_space<hbm>>
      %dma_wait3A_1804 = arith.constant 0 : i32
      %dma_wait3A_1805 = tpu.memref_slice %arg15[%dma_wait3A_1804] : memref<896xf32, #tpu.memory_space<vmem_shared>> -> memref<128xf32, #tpu.memory_space<vmem_shared>>
      tpu.wait_dma2 semaphore(%arg16 : memref<!tpu.dma_semaphore, #tpu.memory_space<semaphore_mem>>) src(%dma_wait3A_1805 : memref<128xf32, #tpu.memory_space<vmem_shared>>) dst(%dma_wait3A_1803 : memref<128xf32, #tpu.memory_space<hbm>>)
    } else {
    }
    %eq3A_1774 = arith.constant 0 : i32
    %eq3A_1775 = arith.cmpi eq, %arg1, %eq3A_1774 : i32
    %eq3A_1776 = arith.constant 1 : i32
    %eq3A_1777 = arith.cmpi eq, %arg0, %eq3A_1776 : i32
    %and3A_1778 = arith.andi %eq3A_1775, %eq3A_1777 : i1
    %convert_element_type3A_1779 = arith.extui %and3A_1778 : i1 to i32
    %cond3A_1780 = arith.constant 0 : i32
    %cond3A_1781 = arith.cmpi ne, %convert_element_type3A_1779, %cond3A_1780 : i32
    scf.if %cond3A_1781 {
      %dma_start3A_1782 = arith.constant 128 : i32
      %dma_start3A_1783 = tpu.memref_slice %arg5[%dma_start3A_1782] : memref<512xi32, #tpu.memory_space<hbm>> -> memref<384xi32, #tpu.memory_space<hbm>>
      %dma_start3A_1784 = arith.constant 128 : i32
      %dma_start3A_1785 = tpu.memref_slice %arg13[%dma_start3A_1784] : memref<896xi32, #tpu.memory_space<vmem_shared>> -> memref<384xi32, #tpu.memory_space<vmem_shared>>
      tpu.enqueue_dma source(%dma_start3A_1785 : memref<384xi32, #tpu.memory_space<vmem_shared>>) target(%dma_start3A_1783 : memref<384xi32, #tpu.memory_space<hbm>>) target_semaphore(%arg16 : memref<!tpu.dma_semaphore, #tpu.memory_space<semaphore_mem>>)
      %dma_start3A_1786 = arith.constant 128 : i32
      %dma_start3A_1787 = tpu.memref_slice %arg6[%dma_start3A_1786] : memref<512xi32, #tpu.memory_space<hbm>> -> memref<384xi32, #tpu.memory_space<hbm>>
      %dma_start3A_1788 = arith.constant 128 : i32
      %dma_start3A_1789 = tpu.memref_slice %arg14[%dma_start3A_1788] : memref<896xi32, #tpu.memory_space<vmem_shared>> -> memref<384xi32, #tpu.memory_space<vmem_shared>>
      tpu.enqueue_dma source(%dma_start3A_1789 : memref<384xi32, #tpu.memory_space<vmem_shared>>) target(%dma_start3A_1787 : memref<384xi32, #tpu.memory_space<hbm>>) target_semaphore(%arg16 : memref<!tpu.dma_semaphore, #tpu.memory_space<semaphore_mem>>)
      %dma_start3A_1790 = arith.constant 128 : i32
      %dma_start3A_1791 = tpu.memref_slice %arg7[%dma_start3A_1790] : memref<512xf32, #tpu.memory_space<hbm>> -> memref<384xf32, #tpu.memory_space<hbm>>
      %dma_start3A_1792 = arith.constant 128 : i32
      %dma_start3A_1793 = tpu.memref_slice %arg15[%dma_start3A_1792] : memref<896xf32, #tpu.memory_space<vmem_shared>> -> memref<384xf32, #tpu.memory_space<vmem_shared>>
      tpu.enqueue_dma source(%dma_start3A_1793 : memref<384xf32, #tpu.memory_space<vmem_shared>>) target(%dma_start3A_1791 : memref<384xf32, #tpu.memory_space<hbm>>) target_semaphore(%arg16 : memref<!tpu.dma_semaphore, #tpu.memory_space<semaphore_mem>>)
      %dma_wait3A_1794 = arith.constant 128 : i32
      %dma_wait3A_1795 = tpu.memref_slice %arg5[%dma_wait3A_1794] : memref<512xi32, #tpu.memory_space<hbm>> -> memref<384xi32, #tpu.memory_space<hbm>>
      %dma_wait3A_1796 = arith.constant 128 : i32
      %dma_wait3A_1797 = tpu.memref_slice %arg13[%dma_wait3A_1796] : memref<896xi32, #tpu.memory_space<vmem_shared>> -> memref<384xi32, #tpu.memory_space<vmem_shared>>
      tpu.wait_dma2 semaphore(%arg16 : memref<!tpu.dma_semaphore, #tpu.memory_space<semaphore_mem>>) src(%dma_wait3A_1797 : memref<384xi32, #tpu.memory_space<vmem_shared>>) dst(%dma_wait3A_1795 : memref<384xi32, #tpu.memory_space<hbm>>)
      %dma_wait3A_1798 = arith.constant 128 : i32
      %dma_wait3A_1799 = tpu.memref_slice %arg6[%dma_wait3A_1798] : memref<512xi32, #tpu.memory_space<hbm>> -> memref<384xi32, #tpu.memory_space<hbm>>
      %dma_wait3A_1800 = arith.constant 128 : i32
      %dma_wait3A_1801 = tpu.memref_slice %arg14[%dma_wait3A_1800] : memref<896xi32, #tpu.memory_space<vmem_shared>> -> memref<384xi32, #tpu.memory_space<vmem_shared>>
      tpu.wait_dma2 semaphore(%arg16 : memref<!tpu.dma_semaphore, #tpu.memory_space<semaphore_mem>>) src(%dma_wait3A_1801 : memref<384xi32, #tpu.memory_space<vmem_shared>>) dst(%dma_wait3A_1799 : memref<384xi32, #tpu.memory_space<hbm>>)
      %dma_wait3A_1802 = arith.constant 128 : i32
      %dma_wait3A_1803 = tpu.memref_slice %arg7[%dma_wait3A_1802] : memref<512xf32, #tpu.memory_space<hbm>> -> memref<384xf32, #tpu.memory_space<hbm>>
      %dma_wait3A_1804 = arith.constant 128 : i32
      %dma_wait3A_1805 = tpu.memref_slice %arg15[%dma_wait3A_1804] : memref<896xf32, #tpu.memory_space<vmem_shared>> -> memref<384xf32, #tpu.memory_space<vmem_shared>>
      tpu.wait_dma2 semaphore(%arg16 : memref<!tpu.dma_semaphore, #tpu.memory_space<semaphore_mem>>) src(%dma_wait3A_1805 : memref<384xf32, #tpu.memory_space<vmem_shared>>) dst(%dma_wait3A_1803 : memref<384xf32, #tpu.memory_space<hbm>>)
    } else {
    }
    return
  }
}

module attributes {stable_mosaic.version = 14 : i64} {
  func.func @_tc_body(%arg0: i32, %arg1: memref<4x6144xf32, #tpu.memory_space<vmem>>, %arg2: memref<128x4xf32, #tpu.memory_space<vmem>>, %arg3: memref<128x1xi32, #tpu.memory_space<vmem>>, %arg4: memref<1x6144xf32, #tpu.memory_space<vmem>>, %arg5: memref<1x6144xi32, #tpu.memory_space<vmem>>, %arg6: memref<1x2x16xi32, #tpu.memory_space<vmem>>) attributes {dimension_semantics = [#tpu.dimension_semantics<arbitrary>], iteration_bounds = array<i64: 1>, scalar_prefetch = 0 : i64, scratch_operands = 0 : i64, tpu.core_type = #tpu.core_type<tc>, window_params = [{transform_indices = @transform_0, window_bounds = array<i64: 4, 6144>}, {pipeline_mode = #tpu.pipeline_mode<synchronous>, transform_indices = @transform_1, window_bounds = array<i64: 128, 4>}, {pipeline_mode = #tpu.pipeline_mode<synchronous>, transform_indices = @transform_2, window_bounds = array<i64: 128, 1>}, {transform_indices = @transform_3, window_bounds = array<i64: 1, 6144>}, {transform_indices = @transform_4, window_bounds = array<i64: 1, 6144>}, {transform_indices = @transform_5, window_bounds = array<i64: 1, 2, 16>}]} {
    %get3A = arith.constant 0 : index
    %get3A_0 = arith.constant 0 : index
    %get3A_1 = vector.load %arg1[%get3A, %get3A_0] : memref<4x6144xf32, #tpu.memory_space<vmem>>, vector<1x6144xf32>
    %get3A_2 = arith.constant 1 : index
    %get3A_3 = arith.constant 0 : index
    %get3A_4 = vector.load %arg1[%get3A_2, %get3A_3] : memref<4x6144xf32, #tpu.memory_space<vmem>>, vector<1x6144xf32>
    %get3A_5 = arith.constant 2 : index
    %get3A_6 = arith.constant 0 : index
    %get3A_7 = vector.load %arg1[%get3A_5, %get3A_6] : memref<4x6144xf32, #tpu.memory_space<vmem>>, vector<1x6144xf32>
    %get3A_8 = arith.constant 3 : index
    %get3A_9 = arith.constant 0 : index
    %get3A_10 = vector.load %arg1[%get3A_8, %get3A_9] : memref<4x6144xf32, #tpu.memory_space<vmem>>, vector<1x6144xf32>
    %get3A_11 = arith.constant 0 : index
    %get3A_12 = arith.constant 0 : index
    %get3A_13 = vector.load %arg2[%get3A_11, %get3A_12] : memref<128x4xf32, #tpu.memory_space<vmem>>, vector<128x1xf32>
    %get3A_14 = arith.constant 0 : index
    %get3A_15 = arith.constant 1 : index
    %get3A_16 = vector.load %arg2[%get3A_14, %get3A_15] : memref<128x4xf32, #tpu.memory_space<vmem>>, vector<128x1xf32>
    %get3A_17 = arith.constant 0 : index
    %get3A_18 = arith.constant 2 : index
    %get3A_19 = vector.load %arg2[%get3A_17, %get3A_18] : memref<128x4xf32, #tpu.memory_space<vmem>>, vector<128x1xf32>
    %get3A_20 = arith.constant 0 : index
    %get3A_21 = arith.constant 3 : index
    %get3A_22 = vector.load %arg2[%get3A_20, %get3A_21] : memref<128x4xf32, #tpu.memory_space<vmem>>, vector<128x1xf32>
    %sub3A = arith.subf %get3A_19, %get3A_13 : vector<128x1xf32>
    %sub3A_23 = arith.subf %get3A_22, %get3A_16 : vector<128x1xf32>
    %mul3A = arith.mulf %sub3A, %sub3A_23 : vector<128x1xf32>
    %sub3A_24 = arith.subf %get3A_7, %get3A_1 : vector<1x6144xf32>
    %sub3A_25 = arith.subf %get3A_10, %get3A_4 : vector<1x6144xf32>
    %mul3A_26 = arith.mulf %sub3A_24, %sub3A_25 : vector<1x6144xf32>
    %min3A = vector.broadcast %get3A_19 : vector<128x1xf32> to vector<128x6144xf32>
    %min3A_27 = vector.broadcast %get3A_7 : vector<1x6144xf32> to vector<128x6144xf32>
    %min3A_28 = arith.minimumf %min3A, %min3A_27 : vector<128x6144xf32>
    %max3A = vector.broadcast %get3A_13 : vector<128x1xf32> to vector<128x6144xf32>
    %max3A_29 = vector.broadcast %get3A_1 : vector<1x6144xf32> to vector<128x6144xf32>
    %max3A_30 = arith.maximumf %max3A, %max3A_29 : vector<128x6144xf32>
    %sub3A_31 = arith.subf %min3A_28, %max3A_30 : vector<128x6144xf32>
    %max3A_32 = arith.constant 0.000000e+00 : f32
    %max3A_33 = vector.broadcast %max3A_32 : f32 to vector<128x6144xf32>
    %max3A_34 = arith.maximumf %sub3A_31, %max3A_33 : vector<128x6144xf32>
    %min3A_35 = vector.broadcast %get3A_22 : vector<128x1xf32> to vector<128x6144xf32>
    %min3A_36 = vector.broadcast %get3A_10 : vector<1x6144xf32> to vector<128x6144xf32>
    %min3A_37 = arith.minimumf %min3A_35, %min3A_36 : vector<128x6144xf32>
    %max3A_38 = vector.broadcast %get3A_16 : vector<128x1xf32> to vector<128x6144xf32>
    %max3A_39 = vector.broadcast %get3A_4 : vector<1x6144xf32> to vector<128x6144xf32>
    %max3A_40 = arith.maximumf %max3A_38, %max3A_39 : vector<128x6144xf32>
    %sub3A_41 = arith.subf %min3A_37, %max3A_40 : vector<128x6144xf32>
    %max3A_42 = arith.constant 0.000000e+00 : f32
    %max3A_43 = vector.broadcast %max3A_42 : f32 to vector<128x6144xf32>
    %max3A_44 = arith.maximumf %sub3A_41, %max3A_43 : vector<128x6144xf32>
    %mul3A_45 = arith.mulf %max3A_34, %max3A_44 : vector<128x6144xf32>
    %add3A = vector.broadcast %mul3A : vector<128x1xf32> to vector<128x6144xf32>
    %add3A_46 = vector.broadcast %mul3A_26 : vector<1x6144xf32> to vector<128x6144xf32>
    %add3A_47 = arith.addf %add3A, %add3A_46 : vector<128x6144xf32>
    %sub3A_48 = arith.subf %add3A_47, %mul3A_45 : vector<128x6144xf32>
    %div3A = arith.divf %mul3A_45, %sub3A_48 : vector<128x6144xf32>
    %reduce_max3A = arith.constant dense<0xFF800000> : vector<6144xf32>
    %reduce_max3A_49 = vector.multi_reduction <maximumf>, %div3A, %reduce_max3A [0] : vector<128x6144xf32> to vector<6144xf32>
    %broadcast_in_dim3A = vector.shape_cast %reduce_max3A_49 : vector<6144xf32> to vector<1x6144xf32>
    %eq3A = vector.broadcast %broadcast_in_dim3A : vector<1x6144xf32> to vector<128x6144xf32>
    %eq3A_50 = arith.cmpf oeq, %div3A, %eq3A : vector<128x6144xf32>
    %get3A_51 = arith.constant 0 : index
    %get3A_52 = arith.constant 0 : index
    %get3A_53 = vector.load %arg3[%get3A_51, %get3A_52] : memref<128x1xi32, #tpu.memory_space<vmem>>, vector<128x1xi32>
    %jit3A = arith.constant 1048576 : i32
    %broadcast_in_dim3A_54 = vector.shape_cast %get3A_53 : vector<128x1xi32> to vector<128x1xi32>
    %broadcast_in_dim3A_55 = vector.broadcast %broadcast_in_dim3A_54 : vector<128x1xi32> to vector<128x6144xi32>
    %broadcast_in_dim3A_56 = vector.broadcast %jit3A : i32 to vector<128x6144xi32>
    %select_n3A = arith.select %eq3A_50, %broadcast_in_dim3A_55, %broadcast_in_dim3A_56 : vector<128x6144xi1>, vector<128x6144xi32>
    %reduce_min3A = arith.constant dense<2147483647> : vector<6144xi32>
    %reduce_min3A_57 = vector.multi_reduction <minsi>, %select_n3A, %reduce_min3A [0] : vector<128x6144xi32> to vector<6144xi32>
    %broadcast_in_dim3A_58 = vector.shape_cast %reduce_min3A_57 : vector<6144xi32> to vector<1x6144xi32>
    %and3A = arith.constant 127 : i32
    %and3A_59 = vector.broadcast %and3A : i32 to vector<1x6144xi32>
    %and3A_60 = arith.andi %broadcast_in_dim3A_58, %and3A_59 : vector<1x6144xi32>
    %ge3A = arith.constant 5.000000e-01 : f32
    %ge3A_61 = vector.broadcast %ge3A : f32 to vector<1x6144xf32>
    %ge3A_62 = arith.cmpf oge, %broadcast_in_dim3A, %ge3A_61 : vector<1x6144xf32>
    %jit3A_63 = arith.constant 80 : i32
    %broadcast_in_dim3A_64 = vector.broadcast %jit3A_63 : i32 to vector<1x6144xi32>
    %select_n3A_65 = arith.select %ge3A_62, %and3A_60, %broadcast_in_dim3A_64 : vector<1x6144xi1>, vector<1x6144xi32>
    %mul3A_66 = arith.constant 6144 : i32
    %mul3A_67 = arith.muli %arg0, %mul3A_66 : i32
    %iota3A = tpu.iota {dimensions = array<i32: 1>} : vector<1x6144xi32>
    %add3A_68 = vector.broadcast %mul3A_67 : i32 to vector<1x6144xi32>
    %add3A_69 = arith.addi %add3A_68, %iota3A : vector<1x6144xi32>
    %lt3A = arith.constant 5128 : i32
    %lt3A_70 = vector.broadcast %lt3A : i32 to vector<1x6144xi32>
    %lt3A_71 = arith.cmpi slt, %add3A_69, %lt3A_70 : vector<1x6144xi32>
    %jit3A_72 = arith.constant -1 : i32
    %broadcast_in_dim3A_73 = vector.broadcast %jit3A_72 : i32 to vector<1x6144xi32>
    %select_n3A_74 = arith.select %lt3A_71, %select_n3A_65, %broadcast_in_dim3A_73 : vector<1x6144xi1>, vector<1x6144xi32>
    %swap3A = arith.constant 0 : index
    %swap3A_75 = arith.constant 0 : index
    %swap3A_76 = vector.load %arg4[%swap3A, %swap3A_75] : memref<1x6144xf32, #tpu.memory_space<vmem>>, vector<1x6144xf32>
    tpu.vector_store %arg4[%swap3A, %swap3A_75], %broadcast_in_dim3A {strides = array<i32>} : memref<1x6144xf32, #tpu.memory_space<vmem>>, vector<1x6144xf32>,
    %swap3A_77 = arith.constant 0 : index
    %swap3A_78 = arith.constant 0 : index
    %swap3A_79 = vector.load %arg5[%swap3A_77, %swap3A_78] : memref<1x6144xi32, #tpu.memory_space<vmem>>, vector<1x6144xi32>
    tpu.vector_store %arg5[%swap3A_77, %swap3A_78], %select_n3A_74 {strides = array<i32>} : memref<1x6144xi32, #tpu.memory_space<vmem>>, vector<1x6144xi32>,
    %ge3A_80 = arith.constant 0 : i32
    %ge3A_81 = vector.broadcast %ge3A_80 : i32 to vector<1x6144xi32>
    %ge3A_82 = arith.cmpi sge, %select_n3A_74, %ge3A_81 : vector<1x6144xi32>
    %lt3A_83 = arith.constant 80 : i32
    %lt3A_84 = vector.broadcast %lt3A_83 : i32 to vector<1x6144xi32>
    %lt3A_85 = arith.cmpi slt, %select_n3A_74, %lt3A_84 : vector<1x6144xi32>
    %and3A_86 = arith.andi %ge3A_82, %lt3A_85 : vector<1x6144xi1>
    %convert_element_type3A = arith.extui %and3A_86 : vector<1x6144xi1> to vector<1x6144xi32>
    %convert_element_type3A_87 = arith.sitofp %convert_element_type3A : vector<1x6144xi32> to vector<1x6144xf32>
    %eq3A_88 = arith.constant 80 : i32
    %eq3A_89 = vector.broadcast %eq3A_88 : i32 to vector<1x6144xi32>
    %eq3A_90 = arith.cmpi eq, %select_n3A_74, %eq3A_89 : vector<1x6144xi32>
    %convert_element_type3A_91 = arith.extui %eq3A_90 : vector<1x6144xi1> to vector<1x6144xi32>
    %convert_element_type3A_92 = arith.sitofp %convert_element_type3A_91 : vector<1x6144xi32> to vector<1x6144xf32>
    %concatenate3A = tpu.concatenate %convert_element_type3A_87, %convert_element_type3A_92 in 0 : vector<1x6144xf32>, vector<1x6144xf32> -> vector<2x6144xf32>
    %iota3A_93 = tpu.iota {dimensions = array<i32: 0>} : vector<6144x16xi32>
    %jit3A_94 = arith.constant 384 : i32
    %div3A_95 = vector.broadcast %jit3A_94 : i32 to vector<6144x16xi32>
    %div3A_96 = arith.divsi %iota3A_93, %div3A_95 : vector<6144x16xi32>
    %sign3A = arith.constant 0 : i32
    %sign3A_97 = vector.broadcast %sign3A : i32 to vector<6144x16xi32>
    %sign3A_98 = arith.cmpi sgt, %iota3A_93, %sign3A_97 : vector<6144x16xi32>
    %sign3A_99 = arith.extui %sign3A_98 : vector<6144x16xi1> to vector<6144x16xi32>
    %sign3A_100 = arith.constant 0 : i32
    %sign3A_101 = vector.broadcast %sign3A_100 : i32 to vector<6144x16xi32>
    %sign3A_102 = arith.cmpi slt, %iota3A_93, %sign3A_101 : vector<6144x16xi32>
    %sign3A_103 = arith.extui %sign3A_102 : vector<6144x16xi1> to vector<6144x16xi32>
    %sign3A_104 = arith.subi %sign3A_99, %sign3A_103 : vector<6144x16xi32>
    %sign3A_105 = arith.constant 0 : i32
    %sign3A_106 = arith.cmpi sgt, %jit3A_94, %sign3A_105 : i32
    %sign3A_107 = arith.extui %sign3A_106 : i1 to i32
    %sign3A_108 = arith.constant 0 : i32
    %sign3A_109 = arith.cmpi slt, %jit3A_94, %sign3A_108 : i32
    %sign3A_110 = arith.extui %sign3A_109 : i1 to i32
    %sign3A_111 = arith.subi %sign3A_107, %sign3A_110 : i32
    %ne3A = vector.broadcast %sign3A_111 : i32 to vector<6144x16xi32>
    %ne3A_112 = arith.cmpi ne, %sign3A_104, %ne3A : vector<6144x16xi32>
    %rem3A = vector.broadcast %jit3A_94 : i32 to vector<6144x16xi32>
    %rem3A_113 = arith.remsi %iota3A_93, %rem3A : vector<6144x16xi32>
    %ne3A_114 = arith.constant 0 : i32
    %ne3A_115 = vector.broadcast %ne3A_114 : i32 to vector<6144x16xi32>
    %ne3A_116 = arith.cmpi ne, %rem3A_113, %ne3A_115 : vector<6144x16xi32>
    %and3A_117 = arith.andi %ne3A_112, %ne3A_116 : vector<6144x16xi1>
    %sub3A_118 = arith.constant 1 : i32
    %sub3A_119 = vector.broadcast %sub3A_118 : i32 to vector<6144x16xi32>
    %sub3A_120 = arith.subi %div3A_96, %sub3A_119 : vector<6144x16xi32>
    %select_n3A_121 = arith.select %and3A_117, %sub3A_120, %div3A_96 : vector<6144x16xi1>, vector<6144x16xi32>
    %iota3A_122 = tpu.iota {dimensions = array<i32: 1>} : vector<6144x16xi32>
    %eq3A_123 = arith.cmpi eq, %select_n3A_121, %iota3A_122 : vector<6144x16xi32>
    %convert_element_type3A_124 = arith.extui %eq3A_123 : vector<6144x16xi1> to vector<6144x16xi32>
    %convert_element_type3A_125 = arith.sitofp %convert_element_type3A_124 : vector<6144x16xi32> to vector<6144x16xf32>
    %dot_general3A = arith.constant dense<0.000000e+00> : vector<2x16xf32>
    %dot_general3A_126 = tpu.matmul %concatenate3A, %convert_element_type3A_125, %dot_general3A {dimension_numbers = #tpu.dot_dimension_numbers<[1], [0], [0], [1], [0, 0, 1, 1], [], []>, transpose_lhs_hint = false} : vector<2x6144xf32>, vector<6144x16xf32>, vector<2x16xf32> -> vector<2x16xf32>
    %convert_element_type3A_127 = arith.fptosi %dot_general3A_126 : vector<2x16xf32> to vector<2x16xi32>
    %broadcast_in_dim3A_128 = vector.shape_cast %convert_element_type3A_127 : vector<2x16xi32> to vector<1x2x16xi32>
    %swap3A_129 = arith.constant 0 : index
    %swap3A_130 = arith.constant 0 : index
    %swap3A_131 = arith.constant 0 : index
    %swap3A_132 = vector.load %arg6[%swap3A_129, %swap3A_130, %swap3A_131] : memref<1x2x16xi32, #tpu.memory_space<vmem>>, vector<1x2x16xi32>
    tpu.vector_store %arg6[%swap3A_129, %swap3A_130, %swap3A_131], %broadcast_in_dim3A_128 {strides = array<i32>} : memref<1x2x16xi32, #tpu.memory_space<vmem>>, vector<1x2x16xi32>,
    return
  }
  func.func @transform_0(%arg0: i32) -> (i32, i32) {
    %c0_i32 = arith.constant 0 : i32
    %c0_i32_0 = arith.constant 0 : i32
    return %c0_i32, %arg0 : i32, i32
  }
  func.func @transform_1(%arg0: i32) -> (i32, i32) {
    %c0_i32 = arith.constant 0 : i32
    %c0_i32_0 = arith.constant 0 : i32
    %c0_i32_1 = arith.constant 0 : i32
    return %c0_i32, %c0_i32_0 : i32, i32
  }
  func.func @transform_2(%arg0: i32) -> (i32, i32) {
    %c0_i32 = arith.constant 0 : i32
    %c0_i32_0 = arith.constant 0 : i32
    %c0_i32_1 = arith.constant 0 : i32
    return %c0_i32, %c0_i32_0 : i32, i32
  }
  func.func @transform_3(%arg0: i32) -> (i32, i32) {
    %c0_i32 = arith.constant 0 : i32
    %c0_i32_0 = arith.constant 0 : i32
    return %c0_i32, %arg0 : i32, i32
  }
  func.func @transform_4(%arg0: i32) -> (i32, i32) {
    %c0_i32 = arith.constant 0 : i32
    %c0_i32_0 = arith.constant 0 : i32
    return %c0_i32, %arg0 : i32, i32
  }
  func.func @transform_5(%arg0: i32) -> (i32, i32, i32) {
    %c0_i32 = arith.constant 0 : i32
    %c0_i32_0 = arith.constant 0 : i32
    %c0_i32_1 = arith.constant 0 : i32
    return %arg0, %c0_i32, %c0_i32_0 : i32, i32, i32
  }
}

</mosaic_0001>

<sc_bundles>
// kernel: kernel.4.cloned.1.call-start
scs
__scs_entry_jumppad:
0x0: {  	(pc) =	sbr.rel $0x88, $3  }
0x1: {  	(tag) =	ssettag $0x0;
	lr =	simm.s32 $0x1  }
0x2: {  	[smem:$0x3F9E] =	sst lr;
	_ =	strace $0xD0000000  }
0x3: {  	_ = 	snop  }
0x4: {  	_ = 	snop  }
0x5: {  	_ = 	snop  }
0x6: {  	_ = 	snop  }
0x7: {  	_ = 	snop  }
__scs_overlays_trampoline_lowered:
0x8: {  	[smem:$0x3FAD] =	sst s0  }
0x9: {  	[smem:$0x3FAE] =	sst s1  }
0xa: {  	[smem:$0x3FAF] =	sst s2  }
0xb: {  	[smem:$0x3FB0] =	sst s3  }
0xc: {  	[smem:$0x3FB1] =	sst s4  }
0xd: {  	[smem:$0x3FB2] =	sst s5  }
0xe: {  	[smem:$0x3FB3] =	sst s6  }
0xf: {  	[smem:$0x3FB4] =	sst s7  }
0x10: {  	[smem:$0x3FB5] =	sst s8  }
0x11: {  	[smem:$0x3FB6] =	sst s9;
	s0 =	simm.s32 @!p0 $0x0  }
0x12: {  	s1 =	sld [smem:$0x3F9C];
	s0 =	simm.s32 @p0 $0x1  }
0x13: {  	[smem:$0x3FB7] =	sst s0;
	s0 =	simm.s32 @!p1 $0x0  }
0x14: {  	s2 =	sld [smem:$0x3F9B];
	s0 =	simm.s32 @p1 $0x1  }
0x15: {  	[smem:$0x3FB8] =	sst s0;
	s0 =	simm.s32 @!p2 $0x0  }
0x16: {  	s3 =	sld [smem:$0x3FDB];
	s0 =	simm.s32 @p2 $0x1  }
0x17: {  	s4 =	simm.s32 $0x1BF5;
	[smem:$0x3FBA] =	sst s0  }
0x18: {  	s0 =	sld [smem:$0x3F9D];
	_ =	swait.ge [sflag:s4], $0x0  }
0x19: {  	s7 =	sld [smem:$0x3F9E]  }
0x1a: {  	s8 =	sadd.s32 $0xFFFFE003, lr  }
0x1b: {  	s9 =	sadd.s32 $0xFFFFFEF7, lr;
	s5 =	simm.s32 $0xFFFFFFFF;
	p2 =	slt.u32 s8, $0xFFFFF086  }
0x1c: {  	p1 =	slt.u32 s9, $0xF7A;
	s5 =	simm.s32 @!p2 $0x0  }
0x1d: {  	s5 =	simm.s32 @p1 $0x1;
	p0 =	seq.s32 s7, s2  }
0x1e: {  	s7 =	smul.u32 @!p0 $0xF7A, s2;
	p2 =	seq.s32 @!p0 s5, $0x0  }
0x1f: {  	s9 =	smul.u32 $0xF7A, s1;
	s8 =	simm.s32 @!p0 $0x1BF5;
	p2 =	por !p2, p0  }
0x20: {  	[sflag:s8] =	ssyncset.s32 @!p0 $0xFFFFF086;
	s6 =	sadd.s32 @!p0 s3, s7;
	s7 =	simm.s32 @!p0 $0x108  }
0x21: {  	s3 =	sadd.s32 s3, s9;
	s6 =	sadd.s32 @!p0 $0x88, s6;
	s7 =	simm.s32 @p2 $0x1082  }
0x22: {  	[simem:s7], [sflag:s8] =	dma.local @!p0 [hbm:s6], $0xF7A  }
0x23: {  	s9 =	sor.u32 $0xD0000000, s2;
	s6 =	simm.s32 $0x108;
	_ =	swait.ge @!p0 [sflag:s8], $0x0  }
0x24: {  	s3 =	sadd.s32 $0x88, s3;
	s6 =	simm.s32 @!p1 $0x1082;
	[sflag:s4] =	ssyncset.s32 $0xFFFFF086  }
0x25: {  	[simem:s6], [sflag:s4] =	dma.local [hbm:s3], $0xF7A  }
0x26: {  	[smem:$0x3F9E] =	sst s1;
	(tag) =	ssettag s2;
	_ =	strace s9  }
0x27: {  	s1 =	sld [smem:$0x3FAE]  }
0x28: {  	s2 =	sld [smem:$0x3FAF]  }
0x29: {  	s4 =	sld [smem:$0x3FB1]  }
0x2a: {  	p0 =	seq.s32 s5, $0x0;
	s5 =	sld [smem:$0x3FB2]  }
0x2b: {  	s6 =	sld [smem:$0x3FB3]  }
0x2c: {  	s7 =	sld [smem:$0x3FB4]  }
0x2d: {  	s3 =	simm.s32 $0x108;
	s8 =	sld [smem:$0x3FB5]  }
0x2e: {  	s3 =	simm.s32 @!p0 $0x1082;
	s9 =	sld [smem:$0x3FB6]  }
0x2f: {  	lr =	sadd.s32 s0, s3;
	s0 =	sld [smem:$0x3FAD]  }
0x30: {  	s3 =	sld [smem:$0x3FB0]  }
0x31: {  	[smem:$0x3FB9] =	sst s10  }
0x32: {  	s10 =	sld [smem:$0x3FB7];
	_ =	sdelay $0x3  }
0x33: {  	p0 =	seq.s32 s10, $0x1;
	s10 =	sld [smem:$0x3FB9];
	_ =	sdelay $0x3  }
0x34: {  	[smem:$0x3FB9] =	sst s10  }
0x35: {  	s10 =	sld [smem:$0x3FB8];
	_ =	sdelay $0x3  }
0x36: {  	p1 =	seq.s32 s10, $0x1;
	s10 =	sld [smem:$0x3FB9];
	_ =	sdelay $0x3  }
0x37: {  	[smem:$0x3FB9] =	sst s10  }
0x38: {  	s10 =	sld [smem:$0x3FBA]  }
0x39: {  	_ = 	snop;
	(pc) =	sbr.ind lr, $3  }
0x3a: {  	_ = 	snop  }
0x3b: {  	_ = 	snop  }
0x3c: {  	p2 =	seq.s32 s10, $0x1;
	s10 =	sld [smem:$0x3FB9]  }
0x3d: {  	_ =	shalt  }
0x3e: {  	_ =	shalt  }
0x3f: {  	_ =	shalt  }
0x40: {  	_ =	shalt  }
0x41: {  	_ =	shalt  }
0x42: {  	_ =	shalt  }
0x43: {  	_ =	shalt  }
0x44: {  	_ =	shalt  }
0x45: {  	_ =	shalt  }
0x46: {  	_ =	shalt  }
0x47: {  	_ =	shalt  }
0x48: {  	_ =	shalt  }
0x49: {  	_ =	shalt  }
0x4a: {  	_ =	shalt  }
0x4b: {  	_ =	shalt  }
0x4c: {  	_ =	shalt  }
0x4d: {  	_ =	shalt  }
0x4e: {  	_ =	shalt  }
0x4f: {  	_ =	shalt  }
0x50: {  	_ =	shalt  }
0x51: {  	_ =	shalt  }
0x52: {  	_ =	shalt  }
0x53: {  	_ =	shalt  }
0x54: {  	_ =	shalt  }
0x55: {  	_ =	shalt  }
0x56: {  	_ =	shalt  }
0x57: {  	_ =	shalt  }
0x58: {  	_ =	shalt  }
0x59: {  	_ =	shalt  }
0x5a: {  	_ =	shalt  }
0x5b: {  	_ =	shalt  }
0x5c: {  	_ =	shalt  }
0x5d: {  	_ =	shalt  }
0x5e: {  	_ =	shalt  }
0x5f: {  	_ =	shalt  }
0x60: {  	_ =	shalt  }
0x61: {  	_ =	shalt  }
0x62: {  	_ =	shalt  }
0x63: {  	_ =	shalt  }
0x64: {  	_ =	shalt  }
0x65: {  	_ =	shalt  }
0x66: {  	_ =	shalt  }
0x67: {  	_ =	shalt  }
0x68: {  	_ =	shalt  }
0x69: {  	_ =	shalt  }
0x6a: {  	_ =	shalt  }
0x6b: {  	_ =	shalt  }
0x6c: {  	_ =	shalt  }
0x6d: {  	_ =	shalt  }
0x6e: {  	_ =	shalt  }
0x6f: {  	_ =	shalt  }
0x70: {  	_ =	shalt  }
0x71: {  	_ =	shalt  }
0x72: {  	_ =	shalt  }
0x73: {  	_ =	shalt  }
0x74: {  	_ =	shalt  }
0x75: {  	_ =	shalt  }
0x76: {  	_ =	shalt  }
0x77: {  	_ =	shalt  }
0x78: {  	_ =	shalt  }
0x79: {  	_ =	shalt  }
0x7a: {  	_ =	shalt  }
0x7b: {  	_ =	shalt  }
0x7c: {  	_ =	shalt  }
0x7d: {  	_ =	shalt  }
0x7e: {  	_ =	shalt  }
0x7f: {  	_ =	shalt  }
0x80: {  	_ =	shalt  }
0x81: {  	_ =	shalt  }
0x82: {  	_ =	shalt  }
0x83: {  	_ =	shalt  }
0x84: {  	_ =	shalt  }
0x85: {  	_ =	shalt  }
0x86: {  	_ =	shalt  }
0x87: {  	_ =	shalt  }
.Lfunc_end0:
.L_simem_size_0:
called_computation_lowered:
.L_overlay_start_0:
0x88: {  	s2 =	sld [smem:$0x3FD9]  }
0x89: {  	s3 =	sld [smem:$0x3FFE];
	_ =	sdelay $0x1  }
0x8a: {  	s1 =	srdreg.scid  }
0x8b: {  	s0 =	sand.u32 $0x1, s1  }
0x8c: {  	s14 =	sshll.u32 s0, $0xA;
	s2 =	sadd.s32 s3, s2  }
0x8d: {  	s2 =	sadd.s32 s2, s14  }
0x8e: {  	[smem:$0x3FC5] =	sst s2  }
0x8f: {  	_ = 	snop  }
0x90: {  	s2 =	sld [smem:$0x3FD0];
	_ =	sdelay $0x2  }
0x91: {  	s15 =	simm.s32 $0xA;
	s4 =	simm.s32 $0x10  }
0x92: {  	[smem:s4], [sflag:s15] =	dma.local [hbm:s2], $0x1  }
0x93: {  	_ =	swait.eq [sflag:s15], $0x1  }
0x94: {  	s16 =	sld [smem:$0x10];
	[sflag:s15] =	ssyncset.done $0x0  }
0x95: {  	s17 =	sld [smem:$0x11];
	[sflag:s15] =	ssyncadd.s32 $0xFFFFFFFF  }
0x96: {  	s18 =	sld [smem:$0x12];
	(tm) =	ssettm $0x1  }
0x97: {  	s5 =	sld [smem:$0x3FFB];
	_ =	sdelay $0x3  }
0x98: {  	_ =	strace s5  }
0x99: {  	s5 =	sld [smem:$0x3FFC];
	_ =	sdelay $0x3  }
0x9a: {  	_ =	strace s5  }
0x9b: {  	s5 =	sld [smem:$0x3FFD];
	_ =	sdelay $0x3  }
0x9c: {  	_ =	strace s5  }
0x9d: {  	_ =	strace $0x8FFFFFFF  }
0x9e: {  	s19 =	sld [smem:$0x3FDB];
	_ =	sdelay $0x1  }
0x9f: {  	s6 =	simm.s32 $_scs_section_size  }
0xa0: {  	s7 =	simm.s32 $_size__tile_overlayer_lowered;
	s8 =	simm.s32 $_tile_overlayer_lowered  }
0xa1: {  	s22 =	simm.s32 $0x1BFF;
	s21 =	sshll.u32 s8, $0x1;
	s5 =	sadd.s32 s6, s19  }
0xa2: {  	s9 =	simm.s32 $0x0;
	s20 =	sshll.u32 s7, $0x1;
	s7 =	sadd.s32 s21, s5  }
0xa3: {  	[timem:s9], [sflag:s22] =	dma.local [hbm:s7], s20  }
0xa4: {  	_ =	swait.ge [sflag:s22], s20  }
0xa5: {  	s6 =	ssub.s32 $0x0, s20;
	[sflag:s22] =	ssyncset.done $0x0  }
0xa6: {  	[sflag:s22] =	ssyncadd.s32 s6;
	_ =	sdelay $0x1  }
0xa7: {  	s23 =	simm.s32 $0x1B8B  }
0xa8: {  	_ =	swait.ge [sflag:s23], $0x1  }
0xa9: {  	[sflag:s23] =	ssyncset.done $0x0  }
0xaa: {  	s25 =	simm.s32 $0x1B8E;
	s24 =	sld [smem:$0x3FFE];
	[sflag:s23] =	ssyncadd.s32 $0xFFFFFFFF  }
0xab: {  	s26 =	simm.s32 $execute0_lowered;
	[smem:$0x3FD2] =	sst s25  }
0xac: {  	s7 =	sshll.u32 s26, $0x1;
	_ =	strace $0x80000046;
	[dreg:$0x1] =	wrdreg $0xFFFFFFFF  }
0xad: {  	s28 =	simm.s32 $_size_execute0_lowered;
	s5 =	sadd.s32 s5, s7;
	[dreg:$0x0] =	wrdreg $0x0  }
0xae: {  	s7 =	sshll.u32 s28, $0x1;
	[dreg:$0x2] =	wrdreg s5  }
0xaf: {  	[dreg:$0x3] =	wrdreg s7  }
0xb0: {  	[dreg:$0x4] =	wrdreg $0xC0  }
0xb1: {  	_ =	task [dreg:s9], $0x5FFFF  }
0xb2: {  	[dreg:$0x1] =	wrdreg $0xFFFFFFFF  }
0xb3: {  	[dreg:$0x0] =	wrdreg $0x60  }
0xb4: {  	[dreg:$0x2] =	wrdreg s24  }
0xb5: {  	[dreg:$0x3] =	wrdreg s16  }
0xb6: {  	[dreg:$0x4] =	wrdreg s17  }
0xb7: {  	[dreg:$0x5] =	wrdreg s18  }
0xb8: {  	[dreg:$0x6] =	wrdreg $0x7800  }
0xb9: {  	[dreg:$0x7] =	wrdreg $0x7B80  }
0xba: {  	[dreg:$0x8] =	wrdreg $0x7F00  }
0xbb: {  	[dreg:$0x9] =	wrdreg $0x9  }
0xbc: {  	_ =	task.clear_ibuf [dreg:s9], $0xAFFFF;
	_ =	strace $0x90000046  }
0xbd: {  	s29 =	simm.s32 $0x9;
	_ =	strace $0x80000048  }
0xbe: {  	_ =	swait.ge [sflag:s29], $0x1  }
0xbf: {  	[sflag:s29] =	ssyncadd.s32 $0xFFFFFFFF  }
0xc0: {  	_ =	strace $0x90000048  }
0xc1: {  	_ =	sfence  }
0xc2: {  	s30 =	sld [smem:$0x0];
	_ =	sdelay $0x2  }
0xc3: {  	s31 =	sshll.u32 s1, $0xD;
	s1 =	sshrl.u32 s1, $0x2  }
0xc4: {  	s3 =	sand.u32 $0x4000, s31;
	s1 =	sadd.s32 s1, s30  }
0xc5: {  	s0 =	sor.u32 s3, s0;
	s1 =	sshll.u32 s1, $0x11  }
0xc6: {  	s0 =	sor.u32 s1, s0  }
0xc7: {  	s0 =	sadd.s32 $0x8F2B, s0  }
0xc8: {  	[sflag:s0] =	ssyncadd.remote.s32 $0x1  }
0xc9: {  	_ =	sfence.sel $0xFFFF  }
0xca: {  	[dreg:$0x0] =	wrdreg $0xFFFFFFFF;
	(pc) =	sbr.abs _section_cstart, $3  }
0xcb: {  	[dreg:$0x1] =	wrdreg $0xFFFFFFFF  }
0xcc: {  	_ =	task.clear_ibuf [dreg:s9], $0x2FFFF;
	_ =	strace $0x9FFFFFFF  }
0xcd: {  	(tm) =	ssettm $0x7FFFFFFF  }
tec
execute0_lowered:
.L_overlay_start_1:
0x0: {  	(tag) =	ssettag $0x1  }
0x1: {  	s9 =	rddreg [dreg:$0x0]  }
0x2: {  	s0 =	rddreg [dreg:$0x1]  }
0x3: {  	s2 =	rddreg [dreg:$0x2]  }
0x4: {  	s3 =	rddreg [dreg:$0x3]  }
0x5: {  	s5 =	rddreg [dreg:$0x4]  }
0x6: {  	s6 =	rddreg [dreg:$0x5]  }
0x7: {  	s7 =	rddreg [dreg:$0x6]  }
0x8: {  	s4 =	stileid.u32;
	s1 =	rddreg [dreg:$0x7];
	s8 =	simm.s32 $0x0  }
0x9: {  	s11 =	smul.u32 $0x180, s4;
	[smem:$0x7FF] =	sst s8  }
0xa: {  	s12 =	srdreg.scid;
	p0 =	seq.s32 s4, $0x0;
	_ =	strace $0x80000047  }
0xb: {  	s10 =	sshrl.u32 s11, $0x3;
	s29 =	sor.u32 $0x10, s11;
	s30 =	sor.u32 $0x20, s11  }
0xc: {  	s31 =	sor.u32 $0x30, s11;
	s15 =	sor.u32 $0x40, s11;
	s16 =	sor.u32 $0x50, s11  }
0xd: {  	s17 =	sor.u32 $0x60, s11;
	s18 =	sor.u32 $0x70, s11;
	s19 =	sadd.s32 $0x80, s11  }
0xe: {  	s20 =	sadd.s32 $0x90, s11;
	s21 =	sadd.s32 $0xA0, s11;
	s22 =	sadd.s32 $0xB0, s11  }
0xf: {  	s23 =	sadd.s32 $0xC0, s11;
	s24 =	sadd.s32 $0xD0, s11;
	s13 =	sadd.s32 s10, s9  }
0x10: {  	v48 =	vlaneseq.u32;
	s9 =	sadd.s32 $0x1C00, s9;
	s10 =	sand.u32 $0x1, s12;
	s12 =	sadd.s32 $0x110, s11  }
0x11: {  	v0 =	vor.u32 s29, v48;
	v60 =	vor.u32 s30, v48;
	v5 =	vor.u32 s17, v48;
	s17 =	sadd.s32 $0x140, s11;
	s29 =	sadd.s32 $0x150, s11;
	s30 =	sadd.s32 $0x160, s11  }
0x12: {  	v9 =	vor.u32 s20, v48;
	v10 =	vor.u32 s21, v48;
	v11 =	vor.u32 s22, v48;
	s21 =	sadd.s32 $0x10, s0;
	s22 =	sadd.s32 $0x10, s2;
	s20 =	sadd.s32 $0x80, s5  }
0x13: {  	v12 =	vor.u32 s23, v48;
	v13 =	vor.u32 s24, v48;
	s23 =	sadd.s32 $0x10, s3;
	s24 =	simm.s32 $0x680;
	[dreg:$0x8] =	wrdreg s9  }
0x14: {  	v62 =	vor.u32 s15, v48;
	s15 =	sadd.s32 $0x80, s7;
	s25 =	ssub.s32 $0x2, s10;
	[dreg:$0xb] =	wrdreg s21  }
0x15: {  	s26 =	sadd.s32 $0x1400, s13;
	s28 =	sadd.s32 $0x1800, s13;
	[dreg:$0xc] =	wrdreg s22  }
0x16: {  	s13 =	sadd.s32 $0x120, s11;
	p1 =	seq.s32 s10, $0x1;
	[dreg:$0xd] =	wrdreg s23  }
0x17: {  	v24 =	vmov s4;
	v25 =	vor.u32 $0x200, v48;
	v61 =	vor.u32 s31, v48;
	s31 =	sor.u32 s10, s4;
	[dreg:$0xe] =	wrdreg s24;
	p2 =	seq.s32 s10, $0x0  }
0x18: {  	v26 =	vor.u32 $0x210, v48;
	v21 =	vor.u32 s29, v48;
	v22 =	vor.u32 s30, v48;
	s29 =	simm.s32 $0x400;
	s10 =	simm.s32 $0x180;
	s30 =	simm.s32 $0x100  }
0x19: {  	v27 =	vor.u32 $0x220, v48;
	v28 =	vor.u32 $0x230, v48;
	v17 =	vor.u32 s12, v48;
	s12 =	simm.s32 $0x80;
	s14 =	sshrl.u32 s25, $0x1;
	[dreg:$0x9] =	wrdreg s26  }
0x1a: {  	v29 =	vor.u32 $0x240, v48;
	v30 =	vor.u32 $0x250, v48;
	v31 =	vor.u32 $0x260, v48;
	[dreg:$0xa] =	wrdreg s28;
	s26 =	sadd.s32 $0xF0, s11;
	s28 =	sadd.s32 $0x100, s11  }
0x1b: {  	v32 =	vor.u32 $0x270, v48;
	v33 =	vor.u32 $0x280, v48;
	v34 =	vor.u32 $0x290, v48;
	p0 =	por !p0, !p1;
	p1 =	sne.s32 s31, $0x0;
	[dreg:$0x12] =	wrdreg s29  }
0x1c: {  	v35 =	vor.u32 $0x2A0, v48;
	v36 =	vor.u32 $0x2B0, v48;
	v18 =	vor.u32 s13, v48;
	[dreg:$0x13] =	wrdreg s30;
	s31 =	simm.s32 $0x280;
	s13 =	simm.s32 $0x480  }
0x1d: {  	v37 =	vor.u32 $0x2C0, v48;
	v38 =	vor.u32 $0x2D0, v48;
	v39 =	vor.u32 $0x2E0, v48;
	s9 =	ssub.s32 s25, s14;
	s25 =	sadd.s32 $0xE0, s11;
	s14 =	sadd.s32 $0x130, s11  }
0x1e: {  	v40 =	vor.u32 $0x2F0, v48;
	v8 =	vor.u32 s11, v48;
	s11 =	sadd.s32 $0x170, s11;
	v15 =	vor.u32 s26, v48;
	s26 =	simm.s32 $0x380;
	[dreg:$0x14] =	wrdreg s31  }
0x1f: {  	v41 =	vor.u32 $0x300, v48;
	v42 =	vor.u32 $0x310, v48;
	p0 =	por !p0, !p0;
	v16 =	vor.u32 s28, v48;
	s28 =	simm.s32 $0x200;
	[dreg:$0x10] =	wrdreg s26  }
0x20: {  	v43 =	vor.u32 $0x320, v48;
	[tilespmem:$0x1FFB0] =	vst v0;
	v14 =	vor.u32 s25, v48;
	v19 =	vor.u32 s14, v48;
	s14 =	sadd.s32 $0x80, s6;
	s25 =	simm.s32 $0x300;
	[dreg:$0x11] =	wrdreg s28  }
0x21: {  	v44 =	vor.u32 $0x330, v48;
	v45 =	vor.u32 $0x340, v48;
	v63 =	vor.u32 s16, v48;
	[tilespmem:$0x1FFC0] =	vst v60;
	s9 =	smax.u32 s9, $0x1;
	s16 =	sshrl.u32 @p0 s20, $0x3;
	[dreg:$0xf] =	wrdreg s25  }
0x22: {  	v46 =	vor.u32 $0x350, v48;
	[tilespmem:$0x1FFD0] =	vst v61;
	v20 =	vor.u32 s17, v48;
	v23 =	vor.u32 s11, v48;
	s11 =	simm.s32 $0x1;
	s17 =	sshrl.u32 @p0 s15, $0x3;
	[dreg:$0x15] =	wrdreg s16  }
0x23: {  	v47 =	vor.u32 $0x360, v48;
	vm0 =	vgt.u32 v24, v48;
	v24 =	vimm.s32 $0x0;
	[tilespmem:$0x1FFE0] =	vst v62;
	s15 =	simm.s32 $0x580;
	s16 =	sshrl.u32 @p0 s14, $0x3;
	[dreg:$0x17] =	wrdreg s17  }
0x24: {  	v6 =	vor.u32 s18, v48;
	v7 =	vor.u32 s19, v48;
	[tilespmem:$0x1FFF0] =	vst v63;
	v48 =	vor.u32 $0x370, v48;
	s14 =	simm.s32 $0x500;
	[dreg:$0x16] =	wrdreg s16;
	s16 =	simm.s32 $0x2  }
.LBB2_1:
0x25: {  	s17 =	rddreg [dreg:$0x9]  }
0x26: {  	s30 =	rddreg [dreg:$0xa]  }
0x27: {  	[tilespmem:s8], [sflag:$0x1] =	stream.linear.gather [hbm4b:s17+s8], $0x180, $0x38;
	[tilespmem:$0x828] =	vst v63  }
0x28: {  	s18 =	rddreg [dreg:$0x8]  }
0x29: {  	[tilespmem:s10], [sflag:$0x1] =	stream.linear.gather [hbm4b:s30+s8], $0x180, $0x38;
	[tilespmem:$0x828] =	vst v63  }
0x2a: {  	s19 =	rddreg [dreg:$0xe]  }
0x2b: {  	[tilespmem:s19], [sflag:$0x1] =	stream.linear.gather [hbm4b:s18+s8], $0x100, $0x38;
	[tilespmem:$0x828] =	vst v63  }
0x2c: {  	_ =	swait.ge [sflag:s11], $0x180  }
0x2d: {  	[sflag:s11] =	ssyncset.done $0x0  }
0x2e: {  	[sflag:s11] =	ssyncadd.s32 $0xFFFFFE80  }
0x2f: {  	_ =	swait.ge [sflag:s11], $0x180  }
0x30: {  	[sflag:s11] =	ssyncset.done $0x0  }
0x31: {  	[sflag:s11] =	ssyncadd.s32 $0xFFFFFE80  }
0x32: {  	_ =	swait.ge [sflag:s11], $0x100  }
0x33: {  	[sflag:s11] =	ssyncset.done $0x0  }
0x34: {  	[sflag:s11] =	ssyncadd.s32 $0xFFFFFF00  }
0x35: {  	v49 =	vld [tilespmem:$0x680]  }
0x36: {  	v50 =	vld [tilespmem:$0x700];
	_ =	sdelay $0x1  }
0x37: {  	v51 =	vld [tilespmem:$0x0];
	_ =	sdelay $0x1  }
0x38: {  	v52 =	vnsel vm0, $0x0, v49  }
0x39: {  	v57 =	vnsel vm0, $0x0, v50;
	(xrf0) =	vadd.scan.msk.s32 $0xffff, v52  }
0x3a: {  	(xrf0) =	vadd.scan.msk.s32 $0xffff, v57  }
0x3b: {  	vm2 =	vlt.u32 v51, $0x50;
	(xrf0) =	vadd.scan.msk.s32 $0xffff, v49  }
0x3c: {  	vm1 =	veq.s32 v51, $0x50;
	v58 =	vsel vm2, $0x1, v24;
	(xrf0) =	vadd.scan.msk.s32 $0xffff, v50  }
0x3d: {  	v59 =	vsel vm1, $0x1, v24;
	v52 =	vld [tilespmem:$0x10];
	(xrf0) =	vadd.scan.msk.s32 $0xffff, v58  }
0x3e: {  	(xrf0) =	vadd.scan.msk.s32 $0xffff, v59  }
0x3f: {  	v60, _, _ =	vpop (xrf0)  }
0x40: {  	v61, _, _ =	vpop (xrf0)  }
0x41: {  	v53, _, _ =	vpop (xrf0)  }
0x42: {  	vm6 =	vlt.u32 v52, $0x50;
	(v2sf) =	vpush v60, $0xF;
	v54, _, _ =	vpop (xrf0)  }
0x43: {  	vm3 =	veq.s32 v52, $0x50;
	v57 =	vsel vm6, $0x1, v24;
	(v2sf) =	vpush v61, $0xF;
	v55, _, _ =	vpop (xrf0)  }
0x44: {  	v58 =	vsel vm3, $0x1, v24;
	(xrf0) =	vadd.scan.msk.s32 $0xffff, v57;
	v56, _, _ =	vpop (xrf0);
	(v2sf) =	vpush v55, $0xF  }
0x45: {  	(xrf0) =	vadd.scan.msk.s32 $0xffff, v58;
	(v2sf) =	vpush v56, $0xF  }
0x46: {  	v57 =	vld [tilespmem:$0x20];
	_ =	sdelay $0x1  }
0x47: {  	v49 =	vbroadcast v60, $0xF  }
0x48: {  	v62 =	vsel vm2, $0xFFFFFFFF, v24;
	v50 =	vbroadcast v61, $0xF  }
0x49: {  	v59 =	vsel vm1, $0xFFFFFFFF, v24;
	v58 =	vadd.s32 v62, v49;
	v49 =	vbroadcast v53, $0xF;
	v0, _, _ =	vpop (xrf0)  }
0x4a: {  	v63 =	vadd.s32 v59, v50;
	vm4 =	vlt.u32 v57, $0x50;
	v1, _, _ =	vpop (xrf0);
	(v2sf) =	vpush v0, $0xF  }
0x4b: {  	vm5 =	veq.s32 v57, $0x50;
	v60 =	vsel vm4, $0x1, v24;
	(v2sf) =	vpush v1, $0xF  }
0x4c: {  	v50 =	vbroadcast v54, $0xF;
	v54 =	vld [tilespmem:$0x30];
	v56 =	vadd.s32 v56, v63;
	v2 =	vsel vm5, $0x1, v24;
	(xrf0) =	vadd.scan.msk.s32 $0xffff, v60  }
0x4d: {  	vm14 =	vlt.u32 v52, $0x51;
	v55 =	vadd.s32 v55, v58;
	v61 =	vadd.s32 v49, v56;
	(xrf0) =	vadd.scan.msk.s32 $0xffff, v2  }
0x4e: {  	v62 =	vsel vm6, $0xFFFFFFFF, v24;
	v58 =	vsel vm2, v55, v61;
	v55 =	vadd.s32 v50, v55  }
0x4f: {  	v55 =	vsel vm1, v56, v55;
	vm1 =	vlt.u32 v51, $0x51;
	vm2 =	vlt.s32 v58, $0x80  }
0x50: {  	v63 =	vsel vm3, $0xFFFFFFFF, v24;
	vm7 =	vmand vm1, vm2;
	vm2 =	vlt.s32 v55, $0x180;
	s31 =	spop (v2sf)  }
0x51: {  	v51 =	vadd.s32 v62, v0;
	vm8 =	vmand vm1, vm2;
	vm2 =	vlt.u32 v54, $0x50;
	s19 =	spop (v2sf)  }
0x52: {  	v0 =	vadd.s32 v63, v1;
	vm1 =	veq.s32 v54, $0x50;
	v1 =	vsel vm2, $0x1, v24;
	v56, _, _ =	vpop (xrf0);
	s21 =	spop (v2sf)  }
0x53: {  	vm12 =	vlt.u32 v57, $0x51;
	v61 =	vsel vm1, $0x1, v24;
	(xrf0) =	vadd.scan.msk.s32 $0xffff, v1;
	v59, _, _ =	vpop (xrf0);
	(v2sf) =	vpush v56, $0xF;
	s20 =	spop (v2sf)  }
0x54: {  	v63 =	vsel vm4, $0xFFFFFFFF, v24;
	v55 =	vadd.s32 $0x80, v55;
	(xrf0) =	vadd.scan.msk.s32 $0xffff, v61;
	v61 =	vld [tilespmem:$0x40];
	(v2sf) =	vpush v59, $0xF;
	s18 =	sadd.s32 s19, s20  }
0x55: {  	v58 =	vsel vm7, v58, v25;
	v55 =	vsel vm8, v55, v25;
	s17 =	sadd.s32 s31, s21;
	v53 =	vadd.s32 s18, v0  }
0x56: {  	v57 =	vsel vm1, $0xFFFFFFFF, v24;
	v51 =	vadd.s32 s17, v51;
	v2 =	vadd.s32 v49, v53  }
0x57: {  	v62 =	vadd.s32 v50, v51;
	v0 =	vsel vm5, $0xFFFFFFFF, v24;
	v60 =	vsel vm6, v51, v2  }
0x58: {  	v52 =	vsel vm3, v53, v62;
	v51 =	vpsel p2, v58, v55;
	vm6 =	vlt.s32 v60, $0x80  }
0x59: {  	s22 =	spop (v2sf);
	v55 =	vadd.s32 v63, v56;
	vm3 =	vmand vm14, vm6;
	vm6 =	vlt.u32 v61, $0x50  }
0x5a: {  	s23 =	spop (v2sf);
	v63 =	vld [tilespmem:$0x50];
	v53 =	vsel vm3, v60, v26;
	vm3 =	veq.s32 v61, $0x50;
	v1 =	vsel vm6, $0x1, v24  }
0x5b: {  	vm15 =	vlt.s32 v52, $0x180;
	v56, _, _ =	vpop (xrf0);
	s18 =	sadd.s32 s18, s23;
	v58 =	vadd.s32 v0, v59;
	v2 =	vsel vm3, $0x1, v24;
	(xrf0) =	vadd.scan.msk.s32 $0xffff, v1  }
0x5c: {  	s17 =	sadd.s32 s17, s22;
	v52 =	vadd.s32 $0x80, v52;
	(v2sf) =	vpush v56, $0xF;
	v58 =	vadd.s32 s18, v58;
	v60, _, _ =	vpop (xrf0);
	(xrf0) =	vadd.scan.msk.s32 $0xffff, v2  }
0x5d: {  	vm7 =	vmand vm14, vm15;
	v55 =	vadd.s32 s17, v55;
	v0 =	vadd.s32 v49, v58  }
0x5e: {  	v52 =	vsel vm7, v52, v26;
	(v2sf) =	vpush v60, $0xF;
	v1 =	vadd.s32 v50, v55  }
0x5f: {  	v55 =	vsel vm4, v55, v0;
	v57 =	vadd.s32 v57, v60;
	vm4 =	vlt.u32 v63, $0x50  }
0x60: {  	v58 =	vsel vm5, v58, v1;
	vm5 =	veq.s32 v63, $0x50;
	v2 =	vsel vm4, $0x1, v24  }
0x61: {  	v52 =	vpsel p2, v53, v52;
	vm13 =	vlt.s32 v55, $0x80;
	v62 =	vsel vm5, $0x1, v24;
	(xrf0) =	vadd.scan.msk.s32 $0xffff, v2;
	v59, _, _ =	vpop (xrf0)  }
0x62: {  	v1 =	vsel vm2, $0xFFFFFFFF, v24;
	vm14 =	vmand vm12, vm13;
	s24 =	spop (v2sf);
	v0, _, _ =	vpop (xrf0);
	(v2sf) =	vpush v59, $0xF;
	(xrf0) =	vadd.scan.msk.s32 $0xffff, v62;
	v62 =	vld [tilespmem:$0x60]  }
0x63: {  	vm15 =	vlt.s32 v58, $0x180;
	v58 =	vadd.s32 $0x80, v58;
	v1 =	vadd.s32 v1, v56;
	s25 =	spop (v2sf)  }
0x64: {  	v55 =	vsel vm14, v55, v27;
	vm7 =	vmand vm12, vm15;
	vm12 =	vlt.u32 v54, $0x51;
	s18 =	sadd.s32 s18, s25  }
0x65: {  	s17 =	sadd.s32 s17, s24;
	vm15 =	vlt.u32 v63, $0x51;
	v56 =	vadd.s32 s18, v57;
	(v2sf) =	vpush v0, $0xF  }
0x66: {  	v1 =	vadd.s32 s17, v1;
	v57 =	vsel vm7, v58, v27;
	v60 =	vadd.s32 v49, v56  }
0x67: {  	v53 =	vpsel p2, v55, v57;
	v55 =	vsel vm2, v1, v60;
	vm13 =	vlt.u32 v62, $0x50  }
0x68: {  	v1 =	vadd.s32 v50, v1;
	vm2 =	veq.s32 v62, $0x50;
	v2 =	vsel vm13, $0x1, v24  }
0x69: {  	vm9 =	vlt.s32 v55, $0x80;
	v1 =	vsel vm1, v56, v1;
	v54, _, _ =	vpop (xrf0);
	v60 =	vsel vm2, $0x1, v24;
	(xrf0) =	vadd.scan.msk.s32 $0xffff, v2  }
0x6a: {  	vm1 =	vmand vm12, vm9;
	vm14 =	vlt.s32 v1, $0x180;
	v1 =	vadd.s32 $0x80, v1;
	v57, _, _ =	vpop (xrf0);
	(xrf0) =	vadd.scan.msk.s32 $0xffff, v60  }
0x6b: {  	(v2sf) =	vpush v54, $0xF;
	vm8 =	vmand vm12, vm14;
	v55 =	vsel vm1, v55, v28  }
0x6c: {  	vm1 =	vlt.u32 v61, $0x51;
	v1 =	vsel vm8, v1, v28;
	s26 =	spop (v2sf);
	(v2sf) =	vpush v57, $0xF  }
0x6d: {  	v1 =	vpsel p2, v55, v1;
	vm11 =	vlt.u32 v62, $0x51;
	v2 =	vsel vm3, $0xFFFFFFFF, v24;
	s28 =	spop (v2sf)  }
0x6e: {  	v60 =	vsel vm6, $0xFFFFFFFF, v24;
	v0 =	vadd.s32 v2, v0;
	v2 =	vsel vm5, $0xFFFFFFFF, v24;
	s18 =	sadd.s32 s18, s28  }
0x6f: {  	s17 =	sadd.s32 s17, s26;
	v60 =	vadd.s32 v60, v59;
	v57 =	vadd.s32 v2, v57;
	v0 =	vadd.s32 s18, v0;
	v55, _, _ =	vpop (xrf0)  }
0x70: {  	v61 =	vld [tilespmem:$0x70];
	v56 =	vadd.s32 s17, v60;
	v60 =	vadd.s32 v49, v0;
	v59, _, _ =	vpop (xrf0);
	(v2sf) =	vpush v55, $0xF  }
0x71: {  	v58 =	vsel vm6, v56, v60;
	v56 =	vadd.s32 v50, v56;
	s29 =	spop (v2sf);
	(v2sf) =	vpush v59, $0xF  }
0x72: {  	v2 =	vsel vm2, $0xFFFFFFFF, v24;
	vm6 =	vlt.s32 v58, $0x80;
	v0 =	vsel vm3, v0, v56  }
0x73: {  	vm6 =	vmand vm1, vm6;
	vm3 =	vlt.s32 v0, $0x180;
	v0 =	vadd.s32 $0x80, v0  }
0x74: {  	v56 =	vsel vm6, v58, v29;
	v58 =	vsel vm4, $0xFFFFFFFF, v24;
	vm1 =	vmand vm1, vm3;
	s30 =	spop (v2sf)  }
0x75: {  	vm3 =	veq.s32 v61, $0x50;
	s17 =	sadd.s32 s17, s29;
	v54 =	vadd.s32 v58, v54;
	v0 =	vsel vm1, v0, v29;
	s18 =	sadd.s32 s18, s30  }
0x76: {  	vm1 =	vlt.u32 v61, $0x50;
	v54 =	vadd.s32 s17, v54;
	v57 =	vadd.s32 s18, v57  }
0x77: {  	v0 =	vpsel p2, v56, v0;
	v60 =	vadd.s32 v50, v54;
	v58 =	vadd.s32 v49, v57  }
0x78: {  	[tilespmem:$0x300] =	vst v8;
	v56 =	vsel vm5, v57, v60;
	v54 =	vsel vm4, v54, v58;
	v58 =	vsel vm1, $0x1, v24  }
0x79: {  	v60 =	vsel vm13, $0xFFFFFFFF, v24;
	v57 =	vadd.s32 v2, v59;
	v2 =	vsel vm3, $0x1, v24;
	(xrf0) =	vadd.scan.msk.s32 $0xffff, v58  }
0x7a: {  	v62 =	vsel vm3, $0xFFFFFFFF, v24;
	s31 =	spop (v2sf);
	v59 =	vld [tilespmem:$0x1FFC0];
	v55 =	vadd.s32 v60, v55;
	vm9 =	vlt.s32 v54, $0x80;
	(xrf0) =	vadd.scan.msk.s32 $0xffff, v2  }
0x7b: {  	[tilespmem:$0x360] =	vst v5;
	s17 =	sadd.s32 s17, s31;
	vm10 =	vlt.s32 v56, $0x180;
	v60 =	vsel vm1, $0xFFFFFFFF, v24;
	s21 =	spop (v2sf);
	vm5 =	vmand vm15, vm9  }
0x7c: {  	[tilespmem:$0x370] =	vst v6;
	v63 =	vadd.s32 s17, v55;
	vm4 =	vmand vm15, vm10;
	s18 =	sadd.s32 s18, s21;
	v54 =	vsel vm5, v54, v30  }
0x7d: {  	[tilespmem:$0x480] =	vst v51;
	v58 =	vadd.s32 $0x80, v56;
	v51 =	vadd.s32 v50, v63;
	v57 =	vadd.s32 s18, v57  }
0x7e: {  	[tilespmem:$0x490] =	vst v52;
	v52 =	vsel vm4, v58, v30;
	v2 =	vadd.s32 v49, v57;
	v51 =	vsel vm2, v57, v51  }
0x7f: {  	v52 =	vpsel p2, v54, v52;
	[tilespmem:$0x320] =	vst v59;
	v59 =	vld [tilespmem:$0x1FFD0];
	v55 =	vsel vm13, v63, v2;
	vm2 =	vlt.s32 v51, $0x180;
	v54, _, _ =	vpop (xrf0);
	s22 =	spop (v2sf)  }
0x80: {  	[tilespmem:$0x4A0] =	vst v53;
	v2 =	vld [tilespmem:$0x1FFB0];
	v51 =	vadd.s32 $0x80, v51;
	vm12 =	vlt.s32 v55, $0x80;
	vm2 =	vmand vm11, vm2;
	v57, _, _ =	vpop (xrf0);
	s23 =	spop (v2sf)  }
0x81: {  	[tilespmem:$0x4B0] =	vst v1;
	vm13 =	vmand vm11, vm12;
	v63 =	vadd.s32 v60, v54;
	v58 =	vadd.s32 v62, v57;
	s17 =	sadd.s32 s17, s22;
	s18 =	sadd.s32 s18, s23  }
0x82: {  	[tilespmem:$0x4C0] =	vst v0;
	v53 =	vsel vm13, v55, v31;
	v1 =	vadd.s32 s17, v63;
	v63 =	vld [tilespmem:$0x1FFE0];
	v55 =	vadd.s32 s18, v58  }
0x83: {  	[tilespmem:$0x4D0] =	vst v52;
	v0 =	vsel vm2, v51, v31;
	v62 =	vadd.s32 v50, v1;
	v58 =	vld [tilespmem:$0x1FFF0];
	v60 =	vadd.s32 v49, v55  }
0x84: {  	[tilespmem:$0x330] =	vst v59;
	v0 =	vpsel p2, v53, v0;
	v56 =	vsel vm3, v55, v62;
	v1 =	vsel vm1, v1, v60  }
0x85: {  	[tilespmem:$0x310] =	vst v2;
	vm1 =	vlt.u32 v61, $0x51;
	vm3 =	vlt.s32 v56, $0x180;
	vm2 =	vlt.s32 v1, $0x80  }
0x86: {  	[tilespmem:$0x4E0] =	vst v0;
	v51 =	vadd.s32 $0x80, v56;
	vm2 =	vmand vm1, vm2;
	vm1 =	vmand vm1, vm3  }
0x87: {  	[tilespmem:$0x340] =	vst v63;
	v59 =	vsel vm2, v1, v32;
	v60 =	vsel vm1, v51, v32  }
0x88: {  	[tilespmem:$0x350] =	vst v58;
	v0 =	vpsel p2, v59, v60  }
0x89: {  	s24 =	rddreg [dreg:$0xf];
	[tilespmem:$0x4F0] =	vst v0  }
0x8a: {  	[spmem:s5] =	stream.indirect.scatter [tilespmem:s24], [sflag:$0x2], $0x1, s13, s12, $0xb8;
	[tilespmem:$0x828] =	vst v63  }
0x8b: {  	_ = 	snop  }
0x8c: {  	[spmem:s6] =	stream.indirect.scatter [tilespmem:s8], [sflag:$0x2], $0x1, s13, s12, $0xb8;
	[tilespmem:$0x828] =	vst v63  }
0x8d: {  	_ = 	snop  }
0x8e: {  	[spmem:s7] =	stream.indirect.scatter [tilespmem:s10], [sflag:$0x2], $0x1, s13, s12, $0xb8;
	[tilespmem:$0x828] =	vst v63  }
0x8f: {  	v0 =	vld [tilespmem:$0x80];
	_ =	sdelay $0x2  }
0x90: {  	(v2sf) =	vpush v54, $0xF  }
0x91: {  	(v2sf) =	vpush v57, $0xF  }
0x92: {  	vm2 =	vlt.u32 v0, $0x50  }
0x93: {  	vm1 =	veq.s32 v0, $0x50;
	v61 =	vsel vm2, $0x1, v24  }
0x94: {  	v1 =	vld [tilespmem:$0x90];
	v62 =	vsel vm1, $0x1, v24;
	(xrf0) =	vadd.scan.msk.s32 $0xffff, v61  }
0x95: {  	(xrf0) =	vadd.scan.msk.s32 $0xffff, v62;
	_ =	sdelay $0x3  }
0x96: {  	vm14 =	vlt.u32 v1, $0x50  }
0x97: {  	v2 =	vsel vm14, $0x1, v24;
	v51, _, _ =	vpop (xrf0)  }
0x98: {  	vm3 =	veq.s32 v1, $0x50;
	(xrf0) =	vadd.scan.msk.s32 $0xffff, v2;
	v63, _, _ =	vpop (xrf0);
	(v2sf) =	vpush v51, $0xF  }
0x99: {  	v53 =	vld [tilespmem:$0xA0];
	v57 =	vsel vm3, $0x1, v24;
	(v2sf) =	vpush v63, $0xF  }
0x9a: {  	(xrf0) =	vadd.scan.msk.s32 $0xffff, v57;
	_ =	sdelay $0x1  }
0x9b: {  	s25 =	spop (v2sf)  }
0x9c: {  	s26 =	spop (v2sf)  }
0x9d: {  	s18 =	sadd.s32 s18, s26;
	vm4 =	vlt.u32 v53, $0x50;
	vm5 =	veq.s32 v53, $0x50;
	v59 =	vsel vm1, $0xFFFFFFFF, v24;
	v60, _, _ =	vpop (xrf0)  }
0x9e: {  	s17 =	sadd.s32 s17, s25;
	v58 =	vsel vm2, $0xFFFFFFFF, v24;
	v55 =	vadd.s32 s18, v59;
	(v2sf) =	vpush v60, $0xF  }
0x9f: {  	v54 =	vadd.s32 s17, v58;
	v62 =	vsel vm4, $0x1, v24;
	v52 =	vadd.s32 v63, v55;
	v55 =	vld [tilespmem:$0xB0];
	v61, _, _ =	vpop (xrf0)  }
0xa0: {  	v51 =	vadd.s32 v51, v54;
	v2 =	vadd.s32 v49, v52;
	(xrf0) =	vadd.scan.msk.s32 $0xffff, v62;
	(v2sf) =	vpush v61, $0xF  }
0xa1: {  	v63 =	vsel vm5, $0x1, v24;
	v54 =	vsel vm2, v51, v2;
	v51 =	vadd.s32 v50, v51  }
0xa2: {  	v51 =	vsel vm1, v52, v51;
	vm1 =	vlt.u32 v0, $0x51;
	vm2 =	vlt.s32 v54, $0x80;
	(xrf0) =	vadd.scan.msk.s32 $0xffff, v63  }
0xa3: {  	vm15 =	vmand vm1, vm2;
	vm2 =	vlt.s32 v51, $0x180  }
0xa4: {  	v58 =	vsel vm14, $0xFFFFFFFF, v24;
	vm12 =	vmand vm1, vm2;
	vm2 =	vlt.u32 v55, $0x50  }
0xa5: {  	vm13 =	vlt.u32 v1, $0x51;
	v0 =	vadd.s32 v58, v60;
	v60 =	vsel vm2, $0x1, v24  }
0xa6: {  	v59 =	vsel vm3, $0xFFFFFFFF, v24;
	v51 =	vadd.s32 $0x80, v51;
	vm1 =	veq.s32 v55, $0x50;
	v56, _, _ =	vpop (xrf0);
	(xrf0) =	vadd.scan.msk.s32 $0xffff, v60;
	s28 =	spop (v2sf)  }
0xa7: {  	v54 =	vsel vm15, v54, v33;
	v63 =	vsel vm4, $0xFFFFFFFF, v24;
	vm15 =	vlt.u32 v53, $0x51;
	s29 =	spop (v2sf)  }
0xa8: {  	v52 =	vadd.s32 v59, v61;
	v61 =	vsel vm1, $0x1, v24;
	v59 =	vld [tilespmem:$0xC0];
	v57, _, _ =	vpop (xrf0);
	(v2sf) =	vpush v56, $0xF;
	s18 =	sadd.s32 s18, s29  }
0xa9: {  	v51 =	vsel vm12, v51, v33;
	s17 =	sadd.s32 s17, s28;
	(v2sf) =	vpush v57, $0xF;
	v52 =	vadd.s32 s18, v52  }
0xaa: {  	v51 =	vpsel p2, v54, v51;
	(xrf0) =	vadd.scan.msk.s32 $0xffff, v61;
	v0 =	vadd.s32 s17, v0;
	v62 =	vadd.s32 v49, v52  }
0xab: {  	v54 =	vsel vm5, $0xFFFFFFFF, v24;
	v58 =	vsel vm14, v0, v62;
	v0 =	vadd.s32 v50, v0  }
0xac: {  	vm6 =	vlt.s32 v58, $0x80;
	v0 =	vsel vm3, v52, v0;
	v52 =	vadd.s32 v63, v56;
	v56, _, _ =	vpop (xrf0)  }
0xad: {  	s30 =	spop (v2sf);
	vm3 =	vmand vm13, vm6;
	vm6 =	vlt.u32 v59, $0x50;
	(v2sf) =	vpush v56, $0xF  }
0xae: {  	v61 =	vld [tilespmem:$0xD0];
	v1 =	vsel vm3, v58, v34;
	vm3 =	veq.s32 v59, $0x50;
	v2 =	vsel vm6, $0x1, v24  }
0xaf: {  	v54 =	vadd.s32 v54, v57;
	vm14 =	vlt.s32 v0, $0x180;
	s31 =	spop (v2sf);
	s17 =	sadd.s32 s17, s30;
	v63 =	vsel vm3, $0x1, v24;
	(xrf0) =	vadd.scan.msk.s32 $0xffff, v2  }
0xb0: {  	v0 =	vadd.s32 $0x80, v0;
	v58, _, _ =	vpop (xrf0);
	s18 =	sadd.s32 s18, s31;
	vm7 =	vmand vm13, vm14;
	v52 =	vadd.s32 s17, v52;
	(xrf0) =	vadd.scan.msk.s32 $0xffff, v63  }
0xb1: {  	(v2sf) =	vpush v58, $0xF;
	v54 =	vadd.s32 s18, v54;
	v60 =	vadd.s32 v50, v52  }
0xb2: {  	v0 =	vsel vm7, v0, v34;
	v57 =	vadd.s32 v49, v54;
	v54 =	vsel vm5, v54, v60  }
0xb3: {  	vm5 =	veq.s32 v61, $0x50;
	v52 =	vsel vm4, v52, v57;
	vm4 =	vlt.u32 v61, $0x50  }
0xb4: {  	v0 =	vpsel p2, v1, v0;
	vm14 =	vlt.s32 v54, $0x180;
	v53 =	vsel vm4, $0x1, v24  }
0xb5: {  	v60 =	vld [tilespmem:$0xE0];
	v2 =	vsel vm5, $0x1, v24;
	v54 =	vadd.s32 $0x80, v54;
	vm12 =	vlt.s32 v52, $0x80;
	(xrf0) =	vadd.scan.msk.s32 $0xffff, v53;
	v57, _, _ =	vpop (xrf0)  }
0xb6: {  	vm7 =	vmand vm15, vm14;
	vm13 =	vmand vm15, vm12;
	v62, _, _ =	vpop (xrf0);
	(v2sf) =	vpush v57, $0xF;
	(xrf0) =	vadd.scan.msk.s32 $0xffff, v2  }
0xb7: {  	v53 =	vsel vm1, $0xFFFFFFFF, v24;
	v54 =	vsel vm7, v54, v35;
	s21 =	spop (v2sf);
	v2 =	vsel vm2, $0xFFFFFFFF, v24  }
0xb8: {  	vm15 =	vlt.u32 v55, $0x51;
	v52 =	vsel vm13, v52, v35;
	s22 =	spop (v2sf);
	s17 =	sadd.s32 s17, s21;
	v56 =	vadd.s32 v2, v56  }
0xb9: {  	v53 =	vadd.s32 v53, v58;
	s18 =	sadd.s32 s18, s22;
	(v2sf) =	vpush v62, $0xF;
	v56 =	vadd.s32 s17, v56  }
0xba: {  	v1 =	vpsel p2, v52, v54;
	vm12 =	vlt.u32 v60, $0x50;
	v53 =	vadd.s32 s18, v53  }
0xbb: {  	v58 =	vsel vm12, $0x1, v24;
	v63 =	vadd.s32 v49, v53;
	v54 =	vadd.s32 v50, v56;
	v55, _, _ =	vpop (xrf0)  }
0xbc: {  	v52 =	vsel vm2, v56, v63;
	(v2sf) =	vpush v55, $0xF;
	vm2 =	veq.s32 v60, $0x50;
	v56, _, _ =	vpop (xrf0)  }
0xbd: {  	(xrf0) =	vadd.scan.msk.s32 $0xffff, v58;
	v53 =	vsel vm1, v53, v54;
	v2 =	vsel vm2, $0x1, v24;
	s23 =	spop (v2sf);
	(v2sf) =	vpush v56, $0xF  }
0xbe: {  	v54 =	vsel vm3, $0xFFFFFFFF, v24;
	vm14 =	vlt.s32 v53, $0x180;
	(xrf0) =	vadd.scan.msk.s32 $0xffff, v2  }
0xbf: {  	vm13 =	vlt.s32 v52, $0x80;
	v53 =	vadd.s32 $0x80, v53;
	vm8 =	vmand vm15, vm14  }
0xc0: {  	v54 =	vadd.s32 v54, v62;
	vm1 =	vmand vm15, vm13;
	v53 =	vsel vm8, v53, v36;
	s24 =	spop (v2sf)  }
0xc1: {  	v2 =	vsel vm6, $0xFFFFFFFF, v24;
	vm15 =	vlt.u32 v61, $0x51;
	v61 =	vsel vm12, $0xFFFFFFFF, v24;
	s18 =	sadd.s32 s18, s24  }
0xc2: {  	s17 =	sadd.s32 s17, s23;
	v57 =	vadd.s32 v2, v57;
	v52 =	vsel vm1, v52, v36;
	v54 =	vadd.s32 s18, v54  }
0xc3: {  	v57 =	vadd.s32 s17, v57;
	v52 =	vpsel p2, v52, v53;
	v53, _, _ =	vpop (xrf0);
	v63 =	vadd.s32 v49, v54  }
0xc4: {  	vm1 =	vlt.u32 v59, $0x51;
	(v2sf) =	vpush v53, $0xF;
	v58 =	vsel vm6, v57, v63;
	v59, _, _ =	vpop (xrf0)  }
0xc5: {  	v57 =	vadd.s32 v50, v57;
	v63 =	vld [tilespmem:$0xF0];
	vm6 =	vlt.s32 v58, $0x80;
	s25 =	spop (v2sf);
	(v2sf) =	vpush v59, $0xF  }
0xc6: {  	v2 =	vsel vm5, $0xFFFFFFFF, v24;
	v54 =	vsel vm3, v54, v57;
	vm6 =	vmand vm1, vm6  }
0xc7: {  	vm3 =	vlt.s32 v54, $0x180;
	v57 =	vsel vm6, v58, v37;
	v58 =	vsel vm4, $0xFFFFFFFF, v24  }
0xc8: {  	v54 =	vadd.s32 $0x80, v54;
	vm1 =	vmand vm1, vm3;
	s26 =	spop (v2sf);
	s17 =	sadd.s32 s17, s25;
	v55 =	vadd.s32 v58, v55  }
0xc9: {  	v56 =	vadd.s32 v2, v56;
	v54 =	vsel vm1, v54, v37;
	s18 =	sadd.s32 s18, s26;
	v55 =	vadd.s32 s17, v55  }
0xca: {  	vm1 =	vlt.u32 v63, $0x50;
	v56 =	vadd.s32 s18, v56;
	v2 =	vadd.s32 v50, v55  }
0xcb: {  	vm3 =	veq.s32 v63, $0x50;
	v58 =	vadd.s32 v49, v56;
	v56 =	vsel vm5, v56, v2;
	s28 =	spop (v2sf)  }
0xcc: {  	[tilespmem:$0x380] =	vst v7;
	v2 =	vsel vm2, $0xFFFFFFFF, v24;
	v55 =	vsel vm4, v55, v58;
	v58 =	vsel vm1, $0x1, v24;
	s29 =	spop (v2sf)  }
0xcd: {  	v54 =	vpsel p2, v57, v54;
	v57 =	vadd.s32 v2, v59;
	v2 =	vsel vm3, $0x1, v24;
	(xrf0) =	vadd.scan.msk.s32 $0xffff, v58;
	s18 =	sadd.s32 s18, s29  }
0xce: {  	vm10 =	vlt.u32 v60, $0x51;
	v53 =	vadd.s32 v61, v53;
	s17 =	sadd.s32 s17, s28;
	(xrf0) =	vadd.scan.msk.s32 $0xffff, v2;
	v57 =	vadd.s32 s18, v57  }
0xcf: {  	[tilespmem:$0x390] =	vst v9;
	vm9 =	vlt.s32 v56, $0x180;
	v62 =	vadd.s32 s17, v53;
	v58 =	vadd.s32 v49, v57  }
0xd0: {  	[tilespmem:$0x3A0] =	vst v10;
	v59 =	vadd.s32 $0x80, v56;
	vm8 =	vlt.s32 v55, $0x80;
	v53 =	vsel vm12, v62, v58  }
0xd1: {  	[tilespmem:$0x500] =	vst v51;
	vm4 =	vmand vm15, vm9;
	vm5 =	vmand vm15, vm8;
	vm11 =	vlt.s32 v53, $0x80  }
0xd2: {  	[tilespmem:$0x510] =	vst v0;
	v0 =	vsel vm4, v59, v38;
	v51 =	vadd.s32 v50, v62;
	vm12 =	vmand vm10, vm11  }
0xd3: {  	[tilespmem:$0x3B0] =	vst v11;
	v55 =	vsel vm5, v55, v38;
	v61 =	vsel vm2, v57, v51;
	s30 =	spop (v2sf);
	v51 =	vsel vm12, v53, v39;
	v53, _, _ =	vpop (xrf0)  }
0xd4: {  	[tilespmem:$0x3C0] =	vst v12;
	v2 =	vsel vm3, $0xFFFFFFFF, v24;
	v0 =	vpsel p2, v55, v0;
	v62 =	vsel vm1, $0xFFFFFFFF, v24;
	s31 =	spop (v2sf);
	v57, _, _ =	vpop (xrf0)  }
0xd5: {  	[tilespmem:$0x520] =	vst v1;
	vm2 =	vlt.s32 v61, $0x180;
	s17 =	sadd.s32 s17, s30;
	v58 =	vadd.s32 v62, v53;
	s18 =	sadd.s32 s18, s31;
	v59 =	vadd.s32 v2, v57  }
0xd6: {  	[tilespmem:$0x530] =	vst v52;
	v1 =	vadd.s32 $0x80, v61;
	v52 =	vadd.s32 s17, v58;
	v55 =	vadd.s32 s18, v59  }
0xd7: {  	[tilespmem:$0x3D0] =	vst v13;
	vm2 =	vmand vm10, vm2;
	v61 =	vadd.s32 v50, v52;
	v60 =	vadd.s32 v49, v55  }
0xd8: {  	[tilespmem:$0x3E0] =	vst v14;
	v1 =	vsel vm2, v1, v39;
	v2 =	vsel vm3, v55, v61;
	v62 =	vsel vm1, v52, v60  }
0xd9: {  	[tilespmem:$0x3F0] =	vst v15;
	vm1 =	vlt.u32 v63, $0x51;
	vm3 =	vlt.s32 v2, $0x180;
	vm2 =	vlt.s32 v62, $0x80  }
0xda: {  	[tilespmem:$0x540] =	vst v54;
	v55 =	vadd.s32 $0x80, v2;
	vm2 =	vmand vm1, vm2;
	vm1 =	vmand vm1, vm3  }
0xdb: {  	[tilespmem:$0x550] =	vst v0;
	v1 =	vpsel p2, v51, v1;
	v56 =	vsel vm2, v62, v40;
	v0 =	vsel vm1, v55, v40  }
0xdc: {  	[tilespmem:$0x560] =	vst v1;
	v0 =	vpsel p2, v56, v0  }
0xdd: {  	s21 =	rddreg [dreg:$0x10];
	[tilespmem:$0x570] =	vst v0  }
0xde: {  	[spmem:s5] =	stream.indirect.scatter [tilespmem:s21], [sflag:$0x2], $0x1, s14, s12, $0xb8;
	[tilespmem:$0x828] =	vst v63  }
0xdf: {  	_ = 	snop  }
0xe0: {  	[spmem:s6] =	stream.indirect.scatter [tilespmem:s12], [sflag:$0x2], $0x1, s14, s12, $0xb8;
	[tilespmem:$0x828] =	vst v63  }
0xe1: {  	s22 =	rddreg [dreg:$0x11]  }
0xe2: {  	[spmem:s7] =	stream.indirect.scatter [tilespmem:s22], [sflag:$0x2], $0x1, s14, s12, $0xb8;
	[tilespmem:$0x828] =	vst v63  }
0xe3: {  	v0 =	vld [tilespmem:$0x100];
	_ =	sdelay $0x3  }
0xe4: {  	(v2sf) =	vpush v53, $0xF  }
0xe5: {  	(v2sf) =	vpush v57, $0xF;
	vm13 =	vlt.u32 v0, $0x50  }
0xe6: {  	vm1 =	veq.s32 v0, $0x50;
	v58 =	vsel vm13, $0x1, v24  }
0xe7: {  	v59 =	vsel vm1, $0x1, v24;
	(xrf0) =	vadd.scan.msk.s32 $0xffff, v58  }
0xe8: {  	v1 =	vld [tilespmem:$0x110];
	(xrf0) =	vadd.scan.msk.s32 $0xffff, v59;
	_ =	sdelay $0x4  }
0xe9: {  	vm2 =	vlt.u32 v1, $0x50;
	v51, _, _ =	vpop (xrf0)  }
0xea: {  	vm3 =	veq.s32 v1, $0x50;
	v60 =	vsel vm2, $0x1, v24;
	v52, _, _ =	vpop (xrf0);
	(v2sf) =	vpush v51, $0xF  }
0xeb: {  	v55 =	vld [tilespmem:$0x120];
	v61 =	vsel vm3, $0x1, v24;
	(xrf0) =	vadd.scan.msk.s32 $0xffff, v60;
	(v2sf) =	vpush v52, $0xF  }
0xec: {  	(xrf0) =	vadd.scan.msk.s32 $0xffff, v61;
	_ =	sdelay $0x2  }
0xed: {  	s23 =	spop (v2sf)  }
0xee: {  	s24 =	spop (v2sf);
	vm5 =	vlt.u32 v55, $0x50  }
0xef: {  	s18 =	sadd.s32 s18, s24;
	vm6 =	veq.s32 v55, $0x50;
	v62 =	vsel vm13, $0xFFFFFFFF, v24;
	v63 =	vsel vm1, $0xFFFFFFFF, v24;
	v56, _, _ =	vpop (xrf0)  }
0xf0: {  	s17 =	sadd.s32 s17, s23;
	v2 =	vsel vm5, $0x1, v24;
	v54 =	vadd.s32 s18, v63;
	v60, _, _ =	vpop (xrf0);
	(v2sf) =	vpush v56, $0xF  }
0xf1: {  	v57 =	vld [tilespmem:$0x130];
	v53 =	vadd.s32 s17, v62;
	v52 =	vadd.s32 v52, v54;
	(xrf0) =	vadd.scan.msk.s32 $0xffff, v2;
	(v2sf) =	vpush v60, $0xF  }
0xf2: {  	v61 =	vsel vm6, $0x1, v24;
	v51 =	vadd.s32 v51, v53;
	v62 =	vadd.s32 v49, v52  }
0xf3: {  	v53 =	vsel vm13, v51, v62;
	(xrf0) =	vadd.scan.msk.s32 $0xffff, v61  }
0xf4: {  	vm14 =	vlt.u32 v0, $0x51;
	v63 =	vadd.s32 v50, v51;
	vm4 =	vlt.s32 v53, $0x80  }
0xf5: {  	v0 =	vsel vm1, v52, v63;
	v63 =	vsel vm3, $0xFFFFFFFF, v24;
	vm4 =	vmand vm14, vm4  }
0xf6: {  	vm1 =	vlt.u32 v57, $0x50;
	v2 =	vsel vm2, $0xFFFFFFFF, v24;
	v51 =	vsel vm4, v53, v41  }
0xf7: {  	v59 =	vld [tilespmem:$0x140];
	vm4 =	veq.s32 v57, $0x50;
	v53 =	vadd.s32 v63, v60;
	v60 =	vsel vm1, $0x1, v24;
	v58, _, _ =	vpop (xrf0);
	s25 =	spop (v2sf)  }
0xf8: {  	v52 =	vadd.s32 v2, v56;
	v2 =	vsel vm4, $0x1, v24;
	(xrf0) =	vadd.scan.msk.s32 $0xffff, v60;
	(v2sf) =	vpush v58, $0xF;
	s26 =	spop (v2sf)  }
0xf9: {  	vm12 =	vlt.u32 v1, $0x51;
	(xrf0) =	vadd.scan.msk.s32 $0xffff, v2;
	v54, _, _ =	vpop (xrf0);
	s18 =	sadd.s32 s18, s26  }
0xfa: {  	vm15 =	vlt.s32 v0, $0x180;
	(v2sf) =	vpush v54, $0xF;
	s17 =	sadd.s32 s17, s25;
	v53 =	vadd.s32 s18, v53  }
0xfb: {  	v0 =	vadd.s32 $0x80, v0;
	v52 =	vadd.s32 s17, v52;
	v60 =	vadd.s32 v49, v53  }
0xfc: {  	v56 =	vsel vm2, v52, v60;
	v52 =	vadd.s32 v50, v52;
	vm2 =	vlt.u32 v59, $0x50  }
0xfd: {  	v62 =	vld [tilespmem:$0x150];
	vm7 =	vmand vm14, vm15;
	v60 =	vsel vm3, v53, v52;
	v53 =	vsel vm2, $0x1, v24  }
0xfe: {  	v3 =	vsel vm1, $0xFFFFFFFF, v24;
	vm3 =	veq.s32 v59, $0x50;
	(xrf0) =	vadd.scan.msk.s32 $0xffff, v53;
	v53 =	vsel vm7, v0, v41;
	v0, _, _ =	vpop (xrf0)  }
0xff: {  	vm15 =	vlt.u32 v55, $0x51;
	s28 =	spop (v2sf);
	v61 =	vsel vm3, $0x1, v24;
	v1, _, _ =	vpop (xrf0);
	(v2sf) =	vpush v0, $0xF  }
0x100: {  	v2 =	vsel vm6, $0xFFFFFFFF, v24;
	vm13 =	vlt.s32 v56, $0x80;
	s29 =	spop (v2sf);
	(xrf0) =	vadd.scan.msk.s32 $0xffff, v61;
	(v2sf) =	vpush v1, $0xF  }
0x101: {  	v54 =	vadd.s32 v2, v54;
	vm9 =	vmand vm12, vm13;
	vm10 =	vlt.s32 v60, $0x180;
	s18 =	sadd.s32 s18, s29  }
0x102: {  	v63 =	vadd.s32 $0x80, v60;
	vm7 =	vlt.u32 v62, $0x50;
	v54 =	vadd.s32 s18, v54  }
0x103: {  	v52 =	vsel vm9, v56, v42;
	v56 =	vsel vm5, $0xFFFFFFFF, v24;
	v60 =	vadd.s32 v49, v54  }
0x104: {  	s17 =	sadd.s32 s17, s28;
	vm14 =	vmand vm12, vm10;
	v61 =	vsel vm7, $0x1, v24;
	v56 =	vadd.s32 v56, v58  }
0x105: {  	v0 =	vadd.s32 v3, v0;
	v58 =	vsel vm14, v63, v42;
	v56 =	vadd.s32 s17, v56;
	v55, _, _ =	vpop (xrf0)  }
0x106: {  	v2 =	vadd.s32 v50, v56;
	v56 =	vsel vm5, v56, v60;
	v60, _, _ =	vpop (xrf0);
	(v2sf) =	vpush v55, $0xF  }
0x107: {  	v54 =	vsel vm6, v54, v2;
	vm6 =	veq.s32 v62, $0x50;
	(xrf0) =	vadd.scan.msk.s32 $0xffff, v61;
	v61 =	vld [tilespmem:$0x160];
	s30 =	spop (v2sf);
	(v2sf) =	vpush v60, $0xF  }
0x108: {  	v63 =	vsel vm4, $0xFFFFFFFF, v24;
	vm14 =	vlt.u32 v57, $0x51;
	v2 =	vsel vm6, $0x1, v24  }
0x109: {  	v1 =	vadd.s32 v63, v1;
	vm12 =	vlt.s32 v56, $0x80;
	vm13 =	vlt.s32 v54, $0x180;
	(xrf0) =	vadd.scan.msk.s32 $0xffff, v2;
	s31 =	spop (v2sf)  }
0x10a: {  	vm8 =	vmand vm15, vm12;
	v63 =	vadd.s32 $0x80, v54;
	vm5 =	vmand vm15, vm13;
	s18 =	sadd.s32 s18, s31  }
0x10b: {  	v54 =	vsel vm8, v56, v43;
	v2 =	vsel vm5, v63, v43;
	s17 =	sadd.s32 s17, s30;
	v1 =	vadd.s32 s18, v1  }
0x10c: {  	v0 =	vadd.s32 s17, v0;
	v3 =	vadd.s32 v49, v1;
	vm15 =	vlt.u32 v61, $0x50  }
0x10d: {  	v3 =	vsel vm1, v0, v3;
	vm1 =	veq.s32 v61, $0x50;
	v57 =	vsel vm15, $0x1, v24  }
0x10e: {  	v0 =	vadd.s32 v50, v0;
	v56, _, _ =	vpop (xrf0);
	vm12 =	vlt.s32 v3, $0x80;
	(xrf0) =	vadd.scan.msk.s32 $0xffff, v57;
	v57 =	vsel vm1, $0x1, v24;
	s20 =	spop (v2sf)  }
0x10f: {  	v63, _, _ =	vpop (xrf0);
	v0 =	vsel vm4, v1, v0;
	vm9 =	vmand vm14, vm12;
	(xrf0) =	vadd.scan.msk.s32 $0xffff, v57;
	v57 =	vsel vm3, $0xFFFFFFFF, v24;
	s21 =	spop (v2sf)  }
0x110: {  	v1 =	vsel vm9, v3, v44;
	v3 =	vsel vm2, $0xFFFFFFFF, v24;
	v60 =	vadd.s32 v57, v60;
	s18 =	sadd.s32 s18, s21  }
0x111: {  	(v2sf) =	vpush v56, $0xF;
	s17 =	sadd.s32 s17, s20;
	v3 =	vadd.s32 v3, v55;
	v55 =	vadd.s32 s18, v60  }
0x112: {  	(v2sf) =	vpush v63, $0xF;
	v3 =	vadd.s32 s17, v3;
	v57 =	vadd.s32 v49, v55  }
0x113: {  	v4 =	vsel vm7, $0xFFFFFFFF, v24;
	v60 =	vadd.s32 v50, v3  }
0x114: {  	v51 =	vpsel p2, v51, v53;
	v4 =	vadd.s32 v4, v56  }
0x115: {  	vm4 =	vlt.s32 v0, $0x180;
	v55 =	vsel vm3, v55, v60;
	v3 =	vsel vm2, v3, v57;
	s22 =	spop (v2sf);
	v57, _, _ =	vpop (xrf0)  }
0x116: {  	vm2 =	vlt.u32 v59, $0x51;
	v59 =	vsel vm6, $0xFFFFFFFF, v24;
	s23 =	spop (v2sf);
	v60, _, _ =	vpop (xrf0);
	(v2sf) =	vpush v57, $0xF  }
0x117: {  	vm4 =	vmand vm14, vm4;
	v59 =	vadd.s32 v59, v63;
	s18 =	sadd.s32 s18, s23;
	(v2sf) =	vpush v60, $0xF  }
0x118: {  	vm14 =	vlt.u32 v62, $0x51;
	vm13 =	vlt.s32 v55, $0x180;
	s17 =	sadd.s32 s17, s22;
	v56 =	vadd.s32 s18, v59;
	v59 =	vld [tilespmem:$0x170]  }
0x119: {  	vm3 =	vlt.s32 v3, $0x80;
	v4 =	vadd.s32 s17, v4;
	v63 =	vadd.s32 v49, v56  }
0x11a: {  	v55 =	vadd.s32 $0x80, v55;
	vm3 =	vmand vm2, vm3;
	v63 =	vsel vm7, v4, v63  }
0x11b: {  	vm2 =	vmand vm2, vm13;
	v3 =	vsel vm3, v3, v45;
	vm3 =	vlt.s32 v63, $0x80  }
0x11c: {  	v55 =	vsel vm2, v55, v45;
	v4 =	vadd.s32 v50, v4;
	vm2 =	vmand vm14, vm3  }
0x11d: {  	v4 =	vsel vm6, v56, v4;
	v56 =	vsel vm2, v63, v46;
	vm2 =	vlt.u32 v59, $0x50  }
0x11e: {  	v0 =	vadd.s32 $0x80, v0;
	vm3 =	veq.s32 v59, $0x50;
	v62 =	vsel vm2, $0x1, v24  }
0x11f: {  	v52 =	vpsel p2, v52, v58;
	v0 =	vsel vm4, v0, v44;
	(xrf0) =	vadd.scan.msk.s32 $0xffff, v62;
	v62 =	vsel vm3, $0x1, v24  }
0x120: {  	v2 =	vpsel p2, v54, v2;
	v0 =	vpsel p2, v1, v0;
	v55 =	vpsel p2, v3, v55;
	s24 =	spop (v2sf);
	(xrf0) =	vadd.scan.msk.s32 $0xffff, v62  }
0x121: {  	[tilespmem:$0x400] =	vst v16;
	vm6 =	vlt.s32 v4, $0x180;
	v4 =	vadd.s32 $0x80, v4;
	v63 =	vsel vm1, $0xFFFFFFFF, v24;
	s25 =	spop (v2sf)  }
0x122: {  	[tilespmem:$0x410] =	vst v17;
	vm4 =	vmand vm14, vm6;
	v53 =	vadd.s32 v63, v60;
	v60 =	vsel vm15, $0xFFFFFFFF, v24;
	s18 =	sadd.s32 s18, s25  }
0x123: {  	[tilespmem:$0x420] =	vst v18;
	s17 =	sadd.s32 s17, s24;
	v54 =	vsel vm4, v4, v46;
	v57 =	vadd.s32 v60, v57;
	v53 =	vadd.s32 s18, v53  }
0x124: {  	[tilespmem:$0x590] =	vst v52;
	v58 =	vsel vm3, $0xFFFFFFFF, v24;
	v62 =	vadd.s32 s17, v57;
	v63 =	vadd.s32 v49, v53  }
0x125: {  	[tilespmem:$0x5A0] =	vst v2;
	v2 =	vpsel p2, v56, v54;
	v3 =	vadd.s32 v50, v62;
	v52 =	vsel vm15, v62, v63;
	v4, _, _ =	vpop (xrf0);
	s26 =	spop (v2sf)  }
0x126: {  	[tilespmem:$0x430] =	vst v19;
	vm15 =	vlt.u32 v61, $0x51;
	v3 =	vsel vm1, v53, v3;
	v61 =	vsel vm2, $0xFFFFFFFF, v24;
	v60, _, _ =	vpop (xrf0);
	s28 =	spop (v2sf)  }
0x127: {  	[tilespmem:$0x440] =	vst v20;
	vm5 =	vlt.s32 v52, $0x80;
	vm1 =	vlt.s32 v3, $0x180;
	v1 =	vadd.s32 v58, v60;
	s18 =	sadd.s32 s18, s28  }
0x128: {  	[tilespmem:$0x450] =	vst v21;
	v3 =	vadd.s32 $0x80, v3;
	v4 =	vadd.s32 v61, v4;
	s17 =	sadd.s32 s17, s26;
	v1 =	vadd.s32 s18, v1  }
0x129: {  	[tilespmem:$0x460] =	vst v22;
	vm5 =	vmand vm15, vm5;
	v4 =	vadd.s32 s17, v4;
	v49 =	vadd.s32 v49, v1  }
0x12a: {  	[tilespmem:$0x470] =	vst v23;
	vm1 =	vmand vm15, vm1;
	v49 =	vsel vm2, v4, v49;
	v4 =	vadd.s32 v50, v4  }
0x12b: {  	[tilespmem:$0x580] =	vst v51;
	vm2 =	vlt.u32 v59, $0x51;
	v1 =	vsel vm3, v1, v4;
	vm3 =	vlt.s32 v49, $0x80  }
0x12c: {  	[tilespmem:$0x5B0] =	vst v0;
	v62 =	vsel vm1, v3, v47;
	vm1 =	vmand vm2, vm3;
	vm3 =	vlt.s32 v1, $0x180  }
0x12d: {  	[tilespmem:$0x5C0] =	vst v55;
	v57 =	vsel vm5, v52, v47;
	v1 =	vadd.s32 $0x80, v1;
	vm2 =	vmand vm2, vm3  }
0x12e: {  	[tilespmem:$0x5D0] =	vst v2;
	v0 =	vpsel p2, v57, v62;
	v63 =	vsel vm1, v49, v48;
	v1 =	vsel vm2, v1, v48  }
0x12f: {  	[tilespmem:$0x5E0] =	vst v0;
	v0 =	vpsel p2, v63, v1  }
0x130: {  	s29 =	rddreg [dreg:$0x12];
	[tilespmem:$0x5F0] =	vst v0  }
0x131: {  	[spmem:s5] =	stream.indirect.scatter [tilespmem:s29], [sflag:$0x2], $0x1, s15, s12, $0xb8;
	[tilespmem:$0x828] =	vst v63  }
0x132: {  	s30 =	rddreg [dreg:$0x13]  }
0x133: {  	[spmem:s6] =	stream.indirect.scatter [tilespmem:s30], [sflag:$0x2], $0x1, s15, s12, $0xb8;
	[tilespmem:$0x828] =	vst v63  }
0x134: {  	s31 =	rddreg [dreg:$0x14]  }
0x135: {  	[spmem:s7] =	stream.indirect.scatter [tilespmem:s31], [sflag:$0x2], $0x1, s15, s12, $0xb8;
	[tilespmem:$0x828] =	vst v63  }
0x136: {  	_ =	swait.ge [sflag:s16], $0x80  }
0x137: {  	[sflag:s16] =	ssyncset.done $0x0  }
0x138: {  	[sflag:s16] =	ssyncadd.s32 $0xFFFFFF80  }
0x139: {  	_ =	swait.ge [sflag:s16], $0x80  }
0x13a: {  	[sflag:s16] =	ssyncset.done $0x0  }
0x13b: {  	[sflag:s16] =	ssyncadd.s32 $0xFFFFFF80  }
0x13c: {  	_ =	swait.ge [sflag:s16], $0x80  }
0x13d: {  	[sflag:s16] =	ssyncset.done $0x0  }
0x13e: {  	[sflag:s16] =	ssyncadd.s32 $0xFFFFFF80  }
0x13f: {  	_ =	swait.ge [sflag:s16], $0x80  }
0x140: {  	[sflag:s16] =	ssyncset.done $0x0  }
0x141: {  	[sflag:s16] =	ssyncadd.s32 $0xFFFFFF80  }
0x142: {  	_ =	swait.ge [sflag:s16], $0x80  }
0x143: {  	[sflag:s16] =	ssyncset.done $0x0  }
0x144: {  	[sflag:s16] =	ssyncadd.s32 $0xFFFFFF80  }
0x145: {  	_ =	swait.ge [sflag:s16], $0x80  }
0x146: {  	[sflag:s16] =	ssyncset.done $0x0  }
0x147: {  	[sflag:s16] =	ssyncadd.s32 $0xFFFFFF80  }
0x148: {  	_ =	swait.ge [sflag:s16], $0x80  }
0x149: {  	[sflag:s16] =	ssyncset.done $0x0  }
0x14a: {  	[sflag:s16] =	ssyncadd.s32 $0xFFFFFF80  }
0x14b: {  	_ =	swait.ge [sflag:s16], $0x80  }
0x14c: {  	[sflag:s16] =	ssyncset.done $0x0  }
0x14d: {  	[sflag:s16] =	ssyncadd.s32 $0xFFFFFF80  }
0x14e: {  	_ =	swait.ge [sflag:s16], $0x80  }
0x14f: {  	[sflag:s16] =	ssyncset.done $0x0  }
0x150: {  	s17 =	sshll.u32 @!p1 s4, $0x6;
	[sflag:s16] =	ssyncadd.s32 $0xFFFFFF80  }
0x151: {  	s17 =	sor.u32 @!p1 $0x1C01, s17;
	s18 =	sshrl.u32 @!p1 s5, $0x3;
	[bflag:$0x0] =	sbarrier.arrive $0xFFFF  }
0x152: {  	[hbm:s0], [sflag:s17] =	dma.local @!p1 [spmem:s18], $0x10  }
0x153: {  	s18 =	sshrl.u32 @!p1 s6, $0x3  }
0x154: {  	[hbm:s2], [sflag:s17] =	dma.local @!p1 [spmem:s18], $0x10  }
0x155: {  	s18 =	sshrl.u32 @!p1 s7, $0x3  }
0x156: {  	[hbm:s3], [sflag:s17] =	dma.local @!p1 [spmem:s18], $0x10  }
0x157: {  	s17 =	simm.s32 @!p1 $0x1  }
0x158: {  	_ =	swait.ge @!p1 [sflag:s17], $0x10  }
0x159: {  	[sflag:s17] =	ssyncset.done @!p1 $0x0  }
0x15a: {  	[sflag:s17] =	ssyncadd.s32 @!p1 $0xFFFFFFF0  }
0x15b: {  	_ =	swait.ge @!p1 [sflag:s17], $0x10  }
0x15c: {  	[sflag:s17] =	ssyncset.done @!p1 $0x0  }
0x15d: {  	[sflag:s17] =	ssyncadd.s32 @!p1 $0xFFFFFFF0  }
0x15e: {  	_ =	swait.ge @!p1 [sflag:s17], $0x10  }
0x15f: {  	s18 =	rddreg [dreg:$0xb];
	[sflag:s17] =	ssyncset.done @!p1 $0x0  }
0x160: {  	s19 =	rddreg [dreg:$0x15];
	[sflag:s17] =	ssyncadd.s32 @!p1 $0xFFFFFFF0;
	s17 =	simm.s32 @p0 $0x1C01  }
0x161: {  	[hbm:s18], [sflag:s17] =	dma.local @p0 [spmem:s19], $0x30  }
0x162: {  	s18 =	rddreg [dreg:$0xc]  }
0x163: {  	s19 =	rddreg [dreg:$0x16]  }
0x164: {  	[hbm:s18], [sflag:s17] =	dma.local @p0 [spmem:s19], $0x30  }
0x165: {  	s18 =	rddreg [dreg:$0xd]  }
0x166: {  	s19 =	rddreg [dreg:$0x17]  }
0x167: {  	[hbm:s18], [sflag:s17] =	dma.local @p0 [spmem:s19], $0x30  }
0x168: {  	s17 =	simm.s32 @p0 $0x1  }
0x169: {  	_ =	swait.ge @p0 [sflag:s17], $0x30  }
0x16a: {  	[sflag:s17] =	ssyncset.done @p0 $0x0  }
0x16b: {  	s9 =	sadd.s32 $0xFFFFFFFF, s9;
	[sflag:s17] =	ssyncadd.s32 @p0 $0xFFFFFFD0  }
0x16c: {  	p3 =	sne.s32 s9, $0x0;
	_ =	swait.ge @p0 [sflag:s17], $0x30  }
.Ltmp0:
0x16d: {  	[sflag:s17] =	ssyncset.done @p0 $0x0;
	(pc) =	sbr.rel @p3 .LBB2_1-.Ltmp0, $4  }
0x16e: {  	[sflag:s17] =	ssyncadd.s32 @p0 $0xFFFFFFD0  }
0x16f: {  	_ =	swait.ge @p0 [sflag:s17], $0x30  }
0x170: {  	[sflag:s17] =	ssyncset.done @p0 $0x0  }
0x171: {  	[sflag:s17] =	ssyncadd.s32 @p0 $0xFFFFFFD0  }
0x172: {  	_ =	sfence.sel $0x180000  }
0x173: {  	[bflag:$0x0] =	sbarrier.arrive $0xFFFF  }
0x174: {  	p0 =	sne.s32 s4, $0x0;
	_ =	strace $0x90000047  }
0x175: {  	s0 =	sadd.s32 @!p0 $0x100000, s1;
	[bflag:$0x2] =	sbarrier.arrive $0xFFFF  }
0x176: {  	[sflag:s0] =	ssyncadd.tile.s32 @!p0 $0x1;
	_ =	shalt  }
.Lfunc_end2:
_tile_overlayer_lowered:
.L_overlay_start_2:
0x177: {  	(tag) =	ssettag $0x2  }
0x178: {  	s0 =	rddreg [dreg:$0x0];
	s2 =	stileid.u32  }
0x179: {  	s1 =	rddreg [dreg:$0x1];
	p0 =	sne.s32 s2, $0x0  }
0x17a: {  	s3 =	rddreg [dreg:$0x2];
	[bflag:$0x3] =	sbarrier.arrive $0xFFFF;
	s2 =	simm.s32 @!p0 $0x1C03  }
0x17b: {  	[timem:s3], [sflag:s2] =	dma.local @!p0 [hbm:s0], s1  }
0x17c: {  	s0 =	simm.s32 @!p0 $0x3  }
0x17d: {  	_ =	swait.ge @!p0 [sflag:s0], s1  }
0x17e: {  	s1 =	ssub.s32 @!p0 $0x0, s1;
	[sflag:s0] =	ssyncset.done @!p0 $0x0  }
0x17f: {  	[sflag:s0] =	ssyncadd.s32 @!p0 s1  }
0x180: {  	[bflag:$0x3] =	sbarrier.arrive $0xFFFF  }
0x181: {  	_ =	shalt  }

</sc_bundles>
